<compile_context>
chip_gen: v7x
topology: tpu7x:2x2x1
jax: 0.10.2.dev20260603
libtpu: 0.0.44.dev20260713+nightly
codegen_flags: <defaults>
</compile_context>

<pallas_src>
import functools

import jax
import jax.numpy as jnp
from jax import lax
from jax.experimental import pallas as pl
from jax.experimental.pallas import tpu as pltpu
from jax.experimental.pallas import tpu_sc as plsc

H = 16
SC_CORES = 2
SC_SUBCORES = 16
SC_WORKERS = SC_CORES * SC_SUBCORES


def _proj_kernel(x_ref, wdq_ref, wuq_ref, wuq_r_ref, wdkv_ref, wuk_ref,
                 wuk_r_ref, wuv_ref, cos_ref, sin_ref,
                 q_ref, k_ref, v_ref):
    x = x_ref[...]
    cos = cos_ref[...]
    sin = sin_ref[...]
    q_lat = jnp.dot(x, wdq_ref[...], preferred_element_type=jnp.float32)
    qa = jnp.dot(q_lat, wuq_ref[...], preferred_element_type=jnp.float32)
    qb = jnp.dot(q_lat, wuq_r_ref[...], preferred_element_type=jnp.float32)
    q_ref[...] = (qa * cos + qb * sin) * 0.125
    kv = jnp.dot(x, wdkv_ref[...], preferred_element_type=jnp.float32)
    ka = jnp.dot(kv, wuk_ref[...], preferred_element_type=jnp.float32)
    kb = jnp.dot(kv, wuk_r_ref[...], preferred_element_type=jnp.float32)
    k_ref[...] = ka * cos + kb * sin
    v_ref[...] = jnp.dot(kv, wuv_ref[...], preferred_element_type=jnp.float32)


def _attn_kernel(q_ref, k_ref, v_ref, o_ref, *, tq, tk, hd, nheads):
    iq = pl.program_id(0)
    dmask = (jax.lax.broadcasted_iota(jnp.int32, (tq, tk), 1)
             <= jax.lax.broadcasted_iota(jnp.int32, (tq, tk), 0))
    col_slices = [slice(h * hd, (h + 1) * hd) for h in range(nheads)]
    qs = [q_ref[:, c] for c in col_slices]

    def tile_update(kb, vb, ms, ls, accs, mask):
        new_ms, new_ls, new_accs = [], [], []
        for h in range(nheads):
            c = col_slices[h]
            s = jax.lax.dot_general(qs[h], kb[:, c], (((1,), (1,)), ((), ())),
                                    preferred_element_type=jnp.float32)
            if mask is not None:
                s = jnp.where(mask, s, -1e30)
            m_new = jnp.maximum(ms[h], jnp.max(s, axis=1, keepdims=True))
            p = jnp.exp(s - m_new)
            corr = jnp.exp(ms[h] - m_new)
            new_ms.append(m_new)
            new_ls.append(ls[h] * corr + jnp.sum(p, axis=1, keepdims=True))
            new_accs.append(accs[h] * corr
                            + jnp.dot(p, vb[:, c],
                                      preferred_element_type=jnp.float32))
        return tuple(new_ms), tuple(new_ls), tuple(new_accs)

    def body(j, carry):
        ms, ls, accs = carry
        kb = k_ref[pl.ds(j * tk, tk), :]
        vb = v_ref[pl.ds(j * tk, tk), :]
        return tile_update(kb, vb, ms, ls, accs, None)

    m0 = tuple(jnp.full((tq, 1), -1e30, jnp.float32) for _ in range(nheads))
    l0 = tuple(jnp.zeros((tq, 1), jnp.float32) for _ in range(nheads))
    a0 = tuple(jnp.zeros((tq, hd), jnp.float32) for _ in range(nheads))
    ms, ls, accs = jax.lax.fori_loop(0, iq, body, (m0, l0, a0))
    kb = k_ref[pl.ds(iq * tk, tk), :]
    vb = v_ref[pl.ds(iq * tk, tk), :]
    ms, ls, accs = tile_update(kb, vb, ms, ls, accs, dmask)
    o_ref[...] = jnp.concatenate(
        [accs[h] / ls[h] for h in range(nheads)], axis=1)


def _wo_router_kernel(ctx_ref, wo_ref, rw_ref, t_ref, topi_ref, topv_ref):
    ctx = ctx_ref[...]
    t = jnp.dot(ctx, wo_ref[...], preferred_element_type=jnp.float32)
    t_ref[...] = t
    logits = jnp.dot(t, rw_ref[...], preferred_element_type=jnp.float32)
    probs = jax.nn.softmax(logits, axis=-1)
    ncols = probs.shape[1]
    iota = jax.lax.broadcasted_iota(jnp.int32, probs.shape, 1)
    v1 = jnp.max(probs, axis=1, keepdims=True)
    i1 = jnp.min(jnp.where(probs == v1, iota, ncols), axis=1, keepdims=True)
    m1 = iota == i1
    p2 = jnp.where(m1, -jnp.inf, probs)
    v2 = jnp.max(p2, axis=1, keepdims=True)
    i2 = jnp.min(jnp.where(p2 == v2, iota, ncols), axis=1, keepdims=True)
    denom = v1 + v2
    topi_ref[...] = jnp.concatenate([i1, i2], axis=1)
    topv_ref[...] = jnp.concatenate([v1 / denom, v2 / denom], axis=1)


def _ffn(t16, w1_ref, w2_ref):
    h = jax.nn.silu(jnp.dot(t16, w1_ref[...].astype(jnp.bfloat16),
                            preferred_element_type=jnp.float32))
    return jnp.dot(h.astype(jnp.bfloat16), w2_ref[...].astype(jnp.bfloat16),
                   preferred_element_type=jnp.float32)


def _shared_kernel(t_ref, sw1_ref, sw2_ref, base_ref):
    t = t_ref[...]
    t16 = t.astype(jnp.bfloat16)
    base_ref[...] = (t + _ffn(t16, sw1_ref.at[0], sw2_ref.at[0])
                     + _ffn(t16, sw1_ref.at[1], sw2_ref.at[1]))


def _cumsum0(x):
    n = x.shape[0]
    k = 1
    while k < n:
        shifted = jnp.concatenate([jnp.zeros((k, x.shape[1]), x.dtype),
                                   x[:-k]], axis=0)
        x = x + shifted
        k *= 2
    return x


def _dispatch_kernel(topi_ref, p01_ref, eid_ref, *, nr, tr, ntiles):
    ti = topi_ref[...]
    S = ti.shape[0]
    e0 = ti[:, 0:1]
    e1 = ti[:, 1:2]
    io8 = jax.lax.broadcasted_iota(jnp.int32, (S, nr), 1)
    oh0 = (io8 == e0).astype(jnp.int32)
    oh1 = (io8 == e1).astype(jnp.int32)
    c0 = _cumsum0(oh0) - oh0
    c1 = _cumsum0(oh1) - oh1
    counts = jnp.sum(oh0 + oh1, axis=0, keepdims=True)
    pad_counts = ((counts + tr - 1) // tr) * tr
    tri = (jax.lax.broadcasted_iota(jnp.int32, (nr, nr), 0)
           < jax.lax.broadcasted_iota(jnp.int32, (nr, nr), 1)).astype(jnp.float32)
    pad_off = jnp.dot(pad_counts.astype(jnp.float32), tri,
                      preferred_element_type=jnp.float32).astype(jnp.int32)
    pad_end = pad_off + pad_counts
    rank0 = c0 + c1
    rank1 = rank0 + oh0
    pos0 = pad_off + rank0
    pos1 = pad_off + rank1
    p0 = jnp.sum(jnp.where(io8 == e0, pos0, 0), axis=1, keepdims=True)
    p1 = jnp.sum(jnp.where(io8 == e1, pos1, 0), axis=1, keepdims=True)
    p01_ref[...] = jnp.concatenate([p0, p1], axis=1)
    ts = jax.lax.broadcasted_iota(jnp.int32, (ntiles, nr), 0) * tr
    eid = jnp.sum((ts >= pad_end).astype(jnp.int32), axis=1, keepdims=True)
    eid_ref[...] = jnp.minimum(eid, nr - 1)


def _gmm_kernel(eid_ref, g_ref, w1_ref, w2_ref, y_ref):
    del eid_ref
    g16 = g_ref[...].astype(jnp.bfloat16)
    y_ref[...] = _ffn(g16, w1_ref.at[0], w2_ref.at[0])


def _make_sc_scatter(T, D, cap):
    nb = T // SC_WORKERS
    mesh = plsc.VectorSubcoreMesh(core_axis_name="c", subcore_axis_name="s",
                                  num_cores=SC_CORES, num_subcores=SC_SUBCORES)

    @functools.partial(
        pl.kernel, mesh=mesh,
        out_type=jax.ShapeDtypeStruct((cap, D), jnp.float32),
        scratch_types=[
            pltpu.VMEM((nb,), jnp.int32),
            pltpu.VMEM((nb,), jnp.int32),
            pltpu.VMEM((nb, D), jnp.float32),
            pltpu.SemaphoreType.DMA,
            pltpu.SemaphoreType.DMA,
        ],
    )
    def scatter(t_hbm, p0_hbm, p1_hbm, g_hbm, p0_v, p1_v, rows_v, sem0, sem1):
        wid = lax.axis_index("s") * SC_CORES + lax.axis_index("c")
        base = wid * nb
        pltpu.sync_copy(p0_hbm.at[pl.ds(base, nb)], p0_v)
        pltpu.sync_copy(p1_hbm.at[pl.ds(base, nb)], p1_v)
        pltpu.sync_copy(t_hbm.at[pl.ds(base, nb)], rows_v)
        a = pltpu.async_copy(rows_v, g_hbm.at[p0_v], sem0)
        b = pltpu.async_copy(rows_v, g_hbm.at[p1_v], sem1)
        a.wait()
        b.wait()

    return scatter


def _make_sc_gather2(T, D, cap, chunk):
    nb = T // SC_WORKERS
    nchunks = nb // chunk
    mesh = plsc.VectorSubcoreMesh(core_axis_name="c", subcore_axis_name="s",
                                  num_cores=SC_CORES, num_subcores=SC_SUBCORES)

    @functools.partial(
        pl.kernel, mesh=mesh,
        out_type=[jax.ShapeDtypeStruct((T, D), jnp.float32),
                  jax.ShapeDtypeStruct((T, D), jnp.float32)],
        scratch_types=[
            pltpu.VMEM((chunk,), jnp.int32),
            pltpu.VMEM((chunk,), jnp.int32),
            pltpu.VMEM((chunk, D), jnp.float32),
            pltpu.VMEM((chunk, D), jnp.float32),
            pltpu.SemaphoreType.DMA,
            pltpu.SemaphoreType.DMA,
        ],
    )
    def gather2(y_hbm, p0_hbm, p1_hbm, y0_hbm, y1_hbm,
                p0_v, p1_v, y0_v, y1_v, sem0, sem1):
        wid = lax.axis_index("s") * SC_CORES + lax.axis_index("c")
        base = wid * nb

        def body(ci, carry):
            off = base + ci * chunk
            pltpu.sync_copy(p0_hbm.at[pl.ds(off, chunk)], p0_v)
            pltpu.sync_copy(p1_hbm.at[pl.ds(off, chunk)], p1_v)
            a = pltpu.async_copy(y_hbm.at[p0_v], y0_v, sem0)
            b = pltpu.async_copy(y_hbm.at[p1_v], y1_v, sem1)
            a.wait()
            b.wait()
            pltpu.sync_copy(y0_v, y0_hbm.at[pl.ds(off, chunk)])
            pltpu.sync_copy(y1_v, y1_hbm.at[pl.ds(off, chunk)])
            return carry

        lax.fori_loop(0, nchunks, body, 0)

    return gather2


def _combine_kernel(base_ref, y0_ref, y1_ref, g0_ref, g1_ref, o_ref):
    o_ref[...] = (base_ref[...]
                  + g0_ref[...] * y0_ref[...]
                  + g1_ref[...] * y1_ref[...])


def _rope_tables(S, D, hd):
    half = hd // 2
    freqs = 1.0 / (10000.0 ** (jnp.arange(half, dtype=jnp.float32) / half))
    ang = jnp.arange(S, dtype=jnp.float32)[:, None] * freqs[None, :]
    cos = jnp.concatenate([jnp.cos(ang), jnp.cos(ang)], axis=1)
    sin = jnp.concatenate([jnp.sin(ang), jnp.sin(ang)], axis=1)
    reps = D // hd
    return jnp.tile(cos, (1, reps)), jnp.tile(sin, (1, reps))


def _rot_weight(w, hd):
    n, D = w.shape
    half = hd // 2
    w3 = w.reshape(n, D // hd, hd)
    return jnp.concatenate([-w3[..., half:], w3[..., :half]], axis=-1).reshape(n, D)


def kernel(x, Wdq, Wuq, Wdkv, Wuk, Wuv, Wo, router_w, shared_w1, shared_w2,
           routed_w1, routed_w2):
    B, S, D = x.shape
    hd = D // H
    n_lat = Wdq.shape[1]
    N_r = router_w.shape[1]
    dh = shared_w1.shape[2]
    TQ = 256
    nt = S // TQ

    x2 = x.reshape(S, D)
    cos, sin = _rope_tables(S, D, hd)
    Wuq_r = _rot_weight(Wuq, hd)
    Wuk_r = _rot_weight(Wuk, hd)

    full = lambda shape: pl.BlockSpec(shape, lambda i: (0,) * len(shape))
    row_tile = pl.BlockSpec((TQ, D), lambda i: (i, 0))
    q, k, v = pl.pallas_call(
        _proj_kernel,
        grid=(nt,),
        in_specs=[
            row_tile,
            full((D, n_lat)), full((n_lat, D)), full((n_lat, D)),
            full((D, n_lat)), full((n_lat, D)), full((n_lat, D)),
            full((n_lat, D)),
            row_tile, row_tile,
        ],
        out_specs=[row_tile, row_tile, row_tile],
        out_shape=[jax.ShapeDtypeStruct((S, D), jnp.float32)] * 3,
        compiler_params=pltpu.CompilerParams(
            dimension_semantics=("arbitrary",)),
    )(x2, Wdq, Wuq, Wuq_r, Wdkv, Wuk, Wuk_r, Wuv, cos, sin)

    ctx2 = pl.pallas_call(
        functools.partial(_attn_kernel, tq=TQ, tk=TQ, hd=hd, nheads=H),
        grid=(nt,),
        in_specs=[row_tile, full((S, D)), full((S, D))],
        out_specs=row_tile,
        out_shape=jax.ShapeDtypeStruct((S, D), jnp.float32),
        compiler_params=pltpu.CompilerParams(
            dimension_semantics=("arbitrary",)),
    )(q, k, v)

    t_out, topi, topv = pl.pallas_call(
        _wo_router_kernel,
        grid=(nt,),
        in_specs=[row_tile, full((D, D)), full((D, N_r))],
        out_specs=[row_tile,
                   pl.BlockSpec((TQ, 2), lambda i: (i, 0)),
                   pl.BlockSpec((TQ, 2), lambda i: (i, 0))],
        out_shape=[
            jax.ShapeDtypeStruct((S, D), jnp.float32),
            jax.ShapeDtypeStruct((S, 2), jnp.int32),
            jax.ShapeDtypeStruct((S, 2), jnp.float32),
        ],
        compiler_params=pltpu.CompilerParams(
            dimension_semantics=("arbitrary",)),
    )(ctx2, Wo, router_w)

    TR = 256
    CAP = 2 * S + N_r * TR
    ntiles = CAP // TR
    p01, eid2 = pl.pallas_call(
        functools.partial(_dispatch_kernel, nr=N_r, tr=TR, ntiles=ntiles),
        grid=(1,),
        in_specs=[pl.BlockSpec((S, 2), lambda i: (0, 0))],
        out_specs=[pl.BlockSpec((S, 2), lambda i: (0, 0)),
                   pl.BlockSpec((ntiles, 1), lambda i: (0, 0))],
        out_shape=[jax.ShapeDtypeStruct((S, 2), jnp.int32),
                   jax.ShapeDtypeStruct((ntiles, 1), jnp.int32)],
    )(topi)
    p0 = p01[:, 0]
    p1 = p01[:, 1]
    tile_eid = eid2.reshape(ntiles)

    g_rows = _make_sc_scatter(S, D, CAP)(t_out, p0, p1)

    base = pl.pallas_call(
        _shared_kernel,
        grid=(nt,),
        in_specs=[row_tile, full(shared_w1.shape), full(shared_w2.shape)],
        out_specs=row_tile,
        out_shape=jax.ShapeDtypeStruct((S, D), jnp.float32),
        compiler_params=pltpu.CompilerParams(
            dimension_semantics=("arbitrary",)),
    )(t_out, shared_w1, shared_w2)

    y_rows = pl.pallas_call(
        _gmm_kernel,
        grid_spec=pltpu.PrefetchScalarGridSpec(
            num_scalar_prefetch=1,
            grid=(ntiles,),
            in_specs=[
                pl.BlockSpec((TR, D), lambda i, eid: (i, 0)),
                pl.BlockSpec((1, D, dh), lambda i, eid: (eid[i], 0, 0)),
                pl.BlockSpec((1, dh, D), lambda i, eid: (eid[i], 0, 0)),
            ],
            out_specs=pl.BlockSpec((TR, D), lambda i, eid: (i, 0)),
        ),
        out_shape=jax.ShapeDtypeStruct((CAP, D), jnp.float32),
        compiler_params=pltpu.CompilerParams(
            dimension_semantics=("arbitrary",)),
    )(tile_eid, g_rows, routed_w1, routed_w2)

    y0, y1 = _make_sc_gather2(S, D, CAP, 32)(y_rows, p0, p1)

    g0 = topv[:, 0:1]
    g1 = topv[:, 1:2]
    col_tile = pl.BlockSpec((TQ, 1), lambda i: (i, 0))
    out = pl.pallas_call(
        _combine_kernel,
        grid=(nt,),
        in_specs=[row_tile, row_tile, row_tile, col_tile, col_tile],
        out_specs=row_tile,
        out_shape=jax.ShapeDtypeStruct((S, D), jnp.float32),
        compiler_params=pltpu.CompilerParams(
            dimension_semantics=("arbitrary",)),
    )(base, y0, y1, g0, g1)

    return out.reshape(B, S, D)

# --- scband reference (transcript-rebuilt; emitter-appended) ---
"""Pipeline reference for scband-mlaw-ro-pewith-mo-e-69432441307200 (READ-ONLY COPY).

The authoritative reference and input builder live on the scoring server;
editing this copy changes nothing except your own understanding.
"""

import jax, jax.numpy as jnp
import numpy as np

H = 16
TOP_K = 2


def _rope(t):
    # t: [B, H, S, hd]
    B, Hh, S, hd = t.shape
    half = hd // 2
    freqs = 1.0 / (10000.0 ** (jnp.arange(half, dtype=jnp.float32) / half))
    ang = jnp.arange(S, dtype=jnp.float32)[:, None] * freqs[None, :]
    cos = jnp.cos(ang)[None, None, :, :]
    sin = jnp.sin(ang)[None, None, :, :]
    t1, t2 = t[..., :half], t[..., half:]
    return jnp.concatenate([t1 * cos - t2 * sin, t1 * sin + t2 * cos], axis=-1)


def setup_inputs(seed: int = 0):
    key = jax.random.key(seed)
    B, S, D = 1, 2048, 1024
    n_lat, N_s, N_r, dh = 256, 2, 8, 1024
    ks = jax.random.split(key, 16)
    def w(k, shape):
        return jax.random.normal(k, shape, dtype=jnp.float32) * 0.02
    return {
        "x": jax.random.normal(ks[0], (B, S, D), dtype=jnp.float32),
        "Wdq": w(ks[1], (D, n_lat)),
        "Wuq": w(ks[2], (n_lat, D)),
        "Wdkv": w(ks[3], (D, n_lat)),
        "Wuk": w(ks[4], (n_lat, D)),
        "Wuv": w(ks[5], (n_lat, D)),
        "Wo": w(ks[6], (D, D)),
        "router_w": w(ks[7], (D, N_r)),
        "shared_w1": w(ks[8], (N_s, D, dh)),
        "shared_w2": w(ks[9], (N_s, dh, D)),
        "routed_w1": w(ks[10], (N_r, D, dh)),
        "routed_w2": w(ks[11], (N_r, dh, D)),
    }


def _forward(x, Wdq, Wuq, Wdkv, Wuk, Wuv, Wo, router_w, shared_w1, shared_w2, routed_w1, routed_w2):
    B, S, D = x.shape
    hd = D // H
    # ---- Multi-Head Latent Attention with RoPE ----
    q = (x @ Wdq) @ Wuq                      # down-project then up-project queries
    kv_lat = x @ Wdkv                        # shared compressed KV latent
    k = kv_lat @ Wuk
    v = kv_lat @ Wuv
    def split(t):
        return t.reshape(B, S, H, hd).transpose(0, 2, 1, 3)
    q, k, v = split(q), split(k), split(v)
    q = _rope(q)
    k = _rope(k)
    scores = jnp.einsum('bhqd,bhkd->bhqk', q, k) / jnp.sqrt(float(hd))
    mask = jnp.tril(jnp.ones((S, S), dtype=bool))
    scores = jnp.where(mask[None, None, :, :], scores, jnp.float32(-1e9))
    attn = jax.nn.softmax(scores, axis=-1)
    ctx = jnp.einsum('bhqk,bhkd->bhqd', attn, v)
    ctx = ctx.transpose(0, 2, 1, 3).reshape(B, S, D)
    mla_out = ctx @ Wo
    # ---- DeepSeek MoE: shared experts + top-k routed experts ----
    t = mla_out.reshape(B * S, D)
    sh = jnp.einsum('td,edh->eth', t, shared_w1)
    sh = jax.nn.silu(sh)
    sh = jnp.einsum('eth,ehd->etd', sh, shared_w2).sum(axis=0)
    logits = t @ router_w
    probs = jax.nn.softmax(logits, axis=-1)
    topv, topi = jax.lax.top_k(probs, TOP_K)
    topv = topv / topv.sum(axis=-1, keepdims=True)
    T = t.shape[0]
    N_r = router_w.shape[1]
    gates = jnp.zeros((T, N_r), dtype=t.dtype).at[jnp.arange(T)[:, None], topi].set(topv)
    ro = jnp.einsum('td,edh->eth', t, routed_w1)
    ro = jax.nn.silu(ro)
    ro = jnp.einsum('eth,ehd->etd', ro, routed_w2)
    ro = jnp.einsum('te,etd->td', gates, ro)
    out = t + sh + ro
    return out.reshape(B, S, D)


def reference(x, Wdq, Wuq, Wdkv, Wuk, Wuv, Wo, router_w, shared_w1, shared_w2, routed_w1, routed_w2):
    return _forward(x=x, Wdq=Wdq, Wuq=Wuq, Wdkv=Wdkv, Wuk=Wuk, Wuv=Wuv, Wo=Wo,
                    router_w=router_w, shared_w1=shared_w1, shared_w2=shared_w2,
                    routed_w1=routed_w1, routed_w2=routed_w2)

if __name__ == "__main__":
    import jax
    _d = setup_inputs()
    print(jax.jit(kernel)(*tuple(_d.values())))

</pallas_src>

<mosaic_0001>
#map = affine_map<(d0, d1) -> (0, 0)>
#map1 = affine_map<(d0, d1) -> (0)>
module attributes {stable_mosaic.version = 14 : i64} {
  func.func @gather2(%arg0: i32, %arg1: i32, %arg2: memref<6144x1024xf32, #tpu.memory_space<hbm>>, %arg3: memref<2048xi32, #tpu.memory_space<hbm>>, %arg4: memref<2048xi32, #tpu.memory_space<hbm>>, %arg5: memref<2048x1024xf32, #tpu.memory_space<hbm>>, %arg6: memref<2048x1024xf32, #tpu.memory_space<hbm>>, %arg7: memref<32xi32, #tpu.memory_space<vmem>>, %arg8: memref<32xi32, #tpu.memory_space<vmem>>, %arg9: memref<32x1024xf32, #tpu.memory_space<vmem>>, %arg10: memref<32x1024xf32, #tpu.memory_space<vmem>>, %arg11: memref<!tpu.dma_semaphore, #tpu.memory_space<semaphore_mem>>, %arg12: memref<!tpu.dma_semaphore, #tpu.memory_space<semaphore_mem>>) attributes {dimension_semantics = [#tpu.dimension_semantics<core_parallel>, #tpu.dimension_semantics<subcore_parallel>], iteration_bounds = array<i64: 2, 16>, scalar_prefetch = 0 : i64, scratch_operands = 6 : i64, tpu.core_type = #tpu.core_type<sc_vector_subcore>, window_params = [{transform_indices = #map}, {transform_indices = #map1}, {transform_indices = #map1}, {transform_indices = #map}, {transform_indices = #map}]} {
    %mul3A = arith.constant 2 : i32
    %mul3A_0 = arith.muli %arg1, %mul3A : i32
    %add3A = arith.addi %mul3A_0, %arg0 : i32
    %mul3A_1 = arith.constant 64 : i32
    %mul3A_2 = arith.muli %add3A, %mul3A_1 : i32
    %scan3A = arith.constant 0 : i32
    %scan3A_3 = arith.constant 0 : i32
    %scan3A_4 = arith.constant 2 : i32
    %scan3A_5 = arith.addi %scan3A_3, %scan3A_4 : i32
    %scan3A_6 = arith.constant 1 : i32
    scf.for %scan3A_8 = %scan3A_3 to %scan3A_5 step %scan3A_6  : i32 {
      %mul3A_9 = arith.constant 32 : i32
      %mul3A_10 = arith.muli %scan3A_8, %mul3A_9 : i32
      %add3A_11 = arith.addi %mul3A_2, %mul3A_10 : i32
      "tpu.region"() ({
        %run_scoped3A = tpu.sem_alloc : memref<!tpu.dma_semaphore, #tpu.memory_space<semaphore_mem>>
        %dma_start3A_22 = tpu.memref_slice %arg3[%add3A_11] : memref<2048xi32, #tpu.memory_space<hbm>> -> memref<32xi32, #tpu.memory_space<hbm>>
        %dma_start3A_23 = tpu.memref_slice %arg3[%add3A_11] : memref<2048xi32, #tpu.memory_space<hbm>> -> memref<32xi32, #tpu.memory_space<hbm>>
        tpu.enqueue_dma source(%dma_start3A_23 : memref<32xi32, #tpu.memory_space<hbm>>) target(%arg7 : memref<32xi32, #tpu.memory_space<vmem>>) target_semaphore(%run_scoped3A : memref<!tpu.dma_semaphore, #tpu.memory_space<semaphore_mem>>)
        %dma_wait3A_24 = tpu.memref_slice %arg3[%add3A_11] : memref<2048xi32, #tpu.memory_space<hbm>> -> memref<32xi32, #tpu.memory_space<hbm>>
        %dma_wait3A_25 = tpu.memref_slice %arg3[%add3A_11] : memref<2048xi32, #tpu.memory_space<hbm>> -> memref<32xi32, #tpu.memory_space<hbm>>
        tpu.wait_dma2 semaphore(%run_scoped3A : memref<!tpu.dma_semaphore, #tpu.memory_space<semaphore_mem>>) src(%dma_wait3A_25 : memref<32xi32, #tpu.memory_space<hbm>>) dst(%arg7 : memref<32xi32, #tpu.memory_space<vmem>>)
        tpu.yield
      }) : () -> ()
      "tpu.region"() ({
        %run_scoped3A = tpu.sem_alloc : memref<!tpu.dma_semaphore, #tpu.memory_space<semaphore_mem>>
        %dma_start3A_22 = tpu.memref_slice %arg4[%add3A_11] : memref<2048xi32, #tpu.memory_space<hbm>> -> memref<32xi32, #tpu.memory_space<hbm>>
        %dma_start3A_23 = tpu.memref_slice %arg4[%add3A_11] : memref<2048xi32, #tpu.memory_space<hbm>> -> memref<32xi32, #tpu.memory_space<hbm>>
        tpu.enqueue_dma source(%dma_start3A_23 : memref<32xi32, #tpu.memory_space<hbm>>) target(%arg8 : memref<32xi32, #tpu.memory_space<vmem>>) target_semaphore(%run_scoped3A : memref<!tpu.dma_semaphore, #tpu.memory_space<semaphore_mem>>)
        %dma_wait3A_24 = tpu.memref_slice %arg4[%add3A_11] : memref<2048xi32, #tpu.memory_space<hbm>> -> memref<32xi32, #tpu.memory_space<hbm>>
        %dma_wait3A_25 = tpu.memref_slice %arg4[%add3A_11] : memref<2048xi32, #tpu.memory_space<hbm>> -> memref<32xi32, #tpu.memory_space<hbm>>
        tpu.wait_dma2 semaphore(%run_scoped3A : memref<!tpu.dma_semaphore, #tpu.memory_space<semaphore_mem>>) src(%dma_wait3A_25 : memref<32xi32, #tpu.memory_space<hbm>>) dst(%arg8 : memref<32xi32, #tpu.memory_space<vmem>>)
        tpu.yield
      }) : () -> ()
      %dma_start3A = arith.constant 0 : i32
      %dma_start3A_12 = arith.constant 0 : i32
      %dma_start3A_13 = tpu.memref_slice %arg2[%dma_start3A, %dma_start3A_12] : memref<6144x1024xf32, #tpu.memory_space<hbm>> -> memref<6144x1024xf32, #tpu.memory_space<hbm>>
      tpu.enqueue_indirect_dma source(%dma_start3A_13 : memref<6144x1024xf32, #tpu.memory_space<hbm>>) target(%arg9 : memref<32x1024xf32, #tpu.memory_space<vmem>>) offsets(%arg7 : memref<32xi32, #tpu.memory_space<vmem>>) semaphore(%arg11 : memref<!tpu.dma_semaphore, #tpu.memory_space<semaphore_mem>>)
      %dma_start3A_14 = arith.constant 0 : i32
      %dma_start3A_15 = arith.constant 0 : i32
      %dma_start3A_16 = tpu.memref_slice %arg2[%dma_start3A_14, %dma_start3A_15] : memref<6144x1024xf32, #tpu.memory_space<hbm>> -> memref<6144x1024xf32, #tpu.memory_space<hbm>>
      tpu.enqueue_indirect_dma source(%dma_start3A_16 : memref<6144x1024xf32, #tpu.memory_space<hbm>>) target(%arg10 : memref<32x1024xf32, #tpu.memory_space<vmem>>) offsets(%arg8 : memref<32xi32, #tpu.memory_space<vmem>>) semaphore(%arg12 : memref<!tpu.dma_semaphore, #tpu.memory_space<semaphore_mem>>)
      %dma_wait3A = arith.constant 0 : i32
      %dma_wait3A_17 = arith.constant 0 : i32
      %dma_wait3A_18 = tpu.memref_slice %arg2[%dma_wait3A, %dma_wait3A_17] : memref<6144x1024xf32, #tpu.memory_space<hbm>> -> memref<6144x1024xf32, #tpu.memory_space<hbm>>
      tpu.wait_indirect_dma semaphore(%arg11 : memref<!tpu.dma_semaphore, #tpu.memory_space<semaphore_mem>>) src(%dma_wait3A_18 : memref<6144x1024xf32, #tpu.memory_space<hbm>>) dst(%arg9 : memref<32x1024xf32, #tpu.memory_space<vmem>>)
      %dma_wait3A_19 = arith.constant 0 : i32
      %dma_wait3A_20 = arith.constant 0 : i32
      %dma_wait3A_21 = tpu.memref_slice %arg2[%dma_wait3A_19, %dma_wait3A_20] : memref<6144x1024xf32, #tpu.memory_space<hbm>> -> memref<6144x1024xf32, #tpu.memory_space<hbm>>
      tpu.wait_indirect_dma semaphore(%arg12 : memref<!tpu.dma_semaphore, #tpu.memory_space<semaphore_mem>>) src(%dma_wait3A_21 : memref<6144x1024xf32, #tpu.memory_space<hbm>>) dst(%arg10 : memref<32x1024xf32, #tpu.memory_space<vmem>>)
      "tpu.region"() ({
        %run_scoped3A = tpu.sem_alloc : memref<!tpu.dma_semaphore, #tpu.memory_space<semaphore_mem>>
        %dma_start3A_22 = arith.constant 0 : i32
        %dma_start3A_23 = tpu.memref_slice %arg5[%add3A_11, %dma_start3A_22] : memref<2048x1024xf32, #tpu.memory_space<hbm>> -> memref<32x1024xf32, #tpu.memory_space<hbm>>
        %dma_start3A_24 = arith.constant 0 : i32
        %dma_start3A_25 = tpu.memref_slice %arg5[%add3A_11, %dma_start3A_24] : memref<2048x1024xf32, #tpu.memory_space<hbm>> -> memref<32x1024xf32, #tpu.memory_space<hbm>>
        tpu.enqueue_dma source(%arg9 : memref<32x1024xf32, #tpu.memory_space<vmem>>) target(%dma_start3A_25 : memref<32x1024xf32, #tpu.memory_space<hbm>>) target_semaphore(%run_scoped3A : memref<!tpu.dma_semaphore, #tpu.memory_space<semaphore_mem>>)
        %dma_wait3A_26 = arith.constant 0 : i32
        %dma_wait3A_27 = tpu.memref_slice %arg5[%add3A_11, %dma_wait3A_26] : memref<2048x1024xf32, #tpu.memory_space<hbm>> -> memref<32x1024xf32, #tpu.memory_space<hbm>>
        %dma_wait3A_28 = arith.constant 0 : i32
        %dma_wait3A_29 = tpu.memref_slice %arg5[%add3A_11, %dma_wait3A_28] : memref<2048x1024xf32, #tpu.memory_space<hbm>> -> memref<32x1024xf32, #tpu.memory_space<hbm>>
        tpu.wait_dma2 semaphore(%run_scoped3A : memref<!tpu.dma_semaphore, #tpu.memory_space<semaphore_mem>>) src(%arg9 : memref<32x1024xf32, #tpu.memory_space<vmem>>) dst(%dma_wait3A_29 : memref<32x1024xf32, #tpu.memory_space<hbm>>)
        tpu.yield
      }) : () -> ()
      "tpu.region"() ({
        %run_scoped3A = tpu.sem_alloc : memref<!tpu.dma_semaphore, #tpu.memory_space<semaphore_mem>>
        %dma_start3A_22 = arith.constant 0 : i32
        %dma_start3A_23 = tpu.memref_slice %arg6[%add3A_11, %dma_start3A_22] : memref<2048x1024xf32, #tpu.memory_space<hbm>> -> memref<32x1024xf32, #tpu.memory_space<hbm>>
        %dma_start3A_24 = arith.constant 0 : i32
        %dma_start3A_25 = tpu.memref_slice %arg6[%add3A_11, %dma_start3A_24] : memref<2048x1024xf32, #tpu.memory_space<hbm>> -> memref<32x1024xf32, #tpu.memory_space<hbm>>
        tpu.enqueue_dma source(%arg10 : memref<32x1024xf32, #tpu.memory_space<vmem>>) target(%dma_start3A_25 : memref<32x1024xf32, #tpu.memory_space<hbm>>) target_semaphore(%run_scoped3A : memref<!tpu.dma_semaphore, #tpu.memory_space<semaphore_mem>>)
        %dma_wait3A_26 = arith.constant 0 : i32
        %dma_wait3A_27 = tpu.memref_slice %arg6[%add3A_11, %dma_wait3A_26] : memref<2048x1024xf32, #tpu.memory_space<hbm>> -> memref<32x1024xf32, #tpu.memory_space<hbm>>
        %dma_wait3A_28 = arith.constant 0 : i32
        %dma_wait3A_29 = tpu.memref_slice %arg6[%add3A_11, %dma_wait3A_28] : memref<2048x1024xf32, #tpu.memory_space<hbm>> -> memref<32x1024xf32, #tpu.memory_space<hbm>>
        tpu.wait_dma2 semaphore(%run_scoped3A : memref<!tpu.dma_semaphore, #tpu.memory_space<semaphore_mem>>) src(%arg10 : memref<32x1024xf32, #tpu.memory_space<vmem>>) dst(%dma_wait3A_29 : memref<32x1024xf32, #tpu.memory_space<hbm>>)
        tpu.yield
      }) : () -> ()
    }
    %scan3A_7 = arith.constant 2 : i32
    return
  }
}

#map = affine_map<(d0, d1) -> (0, 0)>
#map1 = affine_map<(d0, d1) -> (0)>
module attributes {stable_mosaic.version = 14 : i64} {
  func.func @scatter(%arg0: i32, %arg1: i32, %arg2: memref<2048x1024xf32, #tpu.memory_space<hbm>>, %arg3: memref<2048xi32, #tpu.memory_space<hbm>>, %arg4: memref<2048xi32, #tpu.memory_space<hbm>>, %arg5: memref<6144x1024xf32, #tpu.memory_space<hbm>>, %arg6: memref<64xi32, #tpu.memory_space<vmem>>, %arg7: memref<64xi32, #tpu.memory_space<vmem>>, %arg8: memref<64x1024xf32, #tpu.memory_space<vmem>>, %arg9: memref<!tpu.dma_semaphore, #tpu.memory_space<semaphore_mem>>, %arg10: memref<!tpu.dma_semaphore, #tpu.memory_space<semaphore_mem>>) attributes {dimension_semantics = [#tpu.dimension_semantics<core_parallel>, #tpu.dimension_semantics<subcore_parallel>], iteration_bounds = array<i64: 2, 16>, scalar_prefetch = 0 : i64, scratch_operands = 5 : i64, tpu.core_type = #tpu.core_type<sc_vector_subcore>, window_params = [{transform_indices = #map}, {transform_indices = #map1}, {transform_indices = #map1}, {transform_indices = #map}]} {
    %mul3A = arith.constant 2 : i32
    %mul3A_0 = arith.muli %arg1, %mul3A : i32
    %add3A = arith.addi %mul3A_0, %arg0 : i32
    %mul3A_1 = arith.constant 64 : i32
    %mul3A_2 = arith.muli %add3A, %mul3A_1 : i32
    "tpu.region"() ({
      %run_scoped3A = tpu.sem_alloc : memref<!tpu.dma_semaphore, #tpu.memory_space<semaphore_mem>>
      %dma_start3A_13 = tpu.memref_slice %arg3[%mul3A_2] : memref<2048xi32, #tpu.memory_space<hbm>> -> memref<64xi32, #tpu.memory_space<hbm>>
      %dma_start3A_14 = tpu.memref_slice %arg3[%mul3A_2] : memref<2048xi32, #tpu.memory_space<hbm>> -> memref<64xi32, #tpu.memory_space<hbm>>
      tpu.enqueue_dma source(%dma_start3A_14 : memref<64xi32, #tpu.memory_space<hbm>>) target(%arg6 : memref<64xi32, #tpu.memory_space<vmem>>) target_semaphore(%run_scoped3A : memref<!tpu.dma_semaphore, #tpu.memory_space<semaphore_mem>>)
      %dma_wait3A_15 = tpu.memref_slice %arg3[%mul3A_2] : memref<2048xi32, #tpu.memory_space<hbm>> -> memref<64xi32, #tpu.memory_space<hbm>>
      %dma_wait3A_16 = tpu.memref_slice %arg3[%mul3A_2] : memref<2048xi32, #tpu.memory_space<hbm>> -> memref<64xi32, #tpu.memory_space<hbm>>
      tpu.wait_dma2 semaphore(%run_scoped3A : memref<!tpu.dma_semaphore, #tpu.memory_space<semaphore_mem>>) src(%dma_wait3A_16 : memref<64xi32, #tpu.memory_space<hbm>>) dst(%arg6 : memref<64xi32, #tpu.memory_space<vmem>>)
      tpu.yield
    }) : () -> ()
    "tpu.region"() ({
      %run_scoped3A = tpu.sem_alloc : memref<!tpu.dma_semaphore, #tpu.memory_space<semaphore_mem>>
      %dma_start3A_13 = tpu.memref_slice %arg4[%mul3A_2] : memref<2048xi32, #tpu.memory_space<hbm>> -> memref<64xi32, #tpu.memory_space<hbm>>
      %dma_start3A_14 = tpu.memref_slice %arg4[%mul3A_2] : memref<2048xi32, #tpu.memory_space<hbm>> -> memref<64xi32, #tpu.memory_space<hbm>>
      tpu.enqueue_dma source(%dma_start3A_14 : memref<64xi32, #tpu.memory_space<hbm>>) target(%arg7 : memref<64xi32, #tpu.memory_space<vmem>>) target_semaphore(%run_scoped3A : memref<!tpu.dma_semaphore, #tpu.memory_space<semaphore_mem>>)
      %dma_wait3A_15 = tpu.memref_slice %arg4[%mul3A_2] : memref<2048xi32, #tpu.memory_space<hbm>> -> memref<64xi32, #tpu.memory_space<hbm>>
      %dma_wait3A_16 = tpu.memref_slice %arg4[%mul3A_2] : memref<2048xi32, #tpu.memory_space<hbm>> -> memref<64xi32, #tpu.memory_space<hbm>>
      tpu.wait_dma2 semaphore(%run_scoped3A : memref<!tpu.dma_semaphore, #tpu.memory_space<semaphore_mem>>) src(%dma_wait3A_16 : memref<64xi32, #tpu.memory_space<hbm>>) dst(%arg7 : memref<64xi32, #tpu.memory_space<vmem>>)
      tpu.yield
    }) : () -> ()
    "tpu.region"() ({
      %run_scoped3A = tpu.sem_alloc : memref<!tpu.dma_semaphore, #tpu.memory_space<semaphore_mem>>
      %dma_start3A_13 = arith.constant 0 : i32
      %dma_start3A_14 = tpu.memref_slice %arg2[%mul3A_2, %dma_start3A_13] : memref<2048x1024xf32, #tpu.memory_space<hbm>> -> memref<64x1024xf32, #tpu.memory_space<hbm>>
      %dma_start3A_15 = arith.constant 0 : i32
      %dma_start3A_16 = tpu.memref_slice %arg2[%mul3A_2, %dma_start3A_15] : memref<2048x1024xf32, #tpu.memory_space<hbm>> -> memref<64x1024xf32, #tpu.memory_space<hbm>>
      tpu.enqueue_dma source(%dma_start3A_16 : memref<64x1024xf32, #tpu.memory_space<hbm>>) target(%arg8 : memref<64x1024xf32, #tpu.memory_space<vmem>>) target_semaphore(%run_scoped3A : memref<!tpu.dma_semaphore, #tpu.memory_space<semaphore_mem>>)
      %dma_wait3A_17 = arith.constant 0 : i32
      %dma_wait3A_18 = tpu.memref_slice %arg2[%mul3A_2, %dma_wait3A_17] : memref<2048x1024xf32, #tpu.memory_space<hbm>> -> memref<64x1024xf32, #tpu.memory_space<hbm>>
      %dma_wait3A_19 = arith.constant 0 : i32
      %dma_wait3A_20 = tpu.memref_slice %arg2[%mul3A_2, %dma_wait3A_19] : memref<2048x1024xf32, #tpu.memory_space<hbm>> -> memref<64x1024xf32, #tpu.memory_space<hbm>>
      tpu.wait_dma2 semaphore(%run_scoped3A : memref<!tpu.dma_semaphore, #tpu.memory_space<semaphore_mem>>) src(%dma_wait3A_20 : memref<64x1024xf32, #tpu.memory_space<hbm>>) dst(%arg8 : memref<64x1024xf32, #tpu.memory_space<vmem>>)
      tpu.yield
    }) : () -> ()
    %dma_start3A = arith.constant 0 : i32
    %dma_start3A_3 = arith.constant 0 : i32
    %dma_start3A_4 = tpu.memref_slice %arg5[%dma_start3A, %dma_start3A_3] : memref<6144x1024xf32, #tpu.memory_space<hbm>> -> memref<6144x1024xf32, #tpu.memory_space<hbm>>
    tpu.enqueue_indirect_dma source(%arg8 : memref<64x1024xf32, #tpu.memory_space<vmem>>) target(%dma_start3A_4 : memref<6144x1024xf32, #tpu.memory_space<hbm>>) offsets(%arg6 : memref<64xi32, #tpu.memory_space<vmem>>) semaphore(%arg9 : memref<!tpu.dma_semaphore, #tpu.memory_space<semaphore_mem>>)
    %dma_start3A_5 = arith.constant 0 : i32
    %dma_start3A_6 = arith.constant 0 : i32
    %dma_start3A_7 = tpu.memref_slice %arg5[%dma_start3A_5, %dma_start3A_6] : memref<6144x1024xf32, #tpu.memory_space<hbm>> -> memref<6144x1024xf32, #tpu.memory_space<hbm>>
    tpu.enqueue_indirect_dma source(%arg8 : memref<64x1024xf32, #tpu.memory_space<vmem>>) target(%dma_start3A_7 : memref<6144x1024xf32, #tpu.memory_space<hbm>>) offsets(%arg7 : memref<64xi32, #tpu.memory_space<vmem>>) semaphore(%arg10 : memref<!tpu.dma_semaphore, #tpu.memory_space<semaphore_mem>>)
    %dma_wait3A = arith.constant 0 : i32
    %dma_wait3A_8 = arith.constant 0 : i32
    %dma_wait3A_9 = tpu.memref_slice %arg5[%dma_wait3A, %dma_wait3A_8] : memref<6144x1024xf32, #tpu.memory_space<hbm>> -> memref<6144x1024xf32, #tpu.memory_space<hbm>>
    tpu.wait_indirect_dma semaphore(%arg9 : memref<!tpu.dma_semaphore, #tpu.memory_space<semaphore_mem>>) src(%arg8 : memref<64x1024xf32, #tpu.memory_space<vmem>>) dst(%dma_wait3A_9 : memref<6144x1024xf32, #tpu.memory_space<hbm>>)
    %dma_wait3A_10 = arith.constant 0 : i32
    %dma_wait3A_11 = arith.constant 0 : i32
    %dma_wait3A_12 = tpu.memref_slice %arg5[%dma_wait3A_10, %dma_wait3A_11] : memref<6144x1024xf32, #tpu.memory_space<hbm>> -> memref<6144x1024xf32, #tpu.memory_space<hbm>>
    tpu.wait_indirect_dma semaphore(%arg10 : memref<!tpu.dma_semaphore, #tpu.memory_space<semaphore_mem>>) src(%arg8 : memref<64x1024xf32, #tpu.memory_space<vmem>>) dst(%dma_wait3A_12 : memref<6144x1024xf32, #tpu.memory_space<hbm>>)
    return
  }
}

module attributes {stable_mosaic.version = 14 : i64} {
  func.func @_proj_kernel(%arg0: i32, %arg1: memref<256x1024xf32, #tpu.memory_space<vmem>>, %arg2: memref<1024x256xf32, #tpu.memory_space<vmem>>, %arg3: memref<256x1024xf32, #tpu.memory_space<vmem>>, %arg4: memref<256x1024xf32, #tpu.memory_space<vmem>>, %arg5: memref<1024x256xf32, #tpu.memory_space<vmem>>, %arg6: memref<256x1024xf32, #tpu.memory_space<vmem>>, %arg7: memref<256x1024xf32, #tpu.memory_space<vmem>>, %arg8: memref<256x1024xf32, #tpu.memory_space<vmem>>, %arg9: memref<256x1024xf32, #tpu.memory_space<vmem>>, %arg10: memref<256x1024xf32, #tpu.memory_space<vmem>>, %arg11: memref<256x1024xf32, #tpu.memory_space<vmem>>, %arg12: memref<256x1024xf32, #tpu.memory_space<vmem>>, %arg13: memref<256x1024xf32, #tpu.memory_space<vmem>>) attributes {dimension_semantics = [#tpu.dimension_semantics<arbitrary>], iteration_bounds = array<i64: 8>, scalar_prefetch = 0 : i64, scratch_operands = 0 : i64, tpu.core_type = #tpu.core_type<tc>, window_params = [{transform_indices = @transform_0, window_bounds = array<i64: 256, 1024>}, {pipeline_mode = #tpu.pipeline_mode<synchronous>, transform_indices = @transform_1, window_bounds = array<i64: 1024, 256>}, {pipeline_mode = #tpu.pipeline_mode<synchronous>, transform_indices = @transform_2, window_bounds = array<i64: 256, 1024>}, {pipeline_mode = #tpu.pipeline_mode<synchronous>, transform_indices = @transform_3, window_bounds = array<i64: 256, 1024>}, {pipeline_mode = #tpu.pipeline_mode<synchronous>, transform_indices = @transform_4, window_bounds = array<i64: 1024, 256>}, {pipeline_mode = #tpu.pipeline_mode<synchronous>, transform_indices = @transform_5, window_bounds = array<i64: 256, 1024>}, {pipeline_mode = #tpu.pipeline_mode<synchronous>, transform_indices = @transform_6, window_bounds = array<i64: 256, 1024>}, {pipeline_mode = #tpu.pipeline_mode<synchronous>, transform_indices = @transform_7, window_bounds = array<i64: 256, 1024>}, {transform_indices = @transform_8, window_bounds = array<i64: 256, 1024>}, {transform_indices = @transform_9, window_bounds = array<i64: 256, 1024>}, {transform_indices = @transform_10, window_bounds = array<i64: 256, 1024>}, {transform_indices = @transform_11, window_bounds = array<i64: 256, 1024>}, {transform_indices = @transform_12, window_bounds = array<i64: 256, 1024>}]} {
    %get3A = arith.constant 0 : index
    %get3A_0 = arith.constant 0 : index
    %get3A_1 = vector.load %arg1[%get3A, %get3A_0] : memref<256x1024xf32, #tpu.memory_space<vmem>>, vector<256x1024xf32>
    %get3A_2 = arith.constant 0 : index
    %get3A_3 = arith.constant 0 : index
    %get3A_4 = vector.load %arg9[%get3A_2, %get3A_3] : memref<256x1024xf32, #tpu.memory_space<vmem>>, vector<256x1024xf32>
    %get3A_5 = arith.constant 0 : index
    %get3A_6 = arith.constant 0 : index
    %get3A_7 = vector.load %arg10[%get3A_5, %get3A_6] : memref<256x1024xf32, #tpu.memory_space<vmem>>, vector<256x1024xf32>
    %get3A_8 = arith.constant 0 : index
    %get3A_9 = arith.constant 0 : index
    %get3A_10 = vector.load %arg2[%get3A_8, %get3A_9] : memref<1024x256xf32, #tpu.memory_space<vmem>>, vector<1024x256xf32>
    %dot_general3A = arith.constant dense<0.000000e+00> : vector<256x256xf32>
    %dot_general3A_11 = tpu.matmul %get3A_1, %get3A_10, %dot_general3A {dimension_numbers = #tpu.dot_dimension_numbers<[1], [0], [0], [1], [0, 0, 1, 1], [], []>, transpose_lhs_hint = false} : vector<256x1024xf32>, vector<1024x256xf32>, vector<256x256xf32> -> vector<256x256xf32>
    %get3A_12 = arith.constant 0 : index
    %get3A_13 = arith.constant 0 : index
    %get3A_14 = vector.load %arg3[%get3A_12, %get3A_13] : memref<256x1024xf32, #tpu.memory_space<vmem>>, vector<256x1024xf32>
    %dot_general3A_15 = arith.constant dense<0.000000e+00> : vector<256x1024xf32>
    %dot_general3A_16 = tpu.matmul %dot_general3A_11, %get3A_14, %dot_general3A_15 {dimension_numbers = #tpu.dot_dimension_numbers<[1], [0], [0], [1], [0, 0, 1, 1], [], []>, transpose_lhs_hint = false} : vector<256x256xf32>, vector<256x1024xf32>, vector<256x1024xf32> -> vector<256x1024xf32>
    %get3A_17 = arith.constant 0 : index
    %get3A_18 = arith.constant 0 : index
    %get3A_19 = vector.load %arg4[%get3A_17, %get3A_18] : memref<256x1024xf32, #tpu.memory_space<vmem>>, vector<256x1024xf32>
    %dot_general3A_20 = arith.constant dense<0.000000e+00> : vector<256x1024xf32>
    %dot_general3A_21 = tpu.matmul %dot_general3A_11, %get3A_19, %dot_general3A_20 {dimension_numbers = #tpu.dot_dimension_numbers<[1], [0], [0], [1], [0, 0, 1, 1], [], []>, transpose_lhs_hint = false} : vector<256x256xf32>, vector<256x1024xf32>, vector<256x1024xf32> -> vector<256x1024xf32>
    %mul3A = arith.mulf %dot_general3A_16, %get3A_4 : vector<256x1024xf32>
    %mul3A_22 = arith.mulf %dot_general3A_21, %get3A_7 : vector<256x1024xf32>
    %add3A = arith.addf %mul3A, %mul3A_22 : vector<256x1024xf32>
    %mul3A_23 = arith.constant 1.250000e-01 : f32
    %mul3A_24 = vector.broadcast %mul3A_23 : f32 to vector<256x1024xf32>
    %mul3A_25 = arith.mulf %add3A, %mul3A_24 : vector<256x1024xf32>
    %swap3A = arith.constant 0 : index
    %swap3A_26 = arith.constant 0 : index
    %swap3A_27 = vector.load %arg11[%swap3A, %swap3A_26] : memref<256x1024xf32, #tpu.memory_space<vmem>>, vector<256x1024xf32>
    tpu.vector_store %arg11[%swap3A, %swap3A_26], %mul3A_25 {strides = array<i32>} : memref<256x1024xf32, #tpu.memory_space<vmem>>, vector<256x1024xf32>,
    %get3A_28 = arith.constant 0 : index
    %get3A_29 = arith.constant 0 : index
    %get3A_30 = vector.load %arg5[%get3A_28, %get3A_29] : memref<1024x256xf32, #tpu.memory_space<vmem>>, vector<1024x256xf32>
    %dot_general3A_31 = arith.constant dense<0.000000e+00> : vector<256x256xf32>
    %dot_general3A_32 = tpu.matmul %get3A_1, %get3A_30, %dot_general3A_31 {dimension_numbers = #tpu.dot_dimension_numbers<[1], [0], [0], [1], [0, 0, 1, 1], [], []>, transpose_lhs_hint = false} : vector<256x1024xf32>, vector<1024x256xf32>, vector<256x256xf32> -> vector<256x256xf32>
    %get3A_33 = arith.constant 0 : index
    %get3A_34 = arith.constant 0 : index
    %get3A_35 = vector.load %arg6[%get3A_33, %get3A_34] : memref<256x1024xf32, #tpu.memory_space<vmem>>, vector<256x1024xf32>
    %dot_general3A_36 = arith.constant dense<0.000000e+00> : vector<256x1024xf32>
    %dot_general3A_37 = tpu.matmul %dot_general3A_32, %get3A_35, %dot_general3A_36 {dimension_numbers = #tpu.dot_dimension_numbers<[1], [0], [0], [1], [0, 0, 1, 1], [], []>, transpose_lhs_hint = false} : vector<256x256xf32>, vector<256x1024xf32>, vector<256x1024xf32> -> vector<256x1024xf32>
    %get3A_38 = arith.constant 0 : index
    %get3A_39 = arith.constant 0 : index
    %get3A_40 = vector.load %arg7[%get3A_38, %get3A_39] : memref<256x1024xf32, #tpu.memory_space<vmem>>, vector<256x1024xf32>
    %dot_general3A_41 = arith.constant dense<0.000000e+00> : vector<256x1024xf32>
    %dot_general3A_42 = tpu.matmul %dot_general3A_32, %get3A_40, %dot_general3A_41 {dimension_numbers = #tpu.dot_dimension_numbers<[1], [0], [0], [1], [0, 0, 1, 1], [], []>, transpose_lhs_hint = false} : vector<256x256xf32>, vector<256x1024xf32>, vector<256x1024xf32> -> vector<256x1024xf32>
    %mul3A_43 = arith.mulf %dot_general3A_37, %get3A_4 : vector<256x1024xf32>
    %mul3A_44 = arith.mulf %dot_general3A_42, %get3A_7 : vector<256x1024xf32>
    %add3A_45 = arith.addf %mul3A_43, %mul3A_44 : vector<256x1024xf32>
    %swap3A_46 = arith.constant 0 : index
    %swap3A_47 = arith.constant 0 : index
    %swap3A_48 = vector.load %arg12[%swap3A_46, %swap3A_47] : memref<256x1024xf32, #tpu.memory_space<vmem>>, vector<256x1024xf32>
    tpu.vector_store %arg12[%swap3A_46, %swap3A_47], %add3A_45 {strides = array<i32>} : memref<256x1024xf32, #tpu.memory_space<vmem>>, vector<256x1024xf32>,
    %get3A_49 = arith.constant 0 : index
    %get3A_50 = arith.constant 0 : index
    %get3A_51 = vector.load %arg8[%get3A_49, %get3A_50] : memref<256x1024xf32, #tpu.memory_space<vmem>>, vector<256x1024xf32>
    %dot_general3A_52 = arith.constant dense<0.000000e+00> : vector<256x1024xf32>
    %dot_general3A_53 = tpu.matmul %dot_general3A_32, %get3A_51, %dot_general3A_52 {dimension_numbers = #tpu.dot_dimension_numbers<[1], [0], [0], [1], [0, 0, 1, 1], [], []>, transpose_lhs_hint = false} : vector<256x256xf32>, vector<256x1024xf32>, vector<256x1024xf32> -> vector<256x1024xf32>
    %swap3A_54 = arith.constant 0 : index
    %swap3A_55 = arith.constant 0 : index
    %swap3A_56 = vector.load %arg13[%swap3A_54, %swap3A_55] : memref<256x1024xf32, #tpu.memory_space<vmem>>, vector<256x1024xf32>
    tpu.vector_store %arg13[%swap3A_54, %swap3A_55], %dot_general3A_53 {strides = array<i32>} : memref<256x1024xf32, #tpu.memory_space<vmem>>, vector<256x1024xf32>,
    return
  }
  func.func @transform_0(%arg0: i32) -> (i32, i32) {
    %c0_i32 = arith.constant 0 : i32
    %c0_i32_0 = arith.constant 0 : i32
    return %arg0, %c0_i32 : i32, i32
  }
  func.func @transform_1(%arg0: i32) -> (i32, i32) {
    %c0_i32 = arith.constant 0 : i32
    %c0_i32_0 = arith.constant 0 : i32
    %c0_i32_1 = arith.constant 0 : i32
    return %c0_i32, %c0_i32_0 : i32, i32
  }
  func.func @transform_2(%arg0: i32) -> (i32, i32) {
    %c0_i32 = arith.constant 0 : i32
    %c0_i32_0 = arith.constant 0 : i32
    %c0_i32_1 = arith.constant 0 : i32
    return %c0_i32, %c0_i32_0 : i32, i32
  }
  func.func @transform_3(%arg0: i32) -> (i32, i32) {
    %c0_i32 = arith.constant 0 : i32
    %c0_i32_0 = arith.constant 0 : i32
    %c0_i32_1 = arith.constant 0 : i32
    return %c0_i32, %c0_i32_0 : i32, i32
  }
  func.func @transform_4(%arg0: i32) -> (i32, i32) {
    %c0_i32 = arith.constant 0 : i32
    %c0_i32_0 = arith.constant 0 : i32
    %c0_i32_1 = arith.constant 0 : i32
    return %c0_i32, %c0_i32_0 : i32, i32
  }
  func.func @transform_5(%arg0: i32) -> (i32, i32) {
    %c0_i32 = arith.constant 0 : i32
    %c0_i32_0 = arith.constant 0 : i32
    %c0_i32_1 = arith.constant 0 : i32
    return %c0_i32, %c0_i32_0 : i32, i32
  }
  func.func @transform_6(%arg0: i32) -> (i32, i32) {
    %c0_i32 = arith.constant 0 : i32
    %c0_i32_0 = arith.constant 0 : i32
    %c0_i32_1 = arith.constant 0 : i32
    return %c0_i32, %c0_i32_0 : i32, i32
  }
  func.func @transform_7(%arg0: i32) -> (i32, i32) {
    %c0_i32 = arith.constant 0 : i32
    %c0_i32_0 = arith.constant 0 : i32
    %c0_i32_1 = arith.constant 0 : i32
    return %c0_i32, %c0_i32_0 : i32, i32
  }
  func.func @transform_8(%arg0: i32) -> (i32, i32) {
    %c0_i32 = arith.constant 0 : i32
    %c0_i32_0 = arith.constant 0 : i32
    return %arg0, %c0_i32 : i32, i32
  }
  func.func @transform_9(%arg0: i32) -> (i32, i32) {
    %c0_i32 = arith.constant 0 : i32
    %c0_i32_0 = arith.constant 0 : i32
    return %arg0, %c0_i32 : i32, i32
  }
  func.func @transform_10(%arg0: i32) -> (i32, i32) {
    %c0_i32 = arith.constant 0 : i32
    %c0_i32_0 = arith.constant 0 : i32
    return %arg0, %c0_i32 : i32, i32
  }
  func.func @transform_11(%arg0: i32) -> (i32, i32) {
    %c0_i32 = arith.constant 0 : i32
    %c0_i32_0 = arith.constant 0 : i32
    return %arg0, %c0_i32 : i32, i32
  }
  func.func @transform_12(%arg0: i32) -> (i32, i32) {
    %c0_i32 = arith.constant 0 : i32
    %c0_i32_0 = arith.constant 0 : i32
    return %arg0, %c0_i32 : i32, i32
  }
}

module attributes {stable_mosaic.version = 14 : i64} {
  func.func @_attn_kernel(%arg0: i32, %arg1: memref<256x1024xf32, #tpu.memory_space<vmem>>, %arg2: memref<2048x1024xf32, #tpu.memory_space<vmem>>, %arg3: memref<2048x1024xf32, #tpu.memory_space<vmem>>, %arg4: memref<256x1024xf32, #tpu.memory_space<vmem>>) attributes {dimension_semantics = [#tpu.dimension_semantics<arbitrary>], iteration_bounds = array<i64: 8>, scalar_prefetch = 0 : i64, scratch_operands = 0 : i64, tpu.core_type = #tpu.core_type<tc>, window_params = [{transform_indices = @transform_0, window_bounds = array<i64: 256, 1024>}, {pipeline_mode = #tpu.pipeline_mode<synchronous>, transform_indices = @transform_1, window_bounds = array<i64: 2048, 1024>}, {pipeline_mode = #tpu.pipeline_mode<synchronous>, transform_indices = @transform_2, window_bounds = array<i64: 2048, 1024>}, {transform_indices = @transform_3, window_bounds = array<i64: 256, 1024>}]} {
    %iota3A = tpu.iota {dimensions = array<i32: 1>} : vector<256x256xi32>
    %iota3A_0 = tpu.iota {dimensions = array<i32: 0>} : vector<256x256xi32>
    %le3A = arith.cmpi sle, %iota3A, %iota3A_0 : vector<256x256xi32>
    %get3A = arith.constant 0 : index
    %get3A_1 = arith.constant 0 : index
    %get3A_2 = vector.load %arg1[%get3A, %get3A_1] : memref<256x1024xf32, #tpu.memory_space<vmem>>, vector<256x64xf32>
    %get3A_3 = arith.constant 0 : index
    %get3A_4 = arith.constant 64 : index
    %get3A_5 = vector.load %arg1[%get3A_3, %get3A_4] : memref<256x1024xf32, #tpu.memory_space<vmem>>, vector<256x64xf32>
    %get3A_6 = arith.constant 0 : index
    %get3A_7 = arith.constant 128 : index
    %get3A_8 = vector.load %arg1[%get3A_6, %get3A_7] : memref<256x1024xf32, #tpu.memory_space<vmem>>, vector<256x64xf32>
    %get3A_9 = arith.constant 0 : index
    %get3A_10 = arith.constant 192 : index
    %get3A_11 = vector.load %arg1[%get3A_9, %get3A_10] : memref<256x1024xf32, #tpu.memory_space<vmem>>, vector<256x64xf32>
    %get3A_12 = arith.constant 0 : index
    %get3A_13 = arith.constant 256 : index
    %get3A_14 = vector.load %arg1[%get3A_12, %get3A_13] : memref<256x1024xf32, #tpu.memory_space<vmem>>, vector<256x64xf32>
    %get3A_15 = arith.constant 0 : index
    %get3A_16 = arith.constant 320 : index
    %get3A_17 = vector.load %arg1[%get3A_15, %get3A_16] : memref<256x1024xf32, #tpu.memory_space<vmem>>, vector<256x64xf32>
    %get3A_18 = arith.constant 0 : index
    %get3A_19 = arith.constant 384 : index
    %get3A_20 = vector.load %arg1[%get3A_18, %get3A_19] : memref<256x1024xf32, #tpu.memory_space<vmem>>, vector<256x64xf32>
    %get3A_21 = arith.constant 0 : index
    %get3A_22 = arith.constant 448 : index
    %get3A_23 = vector.load %arg1[%get3A_21, %get3A_22] : memref<256x1024xf32, #tpu.memory_space<vmem>>, vector<256x64xf32>
    %get3A_24 = arith.constant 0 : index
    %get3A_25 = arith.constant 512 : index
    %get3A_26 = vector.load %arg1[%get3A_24, %get3A_25] : memref<256x1024xf32, #tpu.memory_space<vmem>>, vector<256x64xf32>
    %get3A_27 = arith.constant 0 : index
    %get3A_28 = arith.constant 576 : index
    %get3A_29 = vector.load %arg1[%get3A_27, %get3A_28] : memref<256x1024xf32, #tpu.memory_space<vmem>>, vector<256x64xf32>
    %get3A_30 = arith.constant 0 : index
    %get3A_31 = arith.constant 640 : index
    %get3A_32 = vector.load %arg1[%get3A_30, %get3A_31] : memref<256x1024xf32, #tpu.memory_space<vmem>>, vector<256x64xf32>
    %get3A_33 = arith.constant 0 : index
    %get3A_34 = arith.constant 704 : index
    %get3A_35 = vector.load %arg1[%get3A_33, %get3A_34] : memref<256x1024xf32, #tpu.memory_space<vmem>>, vector<256x64xf32>
    %get3A_36 = arith.constant 0 : index
    %get3A_37 = arith.constant 768 : index
    %get3A_38 = vector.load %arg1[%get3A_36, %get3A_37] : memref<256x1024xf32, #tpu.memory_space<vmem>>, vector<256x64xf32>
    %get3A_39 = arith.constant 0 : index
    %get3A_40 = arith.constant 832 : index
    %get3A_41 = vector.load %arg1[%get3A_39, %get3A_40] : memref<256x1024xf32, #tpu.memory_space<vmem>>, vector<256x64xf32>
    %get3A_42 = arith.constant 0 : index
    %get3A_43 = arith.constant 896 : index
    %get3A_44 = vector.load %arg1[%get3A_42, %get3A_43] : memref<256x1024xf32, #tpu.memory_space<vmem>>, vector<256x64xf32>
    %get3A_45 = arith.constant 0 : index
    %get3A_46 = arith.constant 960 : index
    %get3A_47 = vector.load %arg1[%get3A_45, %get3A_46] : memref<256x1024xf32, #tpu.memory_space<vmem>>, vector<256x64xf32>
    %broadcast_in_dim3A = arith.constant -1.000000e+30 : f32
    %broadcast_in_dim3A_48 = vector.broadcast %broadcast_in_dim3A : f32 to vector<256x1xf32>
    %broadcast_in_dim3A_49 = arith.constant -1.000000e+30 : f32
    %broadcast_in_dim3A_50 = vector.broadcast %broadcast_in_dim3A_49 : f32 to vector<256x1xf32>
    %broadcast_in_dim3A_51 = arith.constant -1.000000e+30 : f32
    %broadcast_in_dim3A_52 = vector.broadcast %broadcast_in_dim3A_51 : f32 to vector<256x1xf32>
    %broadcast_in_dim3A_53 = arith.constant -1.000000e+30 : f32
    %broadcast_in_dim3A_54 = vector.broadcast %broadcast_in_dim3A_53 : f32 to vector<256x1xf32>
    %broadcast_in_dim3A_55 = arith.constant -1.000000e+30 : f32
    %broadcast_in_dim3A_56 = vector.broadcast %broadcast_in_dim3A_55 : f32 to vector<256x1xf32>
    %broadcast_in_dim3A_57 = arith.constant -1.000000e+30 : f32
    %broadcast_in_dim3A_58 = vector.broadcast %broadcast_in_dim3A_57 : f32 to vector<256x1xf32>
    %broadcast_in_dim3A_59 = arith.constant -1.000000e+30 : f32
    %broadcast_in_dim3A_60 = vector.broadcast %broadcast_in_dim3A_59 : f32 to vector<256x1xf32>
    %broadcast_in_dim3A_61 = arith.constant -1.000000e+30 : f32
    %broadcast_in_dim3A_62 = vector.broadcast %broadcast_in_dim3A_61 : f32 to vector<256x1xf32>
    %broadcast_in_dim3A_63 = arith.constant -1.000000e+30 : f32
    %broadcast_in_dim3A_64 = vector.broadcast %broadcast_in_dim3A_63 : f32 to vector<256x1xf32>
    %broadcast_in_dim3A_65 = arith.constant -1.000000e+30 : f32
    %broadcast_in_dim3A_66 = vector.broadcast %broadcast_in_dim3A_65 : f32 to vector<256x1xf32>
    %broadcast_in_dim3A_67 = arith.constant -1.000000e+30 : f32
    %broadcast_in_dim3A_68 = vector.broadcast %broadcast_in_dim3A_67 : f32 to vector<256x1xf32>
    %broadcast_in_dim3A_69 = arith.constant -1.000000e+30 : f32
    %broadcast_in_dim3A_70 = vector.broadcast %broadcast_in_dim3A_69 : f32 to vector<256x1xf32>
    %broadcast_in_dim3A_71 = arith.constant -1.000000e+30 : f32
    %broadcast_in_dim3A_72 = vector.broadcast %broadcast_in_dim3A_71 : f32 to vector<256x1xf32>
    %broadcast_in_dim3A_73 = arith.constant -1.000000e+30 : f32
    %broadcast_in_dim3A_74 = vector.broadcast %broadcast_in_dim3A_73 : f32 to vector<256x1xf32>
    %broadcast_in_dim3A_75 = arith.constant -1.000000e+30 : f32
    %broadcast_in_dim3A_76 = vector.broadcast %broadcast_in_dim3A_75 : f32 to vector<256x1xf32>
    %broadcast_in_dim3A_77 = arith.constant -1.000000e+30 : f32
    %broadcast_in_dim3A_78 = vector.broadcast %broadcast_in_dim3A_77 : f32 to vector<256x1xf32>
    %broadcast_in_dim3A_79 = arith.constant 0.000000e+00 : f32
    %broadcast_in_dim3A_80 = vector.broadcast %broadcast_in_dim3A_79 : f32 to vector<256x1xf32>
    %broadcast_in_dim3A_81 = arith.constant 0.000000e+00 : f32
    %broadcast_in_dim3A_82 = vector.broadcast %broadcast_in_dim3A_81 : f32 to vector<256x1xf32>
    %broadcast_in_dim3A_83 = arith.constant 0.000000e+00 : f32
    %broadcast_in_dim3A_84 = vector.broadcast %broadcast_in_dim3A_83 : f32 to vector<256x1xf32>
    %broadcast_in_dim3A_85 = arith.constant 0.000000e+00 : f32
    %broadcast_in_dim3A_86 = vector.broadcast %broadcast_in_dim3A_85 : f32 to vector<256x1xf32>
    %broadcast_in_dim3A_87 = arith.constant 0.000000e+00 : f32
    %broadcast_in_dim3A_88 = vector.broadcast %broadcast_in_dim3A_87 : f32 to vector<256x1xf32>
    %broadcast_in_dim3A_89 = arith.constant 0.000000e+00 : f32
    %broadcast_in_dim3A_90 = vector.broadcast %broadcast_in_dim3A_89 : f32 to vector<256x1xf32>
    %broadcast_in_dim3A_91 = arith.constant 0.000000e+00 : f32
    %broadcast_in_dim3A_92 = vector.broadcast %broadcast_in_dim3A_91 : f32 to vector<256x1xf32>
    %broadcast_in_dim3A_93 = arith.constant 0.000000e+00 : f32
    %broadcast_in_dim3A_94 = vector.broadcast %broadcast_in_dim3A_93 : f32 to vector<256x1xf32>
    %broadcast_in_dim3A_95 = arith.constant 0.000000e+00 : f32
    %broadcast_in_dim3A_96 = vector.broadcast %broadcast_in_dim3A_95 : f32 to vector<256x1xf32>
    %broadcast_in_dim3A_97 = arith.constant 0.000000e+00 : f32
    %broadcast_in_dim3A_98 = vector.broadcast %broadcast_in_dim3A_97 : f32 to vector<256x1xf32>
    %broadcast_in_dim3A_99 = arith.constant 0.000000e+00 : f32
    %broadcast_in_dim3A_100 = vector.broadcast %broadcast_in_dim3A_99 : f32 to vector<256x1xf32>
    %broadcast_in_dim3A_101 = arith.constant 0.000000e+00 : f32
    %broadcast_in_dim3A_102 = vector.broadcast %broadcast_in_dim3A_101 : f32 to vector<256x1xf32>
    %broadcast_in_dim3A_103 = arith.constant 0.000000e+00 : f32
    %broadcast_in_dim3A_104 = vector.broadcast %broadcast_in_dim3A_103 : f32 to vector<256x1xf32>
    %broadcast_in_dim3A_105 = arith.constant 0.000000e+00 : f32
    %broadcast_in_dim3A_106 = vector.broadcast %broadcast_in_dim3A_105 : f32 to vector<256x1xf32>
    %broadcast_in_dim3A_107 = arith.constant 0.000000e+00 : f32
    %broadcast_in_dim3A_108 = vector.broadcast %broadcast_in_dim3A_107 : f32 to vector<256x1xf32>
    %broadcast_in_dim3A_109 = arith.constant 0.000000e+00 : f32
    %broadcast_in_dim3A_110 = vector.broadcast %broadcast_in_dim3A_109 : f32 to vector<256x1xf32>
    %broadcast_in_dim3A_111 = arith.constant 0.000000e+00 : f32
    %broadcast_in_dim3A_112 = vector.broadcast %broadcast_in_dim3A_111 : f32 to vector<256x64xf32>
    %broadcast_in_dim3A_113 = arith.constant 0.000000e+00 : f32
    %broadcast_in_dim3A_114 = vector.broadcast %broadcast_in_dim3A_113 : f32 to vector<256x64xf32>
    %broadcast_in_dim3A_115 = arith.constant 0.000000e+00 : f32
    %broadcast_in_dim3A_116 = vector.broadcast %broadcast_in_dim3A_115 : f32 to vector<256x64xf32>
    %broadcast_in_dim3A_117 = arith.constant 0.000000e+00 : f32
    %broadcast_in_dim3A_118 = vector.broadcast %broadcast_in_dim3A_117 : f32 to vector<256x64xf32>
    %broadcast_in_dim3A_119 = arith.constant 0.000000e+00 : f32
    %broadcast_in_dim3A_120 = vector.broadcast %broadcast_in_dim3A_119 : f32 to vector<256x64xf32>
    %broadcast_in_dim3A_121 = arith.constant 0.000000e+00 : f32
    %broadcast_in_dim3A_122 = vector.broadcast %broadcast_in_dim3A_121 : f32 to vector<256x64xf32>
    %broadcast_in_dim3A_123 = arith.constant 0.000000e+00 : f32
    %broadcast_in_dim3A_124 = vector.broadcast %broadcast_in_dim3A_123 : f32 to vector<256x64xf32>
    %broadcast_in_dim3A_125 = arith.constant 0.000000e+00 : f32
    %broadcast_in_dim3A_126 = vector.broadcast %broadcast_in_dim3A_125 : f32 to vector<256x64xf32>
    %broadcast_in_dim3A_127 = arith.constant 0.000000e+00 : f32
    %broadcast_in_dim3A_128 = vector.broadcast %broadcast_in_dim3A_127 : f32 to vector<256x64xf32>
    %broadcast_in_dim3A_129 = arith.constant 0.000000e+00 : f32
    %broadcast_in_dim3A_130 = vector.broadcast %broadcast_in_dim3A_129 : f32 to vector<256x64xf32>
    %broadcast_in_dim3A_131 = arith.constant 0.000000e+00 : f32
    %broadcast_in_dim3A_132 = vector.broadcast %broadcast_in_dim3A_131 : f32 to vector<256x64xf32>
    %broadcast_in_dim3A_133 = arith.constant 0.000000e+00 : f32
    %broadcast_in_dim3A_134 = vector.broadcast %broadcast_in_dim3A_133 : f32 to vector<256x64xf32>
    %broadcast_in_dim3A_135 = arith.constant 0.000000e+00 : f32
    %broadcast_in_dim3A_136 = vector.broadcast %broadcast_in_dim3A_135 : f32 to vector<256x64xf32>
    %broadcast_in_dim3A_137 = arith.constant 0.000000e+00 : f32
    %broadcast_in_dim3A_138 = vector.broadcast %broadcast_in_dim3A_137 : f32 to vector<256x64xf32>
    %broadcast_in_dim3A_139 = arith.constant 0.000000e+00 : f32
    %broadcast_in_dim3A_140 = vector.broadcast %broadcast_in_dim3A_139 : f32 to vector<256x64xf32>
    %broadcast_in_dim3A_141 = arith.constant 0.000000e+00 : f32
    %broadcast_in_dim3A_142 = vector.broadcast %broadcast_in_dim3A_141 : f32 to vector<256x64xf32>
    %while3A = arith.constant 0 : i32
    %while3A_143 = arith.subi %arg0, %while3A : i32
    %while3A_144 = arith.addi %while3A, %while3A_143 : i32
    %while3A_145 = arith.constant 1 : i32
    %while3A_146 = arith.divsi %while3A_143, %while3A_145 : i32
    %while3A_147 = arith.muli %while3A_146, %while3A_145 : i32
    %while3A_148 = arith.addi %while3A, %while3A_147 : i32
    %while3A_149 = arith.constant 1 : i32
    %while3A_150:48 = scf.for %while3A_601 = %while3A to %while3A_148 step %while3A_149 iter_args(%while3A_602 = %broadcast_in_dim3A_48, %while3A_603 = %broadcast_in_dim3A_50, %while3A_604 = %broadcast_in_dim3A_52, %while3A_605 = %broadcast_in_dim3A_54, %while3A_606 = %broadcast_in_dim3A_56, %while3A_607 = %broadcast_in_dim3A_58, %while3A_608 = %broadcast_in_dim3A_60, %while3A_609 = %broadcast_in_dim3A_62, %while3A_610 = %broadcast_in_dim3A_64, %while3A_611 = %broadcast_in_dim3A_66, %while3A_612 = %broadcast_in_dim3A_68, %while3A_613 = %broadcast_in_dim3A_70, %while3A_614 = %broadcast_in_dim3A_72, %while3A_615 = %broadcast_in_dim3A_74, %while3A_616 = %broadcast_in_dim3A_76, %while3A_617 = %broadcast_in_dim3A_78, %while3A_618 = %broadcast_in_dim3A_80, %while3A_619 = %broadcast_in_dim3A_82, %while3A_620 = %broadcast_in_dim3A_84, %while3A_621 = %broadcast_in_dim3A_86, %while3A_622 = %broadcast_in_dim3A_88, %while3A_623 = %broadcast_in_dim3A_90, %while3A_624 = %broadcast_in_dim3A_92, %while3A_625 = %broadcast_in_dim3A_94, %while3A_626 = %broadcast_in_dim3A_96, %while3A_627 = %broadcast_in_dim3A_98, %while3A_628 = %broadcast_in_dim3A_100, %while3A_629 = %broadcast_in_dim3A_102, %while3A_630 = %broadcast_in_dim3A_104, %while3A_631 = %broadcast_in_dim3A_106, %while3A_632 = %broadcast_in_dim3A_108, %while3A_633 = %broadcast_in_dim3A_110, %while3A_634 = %broadcast_in_dim3A_112, %while3A_635 = %broadcast_in_dim3A_114, %while3A_636 = %broadcast_in_dim3A_116, %while3A_637 = %broadcast_in_dim3A_118, %while3A_638 = %broadcast_in_dim3A_120, %while3A_639 = %broadcast_in_dim3A_122, %while3A_640 = %broadcast_in_dim3A_124, %while3A_641 = %broadcast_in_dim3A_126, %while3A_642 = %broadcast_in_dim3A_128, %while3A_643 = %broadcast_in_dim3A_130, %while3A_644 = %broadcast_in_dim3A_132, %while3A_645 = %broadcast_in_dim3A_134, %while3A_646 = %broadcast_in_dim3A_136, %while3A_647 = %broadcast_in_dim3A_138, %while3A_648 = %broadcast_in_dim3A_140, %while3A_649 = %broadcast_in_dim3A_142) -> (vector<256x1xf32>, vector<256x1xf32>, vector<256x1xf32>, vector<256x1xf32>, vector<256x1xf32>, vector<256x1xf32>, vector<256x1xf32>, vector<256x1xf32>, vector<256x1xf32>, vector<256x1xf32>, vector<256x1xf32>, vector<256x1xf32>, vector<256x1xf32>, vector<256x1xf32>, vector<256x1xf32>, vector<256x1xf32>, vector<256x1xf32>, vector<256x1xf32>, vector<256x1xf32>, vector<256x1xf32>, vector<256x1xf32>, vector<256x1xf32>, vector<256x1xf32>, vector<256x1xf32>, vector<256x1xf32>, vector<256x1xf32>, vector<256x1xf32>, vector<256x1xf32>, vector<256x1xf32>, vector<256x1xf32>, vector<256x1xf32>, vector<256x1xf32>, vector<256x64xf32>, vector<256x64xf32>, vector<256x64xf32>, vector<256x64xf32>, vector<256x64xf32>, vector<256x64xf32>, vector<256x64xf32>, vector<256x64xf32>, vector<256x64xf32>, vector<256x64xf32>, vector<256x64xf32>, vector<256x64xf32>, vector<256x64xf32>, vector<256x64xf32>, vector<256x64xf32>, vector<256x64xf32>)  : i32 {
      %mul3A_650 = arith.constant 256 : i32
      %mul3A_651 = arith.muli %while3A_601, %mul3A_650 : i32
      %get3A_652 = arith.index_cast %mul3A_651 : i32 to index
      %get3A_653 = arith.constant 0 : index
      %get3A_654 = vector.load %arg2[%get3A_652, %get3A_653] : memref<2048x1024xf32, #tpu.memory_space<vmem>>, vector<256x1024xf32>
      %mul3A_655 = arith.constant 256 : i32
      %mul3A_656 = arith.muli %while3A_601, %mul3A_655 : i32
      %get3A_657 = arith.index_cast %mul3A_656 : i32 to index
      %get3A_658 = arith.constant 0 : index
      %get3A_659 = vector.load %arg3[%get3A_657, %get3A_658] : memref<2048x1024xf32, #tpu.memory_space<vmem>>, vector<256x1024xf32>
      %slice3A_660 = vector.extract_strided_slice %get3A_654 {offsets = [0, 0], sizes = [256, 64], strides = [1, 1]} : vector<256x1024xf32> to vector<256x64xf32>
      %dot_general3A_661 = arith.constant dense<0.000000e+00> : vector<256x256xf32>
      %dot_general3A_662 = tpu.matmul %get3A_2, %slice3A_660, %dot_general3A_661 {dimension_numbers = #tpu.dot_dimension_numbers<[1], [1], [0], [0], [0, 0, 1, 0], [], []>, transpose_lhs_hint = false} : vector<256x64xf32>, vector<256x64xf32>, vector<256x256xf32> -> vector<256x256xf32>
      %reduce_max3A_663 = arith.constant dense<0xFF800000> : vector<256xf32>
      %reduce_max3A_664 = vector.multi_reduction <maximumf>, %dot_general3A_662, %reduce_max3A_663 [1] : vector<256x256xf32> to vector<256xf32>
      %broadcast_in_dim3A_665 = vector.shape_cast %reduce_max3A_664 : vector<256xf32> to vector<256x1xf32>
      %max3A_666 = arith.maximumf %while3A_602, %broadcast_in_dim3A_665 : vector<256x1xf32>
      %sub3A_667 = vector.broadcast %max3A_666 : vector<256x1xf32> to vector<256x256xf32>
      %sub3A_668 = arith.subf %dot_general3A_662, %sub3A_667 : vector<256x256xf32>
      %exp3A_669 = math.exp %sub3A_668 : vector<256x256xf32>
      %sub3A_670 = arith.subf %while3A_602, %max3A_666 : vector<256x1xf32>
      %exp3A_671 = math.exp %sub3A_670 : vector<256x1xf32>
      %mul3A_672 = arith.mulf %while3A_618, %exp3A_671 : vector<256x1xf32>
      %reduce_sum3A_673 = arith.constant dense<0.000000e+00> : vector<256xf32>
      %reduce_sum3A_674 = vector.multi_reduction <add>, %exp3A_669, %reduce_sum3A_673 [1] : vector<256x256xf32> to vector<256xf32>
      %broadcast_in_dim3A_675 = vector.shape_cast %reduce_sum3A_674 : vector<256xf32> to vector<256x1xf32>
      %add3A_676 = arith.addf %mul3A_672, %broadcast_in_dim3A_675 : vector<256x1xf32>
      %mul3A_677 = vector.broadcast %exp3A_671 : vector<256x1xf32> to vector<256x64xf32>
      %mul3A_678 = arith.mulf %while3A_634, %mul3A_677 : vector<256x64xf32>
      %slice3A_679 = vector.extract_strided_slice %get3A_659 {offsets = [0, 0], sizes = [256, 64], strides = [1, 1]} : vector<256x1024xf32> to vector<256x64xf32>
      %dot_general3A_680 = arith.constant dense<0.000000e+00> : vector<256x64xf32>
      %dot_general3A_681 = tpu.matmul %exp3A_669, %slice3A_679, %dot_general3A_680 {dimension_numbers = #tpu.dot_dimension_numbers<[1], [0], [0], [1], [0, 0, 1, 1], [], []>, transpose_lhs_hint = false} : vector<256x256xf32>, vector<256x64xf32>, vector<256x64xf32> -> vector<256x64xf32>
      %add3A_682 = arith.addf %mul3A_678, %dot_general3A_681 : vector<256x64xf32>
      %slice3A_683 = vector.extract_strided_slice %get3A_654 {offsets = [0, 64], sizes = [256, 64], strides = [1, 1]} : vector<256x1024xf32> to vector<256x64xf32>
      %dot_general3A_684 = arith.constant dense<0.000000e+00> : vector<256x256xf32>
      %dot_general3A_685 = tpu.matmul %get3A_5, %slice3A_683, %dot_general3A_684 {dimension_numbers = #tpu.dot_dimension_numbers<[1], [1], [0], [0], [0, 0, 1, 0], [], []>, transpose_lhs_hint = false} : vector<256x64xf32>, vector<256x64xf32>, vector<256x256xf32> -> vector<256x256xf32>
      %reduce_max3A_686 = arith.constant dense<0xFF800000> : vector<256xf32>
      %reduce_max3A_687 = vector.multi_reduction <maximumf>, %dot_general3A_685, %reduce_max3A_686 [1] : vector<256x256xf32> to vector<256xf32>
      %broadcast_in_dim3A_688 = vector.shape_cast %reduce_max3A_687 : vector<256xf32> to vector<256x1xf32>
      %max3A_689 = arith.maximumf %while3A_603, %broadcast_in_dim3A_688 : vector<256x1xf32>
      %sub3A_690 = vector.broadcast %max3A_689 : vector<256x1xf32> to vector<256x256xf32>
      %sub3A_691 = arith.subf %dot_general3A_685, %sub3A_690 : vector<256x256xf32>
      %exp3A_692 = math.exp %sub3A_691 : vector<256x256xf32>
      %sub3A_693 = arith.subf %while3A_603, %max3A_689 : vector<256x1xf32>
      %exp3A_694 = math.exp %sub3A_693 : vector<256x1xf32>
      %mul3A_695 = arith.mulf %while3A_619, %exp3A_694 : vector<256x1xf32>
      %reduce_sum3A_696 = arith.constant dense<0.000000e+00> : vector<256xf32>
      %reduce_sum3A_697 = vector.multi_reduction <add>, %exp3A_692, %reduce_sum3A_696 [1] : vector<256x256xf32> to vector<256xf32>
      %broadcast_in_dim3A_698 = vector.shape_cast %reduce_sum3A_697 : vector<256xf32> to vector<256x1xf32>
      %add3A_699 = arith.addf %mul3A_695, %broadcast_in_dim3A_698 : vector<256x1xf32>
      %mul3A_700 = vector.broadcast %exp3A_694 : vector<256x1xf32> to vector<256x64xf32>
      %mul3A_701 = arith.mulf %while3A_635, %mul3A_700 : vector<256x64xf32>
      %slice3A_702 = vector.extract_strided_slice %get3A_659 {offsets = [0, 64], sizes = [256, 64], strides = [1, 1]} : vector<256x1024xf32> to vector<256x64xf32>
      %dot_general3A_703 = arith.constant dense<0.000000e+00> : vector<256x64xf32>
      %dot_general3A_704 = tpu.matmul %exp3A_692, %slice3A_702, %dot_general3A_703 {dimension_numbers = #tpu.dot_dimension_numbers<[1], [0], [0], [1], [0, 0, 1, 1], [], []>, transpose_lhs_hint = false} : vector<256x256xf32>, vector<256x64xf32>, vector<256x64xf32> -> vector<256x64xf32>
      %add3A_705 = arith.addf %mul3A_701, %dot_general3A_704 : vector<256x64xf32>
      %slice3A_706 = vector.extract_strided_slice %get3A_654 {offsets = [0, 128], sizes = [256, 64], strides = [1, 1]} : vector<256x1024xf32> to vector<256x64xf32>
      %dot_general3A_707 = arith.constant dense<0.000000e+00> : vector<256x256xf32>
      %dot_general3A_708 = tpu.matmul %get3A_8, %slice3A_706, %dot_general3A_707 {dimension_numbers = #tpu.dot_dimension_numbers<[1], [1], [0], [0], [0, 0, 1, 0], [], []>, transpose_lhs_hint = false} : vector<256x64xf32>, vector<256x64xf32>, vector<256x256xf32> -> vector<256x256xf32>
      %reduce_max3A_709 = arith.constant dense<0xFF800000> : vector<256xf32>
      %reduce_max3A_710 = vector.multi_reduction <maximumf>, %dot_general3A_708, %reduce_max3A_709 [1] : vector<256x256xf32> to vector<256xf32>
      %broadcast_in_dim3A_711 = vector.shape_cast %reduce_max3A_710 : vector<256xf32> to vector<256x1xf32>
      %max3A_712 = arith.maximumf %while3A_604, %broadcast_in_dim3A_711 : vector<256x1xf32>
      %sub3A_713 = vector.broadcast %max3A_712 : vector<256x1xf32> to vector<256x256xf32>
      %sub3A_714 = arith.subf %dot_general3A_708, %sub3A_713 : vector<256x256xf32>
      %exp3A_715 = math.exp %sub3A_714 : vector<256x256xf32>
      %sub3A_716 = arith.subf %while3A_604, %max3A_712 : vector<256x1xf32>
      %exp3A_717 = math.exp %sub3A_716 : vector<256x1xf32>
      %mul3A_718 = arith.mulf %while3A_620, %exp3A_717 : vector<256x1xf32>
      %reduce_sum3A_719 = arith.constant dense<0.000000e+00> : vector<256xf32>
      %reduce_sum3A_720 = vector.multi_reduction <add>, %exp3A_715, %reduce_sum3A_719 [1] : vector<256x256xf32> to vector<256xf32>
      %broadcast_in_dim3A_721 = vector.shape_cast %reduce_sum3A_720 : vector<256xf32> to vector<256x1xf32>
      %add3A_722 = arith.addf %mul3A_718, %broadcast_in_dim3A_721 : vector<256x1xf32>
      %mul3A_723 = vector.broadcast %exp3A_717 : vector<256x1xf32> to vector<256x64xf32>
      %mul3A_724 = arith.mulf %while3A_636, %mul3A_723 : vector<256x64xf32>
      %slice3A_725 = vector.extract_strided_slice %get3A_659 {offsets = [0, 128], sizes = [256, 64], strides = [1, 1]} : vector<256x1024xf32> to vector<256x64xf32>
      %dot_general3A_726 = arith.constant dense<0.000000e+00> : vector<256x64xf32>
      %dot_general3A_727 = tpu.matmul %exp3A_715, %slice3A_725, %dot_general3A_726 {dimension_numbers = #tpu.dot_dimension_numbers<[1], [0], [0], [1], [0, 0, 1, 1], [], []>, transpose_lhs_hint = false} : vector<256x256xf32>, vector<256x64xf32>, vector<256x64xf32> -> vector<256x64xf32>
      %add3A_728 = arith.addf %mul3A_724, %dot_general3A_727 : vector<256x64xf32>
      %slice3A_729 = vector.extract_strided_slice %get3A_654 {offsets = [0, 192], sizes = [256, 64], strides = [1, 1]} : vector<256x1024xf32> to vector<256x64xf32>
      %dot_general3A_730 = arith.constant dense<0.000000e+00> : vector<256x256xf32>
      %dot_general3A_731 = tpu.matmul %get3A_11, %slice3A_729, %dot_general3A_730 {dimension_numbers = #tpu.dot_dimension_numbers<[1], [1], [0], [0], [0, 0, 1, 0], [], []>, transpose_lhs_hint = false} : vector<256x64xf32>, vector<256x64xf32>, vector<256x256xf32> -> vector<256x256xf32>
      %reduce_max3A_732 = arith.constant dense<0xFF800000> : vector<256xf32>
      %reduce_max3A_733 = vector.multi_reduction <maximumf>, %dot_general3A_731, %reduce_max3A_732 [1] : vector<256x256xf32> to vector<256xf32>
      %broadcast_in_dim3A_734 = vector.shape_cast %reduce_max3A_733 : vector<256xf32> to vector<256x1xf32>
      %max3A_735 = arith.maximumf %while3A_605, %broadcast_in_dim3A_734 : vector<256x1xf32>
      %sub3A_736 = vector.broadcast %max3A_735 : vector<256x1xf32> to vector<256x256xf32>
      %sub3A_737 = arith.subf %dot_general3A_731, %sub3A_736 : vector<256x256xf32>
      %exp3A_738 = math.exp %sub3A_737 : vector<256x256xf32>
      %sub3A_739 = arith.subf %while3A_605, %max3A_735 : vector<256x1xf32>
      %exp3A_740 = math.exp %sub3A_739 : vector<256x1xf32>
      %mul3A_741 = arith.mulf %while3A_621, %exp3A_740 : vector<256x1xf32>
      %reduce_sum3A_742 = arith.constant dense<0.000000e+00> : vector<256xf32>
      %reduce_sum3A_743 = vector.multi_reduction <add>, %exp3A_738, %reduce_sum3A_742 [1] : vector<256x256xf32> to vector<256xf32>
      %broadcast_in_dim3A_744 = vector.shape_cast %reduce_sum3A_743 : vector<256xf32> to vector<256x1xf32>
      %add3A_745 = arith.addf %mul3A_741, %broadcast_in_dim3A_744 : vector<256x1xf32>
      %mul3A_746 = vector.broadcast %exp3A_740 : vector<256x1xf32> to vector<256x64xf32>
      %mul3A_747 = arith.mulf %while3A_637, %mul3A_746 : vector<256x64xf32>
      %slice3A_748 = vector.extract_strided_slice %get3A_659 {offsets = [0, 192], sizes = [256, 64], strides = [1, 1]} : vector<256x1024xf32> to vector<256x64xf32>
      %dot_general3A_749 = arith.constant dense<0.000000e+00> : vector<256x64xf32>
      %dot_general3A_750 = tpu.matmul %exp3A_738, %slice3A_748, %dot_general3A_749 {dimension_numbers = #tpu.dot_dimension_numbers<[1], [0], [0], [1], [0, 0, 1, 1], [], []>, transpose_lhs_hint = false} : vector<256x256xf32>, vector<256x64xf32>, vector<256x64xf32> -> vector<256x64xf32>
      %add3A_751 = arith.addf %mul3A_747, %dot_general3A_750 : vector<256x64xf32>
      %slice3A_752 = vector.extract_strided_slice %get3A_654 {offsets = [0, 256], sizes = [256, 64], strides = [1, 1]} : vector<256x1024xf32> to vector<256x64xf32>
      %dot_general3A_753 = arith.constant dense<0.000000e+00> : vector<256x256xf32>
      %dot_general3A_754 = tpu.matmul %get3A_14, %slice3A_752, %dot_general3A_753 {dimension_numbers = #tpu.dot_dimension_numbers<[1], [1], [0], [0], [0, 0, 1, 0], [], []>, transpose_lhs_hint = false} : vector<256x64xf32>, vector<256x64xf32>, vector<256x256xf32> -> vector<256x256xf32>
      %reduce_max3A_755 = arith.constant dense<0xFF800000> : vector<256xf32>
      %reduce_max3A_756 = vector.multi_reduction <maximumf>, %dot_general3A_754, %reduce_max3A_755 [1] : vector<256x256xf32> to vector<256xf32>
      %broadcast_in_dim3A_757 = vector.shape_cast %reduce_max3A_756 : vector<256xf32> to vector<256x1xf32>
      %max3A_758 = arith.maximumf %while3A_606, %broadcast_in_dim3A_757 : vector<256x1xf32>
      %sub3A_759 = vector.broadcast %max3A_758 : vector<256x1xf32> to vector<256x256xf32>
      %sub3A_760 = arith.subf %dot_general3A_754, %sub3A_759 : vector<256x256xf32>
      %exp3A_761 = math.exp %sub3A_760 : vector<256x256xf32>
      %sub3A_762 = arith.subf %while3A_606, %max3A_758 : vector<256x1xf32>
      %exp3A_763 = math.exp %sub3A_762 : vector<256x1xf32>
      %mul3A_764 = arith.mulf %while3A_622, %exp3A_763 : vector<256x1xf32>
      %reduce_sum3A_765 = arith.constant dense<0.000000e+00> : vector<256xf32>
      %reduce_sum3A_766 = vector.multi_reduction <add>, %exp3A_761, %reduce_sum3A_765 [1] : vector<256x256xf32> to vector<256xf32>
      %broadcast_in_dim3A_767 = vector.shape_cast %reduce_sum3A_766 : vector<256xf32> to vector<256x1xf32>
      %add3A_768 = arith.addf %mul3A_764, %broadcast_in_dim3A_767 : vector<256x1xf32>
      %mul3A_769 = vector.broadcast %exp3A_763 : vector<256x1xf32> to vector<256x64xf32>
      %mul3A_770 = arith.mulf %while3A_638, %mul3A_769 : vector<256x64xf32>
      %slice3A_771 = vector.extract_strided_slice %get3A_659 {offsets = [0, 256], sizes = [256, 64], strides = [1, 1]} : vector<256x1024xf32> to vector<256x64xf32>
      %dot_general3A_772 = arith.constant dense<0.000000e+00> : vector<256x64xf32>
      %dot_general3A_773 = tpu.matmul %exp3A_761, %slice3A_771, %dot_general3A_772 {dimension_numbers = #tpu.dot_dimension_numbers<[1], [0], [0], [1], [0, 0, 1, 1], [], []>, transpose_lhs_hint = false} : vector<256x256xf32>, vector<256x64xf32>, vector<256x64xf32> -> vector<256x64xf32>
      %add3A_774 = arith.addf %mul3A_770, %dot_general3A_773 : vector<256x64xf32>
      %slice3A_775 = vector.extract_strided_slice %get3A_654 {offsets = [0, 320], sizes = [256, 64], strides = [1, 1]} : vector<256x1024xf32> to vector<256x64xf32>
      %dot_general3A_776 = arith.constant dense<0.000000e+00> : vector<256x256xf32>
      %dot_general3A_777 = tpu.matmul %get3A_17, %slice3A_775, %dot_general3A_776 {dimension_numbers = #tpu.dot_dimension_numbers<[1], [1], [0], [0], [0, 0, 1, 0], [], []>, transpose_lhs_hint = false} : vector<256x64xf32>, vector<256x64xf32>, vector<256x256xf32> -> vector<256x256xf32>
      %reduce_max3A_778 = arith.constant dense<0xFF800000> : vector<256xf32>
      %reduce_max3A_779 = vector.multi_reduction <maximumf>, %dot_general3A_777, %reduce_max3A_778 [1] : vector<256x256xf32> to vector<256xf32>
      %broadcast_in_dim3A_780 = vector.shape_cast %reduce_max3A_779 : vector<256xf32> to vector<256x1xf32>
      %max3A_781 = arith.maximumf %while3A_607, %broadcast_in_dim3A_780 : vector<256x1xf32>
      %sub3A_782 = vector.broadcast %max3A_781 : vector<256x1xf32> to vector<256x256xf32>
      %sub3A_783 = arith.subf %dot_general3A_777, %sub3A_782 : vector<256x256xf32>
      %exp3A_784 = math.exp %sub3A_783 : vector<256x256xf32>
      %sub3A_785 = arith.subf %while3A_607, %max3A_781 : vector<256x1xf32>
      %exp3A_786 = math.exp %sub3A_785 : vector<256x1xf32>
      %mul3A_787 = arith.mulf %while3A_623, %exp3A_786 : vector<256x1xf32>
      %reduce_sum3A_788 = arith.constant dense<0.000000e+00> : vector<256xf32>
      %reduce_sum3A_789 = vector.multi_reduction <add>, %exp3A_784, %reduce_sum3A_788 [1] : vector<256x256xf32> to vector<256xf32>
      %broadcast_in_dim3A_790 = vector.shape_cast %reduce_sum3A_789 : vector<256xf32> to vector<256x1xf32>
      %add3A_791 = arith.addf %mul3A_787, %broadcast_in_dim3A_790 : vector<256x1xf32>
      %mul3A_792 = vector.broadcast %exp3A_786 : vector<256x1xf32> to vector<256x64xf32>
      %mul3A_793 = arith.mulf %while3A_639, %mul3A_792 : vector<256x64xf32>
      %slice3A_794 = vector.extract_strided_slice %get3A_659 {offsets = [0, 320], sizes = [256, 64], strides = [1, 1]} : vector<256x1024xf32> to vector<256x64xf32>
      %dot_general3A_795 = arith.constant dense<0.000000e+00> : vector<256x64xf32>
      %dot_general3A_796 = tpu.matmul %exp3A_784, %slice3A_794, %dot_general3A_795 {dimension_numbers = #tpu.dot_dimension_numbers<[1], [0], [0], [1], [0, 0, 1, 1], [], []>, transpose_lhs_hint = false} : vector<256x256xf32>, vector<256x64xf32>, vector<256x64xf32> -> vector<256x64xf32>
      %add3A_797 = arith.addf %mul3A_793, %dot_general3A_796 : vector<256x64xf32>
      %slice3A_798 = vector.extract_strided_slice %get3A_654 {offsets = [0, 384], sizes = [256, 64], strides = [1, 1]} : vector<256x1024xf32> to vector<256x64xf32>
      %dot_general3A_799 = arith.constant dense<0.000000e+00> : vector<256x256xf32>
      %dot_general3A_800 = tpu.matmul %get3A_20, %slice3A_798, %dot_general3A_799 {dimension_numbers = #tpu.dot_dimension_numbers<[1], [1], [0], [0], [0, 0, 1, 0], [], []>, transpose_lhs_hint = false} : vector<256x64xf32>, vector<256x64xf32>, vector<256x256xf32> -> vector<256x256xf32>
      %reduce_max3A_801 = arith.constant dense<0xFF800000> : vector<256xf32>
      %reduce_max3A_802 = vector.multi_reduction <maximumf>, %dot_general3A_800, %reduce_max3A_801 [1] : vector<256x256xf32> to vector<256xf32>
      %broadcast_in_dim3A_803 = vector.shape_cast %reduce_max3A_802 : vector<256xf32> to vector<256x1xf32>
      %max3A_804 = arith.maximumf %while3A_608, %broadcast_in_dim3A_803 : vector<256x1xf32>
      %sub3A_805 = vector.broadcast %max3A_804 : vector<256x1xf32> to vector<256x256xf32>
      %sub3A_806 = arith.subf %dot_general3A_800, %sub3A_805 : vector<256x256xf32>
      %exp3A_807 = math.exp %sub3A_806 : vector<256x256xf32>
      %sub3A_808 = arith.subf %while3A_608, %max3A_804 : vector<256x1xf32>
      %exp3A_809 = math.exp %sub3A_808 : vector<256x1xf32>
      %mul3A_810 = arith.mulf %while3A_624, %exp3A_809 : vector<256x1xf32>
      %reduce_sum3A_811 = arith.constant dense<0.000000e+00> : vector<256xf32>
      %reduce_sum3A_812 = vector.multi_reduction <add>, %exp3A_807, %reduce_sum3A_811 [1] : vector<256x256xf32> to vector<256xf32>
      %broadcast_in_dim3A_813 = vector.shape_cast %reduce_sum3A_812 : vector<256xf32> to vector<256x1xf32>
      %add3A_814 = arith.addf %mul3A_810, %broadcast_in_dim3A_813 : vector<256x1xf32>
      %mul3A_815 = vector.broadcast %exp3A_809 : vector<256x1xf32> to vector<256x64xf32>
      %mul3A_816 = arith.mulf %while3A_640, %mul3A_815 : vector<256x64xf32>
      %slice3A_817 = vector.extract_strided_slice %get3A_659 {offsets = [0, 384], sizes = [256, 64], strides = [1, 1]} : vector<256x1024xf32> to vector<256x64xf32>
      %dot_general3A_818 = arith.constant dense<0.000000e+00> : vector<256x64xf32>
      %dot_general3A_819 = tpu.matmul %exp3A_807, %slice3A_817, %dot_general3A_818 {dimension_numbers = #tpu.dot_dimension_numbers<[1], [0], [0], [1], [0, 0, 1, 1], [], []>, transpose_lhs_hint = false} : vector<256x256xf32>, vector<256x64xf32>, vector<256x64xf32> -> vector<256x64xf32>
      %add3A_820 = arith.addf %mul3A_816, %dot_general3A_819 : vector<256x64xf32>
      %slice3A_821 = vector.extract_strided_slice %get3A_654 {offsets = [0, 448], sizes = [256, 64], strides = [1, 1]} : vector<256x1024xf32> to vector<256x64xf32>
      %dot_general3A_822 = arith.constant dense<0.000000e+00> : vector<256x256xf32>
      %dot_general3A_823 = tpu.matmul %get3A_23, %slice3A_821, %dot_general3A_822 {dimension_numbers = #tpu.dot_dimension_numbers<[1], [1], [0], [0], [0, 0, 1, 0], [], []>, transpose_lhs_hint = false} : vector<256x64xf32>, vector<256x64xf32>, vector<256x256xf32> -> vector<256x256xf32>
      %reduce_max3A_824 = arith.constant dense<0xFF800000> : vector<256xf32>
      %reduce_max3A_825 = vector.multi_reduction <maximumf>, %dot_general3A_823, %reduce_max3A_824 [1] : vector<256x256xf32> to vector<256xf32>
      %broadcast_in_dim3A_826 = vector.shape_cast %reduce_max3A_825 : vector<256xf32> to vector<256x1xf32>
      %max3A_827 = arith.maximumf %while3A_609, %broadcast_in_dim3A_826 : vector<256x1xf32>
      %sub3A_828 = vector.broadcast %max3A_827 : vector<256x1xf32> to vector<256x256xf32>
      %sub3A_829 = arith.subf %dot_general3A_823, %sub3A_828 : vector<256x256xf32>
      %exp3A_830 = math.exp %sub3A_829 : vector<256x256xf32>
      %sub3A_831 = arith.subf %while3A_609, %max3A_827 : vector<256x1xf32>
      %exp3A_832 = math.exp %sub3A_831 : vector<256x1xf32>
      %mul3A_833 = arith.mulf %while3A_625, %exp3A_832 : vector<256x1xf32>
      %reduce_sum3A_834 = arith.constant dense<0.000000e+00> : vector<256xf32>
      %reduce_sum3A_835 = vector.multi_reduction <add>, %exp3A_830, %reduce_sum3A_834 [1] : vector<256x256xf32> to vector<256xf32>
      %broadcast_in_dim3A_836 = vector.shape_cast %reduce_sum3A_835 : vector<256xf32> to vector<256x1xf32>
      %add3A_837 = arith.addf %mul3A_833, %broadcast_in_dim3A_836 : vector<256x1xf32>
      %mul3A_838 = vector.broadcast %exp3A_832 : vector<256x1xf32> to vector<256x64xf32>
      %mul3A_839 = arith.mulf %while3A_641, %mul3A_838 : vector<256x64xf32>
      %slice3A_840 = vector.extract_strided_slice %get3A_659 {offsets = [0, 448], sizes = [256, 64], strides = [1, 1]} : vector<256x1024xf32> to vector<256x64xf32>
      %dot_general3A_841 = arith.constant dense<0.000000e+00> : vector<256x64xf32>
      %dot_general3A_842 = tpu.matmul %exp3A_830, %slice3A_840, %dot_general3A_841 {dimension_numbers = #tpu.dot_dimension_numbers<[1], [0], [0], [1], [0, 0, 1, 1], [], []>, transpose_lhs_hint = false} : vector<256x256xf32>, vector<256x64xf32>, vector<256x64xf32> -> vector<256x64xf32>
      %add3A_843 = arith.addf %mul3A_839, %dot_general3A_842 : vector<256x64xf32>
      %slice3A_844 = vector.extract_strided_slice %get3A_654 {offsets = [0, 512], sizes = [256, 64], strides = [1, 1]} : vector<256x1024xf32> to vector<256x64xf32>
      %dot_general3A_845 = arith.constant dense<0.000000e+00> : vector<256x256xf32>
      %dot_general3A_846 = tpu.matmul %get3A_26, %slice3A_844, %dot_general3A_845 {dimension_numbers = #tpu.dot_dimension_numbers<[1], [1], [0], [0], [0, 0, 1, 0], [], []>, transpose_lhs_hint = false} : vector<256x64xf32>, vector<256x64xf32>, vector<256x256xf32> -> vector<256x256xf32>
      %reduce_max3A_847 = arith.constant dense<0xFF800000> : vector<256xf32>
      %reduce_max3A_848 = vector.multi_reduction <maximumf>, %dot_general3A_846, %reduce_max3A_847 [1] : vector<256x256xf32> to vector<256xf32>
      %broadcast_in_dim3A_849 = vector.shape_cast %reduce_max3A_848 : vector<256xf32> to vector<256x1xf32>
      %max3A_850 = arith.maximumf %while3A_610, %broadcast_in_dim3A_849 : vector<256x1xf32>
      %sub3A_851 = vector.broadcast %max3A_850 : vector<256x1xf32> to vector<256x256xf32>
      %sub3A_852 = arith.subf %dot_general3A_846, %sub3A_851 : vector<256x256xf32>
      %exp3A_853 = math.exp %sub3A_852 : vector<256x256xf32>
      %sub3A_854 = arith.subf %while3A_610, %max3A_850 : vector<256x1xf32>
      %exp3A_855 = math.exp %sub3A_854 : vector<256x1xf32>
      %mul3A_856 = arith.mulf %while3A_626, %exp3A_855 : vector<256x1xf32>
      %reduce_sum3A_857 = arith.constant dense<0.000000e+00> : vector<256xf32>
      %reduce_sum3A_858 = vector.multi_reduction <add>, %exp3A_853, %reduce_sum3A_857 [1] : vector<256x256xf32> to vector<256xf32>
      %broadcast_in_dim3A_859 = vector.shape_cast %reduce_sum3A_858 : vector<256xf32> to vector<256x1xf32>
      %add3A_860 = arith.addf %mul3A_856, %broadcast_in_dim3A_859 : vector<256x1xf32>
      %mul3A_861 = vector.broadcast %exp3A_855 : vector<256x1xf32> to vector<256x64xf32>
      %mul3A_862 = arith.mulf %while3A_642, %mul3A_861 : vector<256x64xf32>
      %slice3A_863 = vector.extract_strided_slice %get3A_659 {offsets = [0, 512], sizes = [256, 64], strides = [1, 1]} : vector<256x1024xf32> to vector<256x64xf32>
      %dot_general3A_864 = arith.constant dense<0.000000e+00> : vector<256x64xf32>
      %dot_general3A_865 = tpu.matmul %exp3A_853, %slice3A_863, %dot_general3A_864 {dimension_numbers = #tpu.dot_dimension_numbers<[1], [0], [0], [1], [0, 0, 1, 1], [], []>, transpose_lhs_hint = false} : vector<256x256xf32>, vector<256x64xf32>, vector<256x64xf32> -> vector<256x64xf32>
      %add3A_866 = arith.addf %mul3A_862, %dot_general3A_865 : vector<256x64xf32>
      %slice3A_867 = vector.extract_strided_slice %get3A_654 {offsets = [0, 576], sizes = [256, 64], strides = [1, 1]} : vector<256x1024xf32> to vector<256x64xf32>
      %dot_general3A_868 = arith.constant dense<0.000000e+00> : vector<256x256xf32>
      %dot_general3A_869 = tpu.matmul %get3A_29, %slice3A_867, %dot_general3A_868 {dimension_numbers = #tpu.dot_dimension_numbers<[1], [1], [0], [0], [0, 0, 1, 0], [], []>, transpose_lhs_hint = false} : vector<256x64xf32>, vector<256x64xf32>, vector<256x256xf32> -> vector<256x256xf32>
      %reduce_max3A_870 = arith.constant dense<0xFF800000> : vector<256xf32>
      %reduce_max3A_871 = vector.multi_reduction <maximumf>, %dot_general3A_869, %reduce_max3A_870 [1] : vector<256x256xf32> to vector<256xf32>
      %broadcast_in_dim3A_872 = vector.shape_cast %reduce_max3A_871 : vector<256xf32> to vector<256x1xf32>
      %max3A_873 = arith.maximumf %while3A_611, %broadcast_in_dim3A_872 : vector<256x1xf32>
      %sub3A_874 = vector.broadcast %max3A_873 : vector<256x1xf32> to vector<256x256xf32>
      %sub3A_875 = arith.subf %dot_general3A_869, %sub3A_874 : vector<256x256xf32>
      %exp3A_876 = math.exp %sub3A_875 : vector<256x256xf32>
      %sub3A_877 = arith.subf %while3A_611, %max3A_873 : vector<256x1xf32>
      %exp3A_878 = math.exp %sub3A_877 : vector<256x1xf32>
      %mul3A_879 = arith.mulf %while3A_627, %exp3A_878 : vector<256x1xf32>
      %reduce_sum3A_880 = arith.constant dense<0.000000e+00> : vector<256xf32>
      %reduce_sum3A_881 = vector.multi_reduction <add>, %exp3A_876, %reduce_sum3A_880 [1] : vector<256x256xf32> to vector<256xf32>
      %broadcast_in_dim3A_882 = vector.shape_cast %reduce_sum3A_881 : vector<256xf32> to vector<256x1xf32>
      %add3A_883 = arith.addf %mul3A_879, %broadcast_in_dim3A_882 : vector<256x1xf32>
      %mul3A_884 = vector.broadcast %exp3A_878 : vector<256x1xf32> to vector<256x64xf32>
      %mul3A_885 = arith.mulf %while3A_643, %mul3A_884 : vector<256x64xf32>
      %slice3A_886 = vector.extract_strided_slice %get3A_659 {offsets = [0, 576], sizes = [256, 64], strides = [1, 1]} : vector<256x1024xf32> to vector<256x64xf32>
      %dot_general3A_887 = arith.constant dense<0.000000e+00> : vector<256x64xf32>
      %dot_general3A_888 = tpu.matmul %exp3A_876, %slice3A_886, %dot_general3A_887 {dimension_numbers = #tpu.dot_dimension_numbers<[1], [0], [0], [1], [0, 0, 1, 1], [], []>, transpose_lhs_hint = false} : vector<256x256xf32>, vector<256x64xf32>, vector<256x64xf32> -> vector<256x64xf32>
      %add3A_889 = arith.addf %mul3A_885, %dot_general3A_888 : vector<256x64xf32>
      %slice3A_890 = vector.extract_strided_slice %get3A_654 {offsets = [0, 640], sizes = [256, 64], strides = [1, 1]} : vector<256x1024xf32> to vector<256x64xf32>
      %dot_general3A_891 = arith.constant dense<0.000000e+00> : vector<256x256xf32>
      %dot_general3A_892 = tpu.matmul %get3A_32, %slice3A_890, %dot_general3A_891 {dimension_numbers = #tpu.dot_dimension_numbers<[1], [1], [0], [0], [0, 0, 1, 0], [], []>, transpose_lhs_hint = false} : vector<256x64xf32>, vector<256x64xf32>, vector<256x256xf32> -> vector<256x256xf32>
      %reduce_max3A_893 = arith.constant dense<0xFF800000> : vector<256xf32>
      %reduce_max3A_894 = vector.multi_reduction <maximumf>, %dot_general3A_892, %reduce_max3A_893 [1] : vector<256x256xf32> to vector<256xf32>
      %broadcast_in_dim3A_895 = vector.shape_cast %reduce_max3A_894 : vector<256xf32> to vector<256x1xf32>
      %max3A_896 = arith.maximumf %while3A_612, %broadcast_in_dim3A_895 : vector<256x1xf32>
      %sub3A_897 = vector.broadcast %max3A_896 : vector<256x1xf32> to vector<256x256xf32>
      %sub3A_898 = arith.subf %dot_general3A_892, %sub3A_897 : vector<256x256xf32>
      %exp3A_899 = math.exp %sub3A_898 : vector<256x256xf32>
      %sub3A_900 = arith.subf %while3A_612, %max3A_896 : vector<256x1xf32>
      %exp3A_901 = math.exp %sub3A_900 : vector<256x1xf32>
      %mul3A_902 = arith.mulf %while3A_628, %exp3A_901 : vector<256x1xf32>
      %reduce_sum3A_903 = arith.constant dense<0.000000e+00> : vector<256xf32>
      %reduce_sum3A_904 = vector.multi_reduction <add>, %exp3A_899, %reduce_sum3A_903 [1] : vector<256x256xf32> to vector<256xf32>
      %broadcast_in_dim3A_905 = vector.shape_cast %reduce_sum3A_904 : vector<256xf32> to vector<256x1xf32>
      %add3A_906 = arith.addf %mul3A_902, %broadcast_in_dim3A_905 : vector<256x1xf32>
      %mul3A_907 = vector.broadcast %exp3A_901 : vector<256x1xf32> to vector<256x64xf32>
      %mul3A_908 = arith.mulf %while3A_644, %mul3A_907 : vector<256x64xf32>
      %slice3A_909 = vector.extract_strided_slice %get3A_659 {offsets = [0, 640], sizes = [256, 64], strides = [1, 1]} : vector<256x1024xf32> to vector<256x64xf32>
      %dot_general3A_910 = arith.constant dense<0.000000e+00> : vector<256x64xf32>
      %dot_general3A_911 = tpu.matmul %exp3A_899, %slice3A_909, %dot_general3A_910 {dimension_numbers = #tpu.dot_dimension_numbers<[1], [0], [0], [1], [0, 0, 1, 1], [], []>, transpose_lhs_hint = false} : vector<256x256xf32>, vector<256x64xf32>, vector<256x64xf32> -> vector<256x64xf32>
      %add3A_912 = arith.addf %mul3A_908, %dot_general3A_911 : vector<256x64xf32>
      %slice3A_913 = vector.extract_strided_slice %get3A_654 {offsets = [0, 704], sizes = [256, 64], strides = [1, 1]} : vector<256x1024xf32> to vector<256x64xf32>
      %dot_general3A_914 = arith.constant dense<0.000000e+00> : vector<256x256xf32>
      %dot_general3A_915 = tpu.matmul %get3A_35, %slice3A_913, %dot_general3A_914 {dimension_numbers = #tpu.dot_dimension_numbers<[1], [1], [0], [0], [0, 0, 1, 0], [], []>, transpose_lhs_hint = false} : vector<256x64xf32>, vector<256x64xf32>, vector<256x256xf32> -> vector<256x256xf32>
      %reduce_max3A_916 = arith.constant dense<0xFF800000> : vector<256xf32>
      %reduce_max3A_917 = vector.multi_reduction <maximumf>, %dot_general3A_915, %reduce_max3A_916 [1] : vector<256x256xf32> to vector<256xf32>
      %broadcast_in_dim3A_918 = vector.shape_cast %reduce_max3A_917 : vector<256xf32> to vector<256x1xf32>
      %max3A_919 = arith.maximumf %while3A_613, %broadcast_in_dim3A_918 : vector<256x1xf32>
      %sub3A_920 = vector.broadcast %max3A_919 : vector<256x1xf32> to vector<256x256xf32>
      %sub3A_921 = arith.subf %dot_general3A_915, %sub3A_920 : vector<256x256xf32>
      %exp3A_922 = math.exp %sub3A_921 : vector<256x256xf32>
      %sub3A_923 = arith.subf %while3A_613, %max3A_919 : vector<256x1xf32>
      %exp3A_924 = math.exp %sub3A_923 : vector<256x1xf32>
      %mul3A_925 = arith.mulf %while3A_629, %exp3A_924 : vector<256x1xf32>
      %reduce_sum3A_926 = arith.constant dense<0.000000e+00> : vector<256xf32>
      %reduce_sum3A_927 = vector.multi_reduction <add>, %exp3A_922, %reduce_sum3A_926 [1] : vector<256x256xf32> to vector<256xf32>
      %broadcast_in_dim3A_928 = vector.shape_cast %reduce_sum3A_927 : vector<256xf32> to vector<256x1xf32>
      %add3A_929 = arith.addf %mul3A_925, %broadcast_in_dim3A_928 : vector<256x1xf32>
      %mul3A_930 = vector.broadcast %exp3A_924 : vector<256x1xf32> to vector<256x64xf32>
      %mul3A_931 = arith.mulf %while3A_645, %mul3A_930 : vector<256x64xf32>
      %slice3A_932 = vector.extract_strided_slice %get3A_659 {offsets = [0, 704], sizes = [256, 64], strides = [1, 1]} : vector<256x1024xf32> to vector<256x64xf32>
      %dot_general3A_933 = arith.constant dense<0.000000e+00> : vector<256x64xf32>
      %dot_general3A_934 = tpu.matmul %exp3A_922, %slice3A_932, %dot_general3A_933 {dimension_numbers = #tpu.dot_dimension_numbers<[1], [0], [0], [1], [0, 0, 1, 1], [], []>, transpose_lhs_hint = false} : vector<256x256xf32>, vector<256x64xf32>, vector<256x64xf32> -> vector<256x64xf32>
      %add3A_935 = arith.addf %mul3A_931, %dot_general3A_934 : vector<256x64xf32>
      %slice3A_936 = vector.extract_strided_slice %get3A_654 {offsets = [0, 768], sizes = [256, 64], strides = [1, 1]} : vector<256x1024xf32> to vector<256x64xf32>
      %dot_general3A_937 = arith.constant dense<0.000000e+00> : vector<256x256xf32>
      %dot_general3A_938 = tpu.matmul %get3A_38, %slice3A_936, %dot_general3A_937 {dimension_numbers = #tpu.dot_dimension_numbers<[1], [1], [0], [0], [0, 0, 1, 0], [], []>, transpose_lhs_hint = false} : vector<256x64xf32>, vector<256x64xf32>, vector<256x256xf32> -> vector<256x256xf32>
      %reduce_max3A_939 = arith.constant dense<0xFF800000> : vector<256xf32>
      %reduce_max3A_940 = vector.multi_reduction <maximumf>, %dot_general3A_938, %reduce_max3A_939 [1] : vector<256x256xf32> to vector<256xf32>
      %broadcast_in_dim3A_941 = vector.shape_cast %reduce_max3A_940 : vector<256xf32> to vector<256x1xf32>
      %max3A_942 = arith.maximumf %while3A_614, %broadcast_in_dim3A_941 : vector<256x1xf32>
      %sub3A_943 = vector.broadcast %max3A_942 : vector<256x1xf32> to vector<256x256xf32>
      %sub3A_944 = arith.subf %dot_general3A_938, %sub3A_943 : vector<256x256xf32>
      %exp3A_945 = math.exp %sub3A_944 : vector<256x256xf32>
      %sub3A_946 = arith.subf %while3A_614, %max3A_942 : vector<256x1xf32>
      %exp3A_947 = math.exp %sub3A_946 : vector<256x1xf32>
      %mul3A_948 = arith.mulf %while3A_630, %exp3A_947 : vector<256x1xf32>
      %reduce_sum3A_949 = arith.constant dense<0.000000e+00> : vector<256xf32>
      %reduce_sum3A_950 = vector.multi_reduction <add>, %exp3A_945, %reduce_sum3A_949 [1] : vector<256x256xf32> to vector<256xf32>
      %broadcast_in_dim3A_951 = vector.shape_cast %reduce_sum3A_950 : vector<256xf32> to vector<256x1xf32>
      %add3A_952 = arith.addf %mul3A_948, %broadcast_in_dim3A_951 : vector<256x1xf32>
      %mul3A_953 = vector.broadcast %exp3A_947 : vector<256x1xf32> to vector<256x64xf32>
      %mul3A_954 = arith.mulf %while3A_646, %mul3A_953 : vector<256x64xf32>
      %slice3A_955 = vector.extract_strided_slice %get3A_659 {offsets = [0, 768], sizes = [256, 64], strides = [1, 1]} : vector<256x1024xf32> to vector<256x64xf32>
      %dot_general3A_956 = arith.constant dense<0.000000e+00> : vector<256x64xf32>
      %dot_general3A_957 = tpu.matmul %exp3A_945, %slice3A_955, %dot_general3A_956 {dimension_numbers = #tpu.dot_dimension_numbers<[1], [0], [0], [1], [0, 0, 1, 1], [], []>, transpose_lhs_hint = false} : vector<256x256xf32>, vector<256x64xf32>, vector<256x64xf32> -> vector<256x64xf32>
      %add3A_958 = arith.addf %mul3A_954, %dot_general3A_957 : vector<256x64xf32>
      %slice3A_959 = vector.extract_strided_slice %get3A_654 {offsets = [0, 832], sizes = [256, 64], strides = [1, 1]} : vector<256x1024xf32> to vector<256x64xf32>
      %dot_general3A_960 = arith.constant dense<0.000000e+00> : vector<256x256xf32>
      %dot_general3A_961 = tpu.matmul %get3A_41, %slice3A_959, %dot_general3A_960 {dimension_numbers = #tpu.dot_dimension_numbers<[1], [1], [0], [0], [0, 0, 1, 0], [], []>, transpose_lhs_hint = false} : vector<256x64xf32>, vector<256x64xf32>, vector<256x256xf32> -> vector<256x256xf32>
      %reduce_max3A_962 = arith.constant dense<0xFF800000> : vector<256xf32>
      %reduce_max3A_963 = vector.multi_reduction <maximumf>, %dot_general3A_961, %reduce_max3A_962 [1] : vector<256x256xf32> to vector<256xf32>
      %broadcast_in_dim3A_964 = vector.shape_cast %reduce_max3A_963 : vector<256xf32> to vector<256x1xf32>
      %max3A_965 = arith.maximumf %while3A_615, %broadcast_in_dim3A_964 : vector<256x1xf32>
      %sub3A_966 = vector.broadcast %max3A_965 : vector<256x1xf32> to vector<256x256xf32>
      %sub3A_967 = arith.subf %dot_general3A_961, %sub3A_966 : vector<256x256xf32>
      %exp3A_968 = math.exp %sub3A_967 : vector<256x256xf32>
      %sub3A_969 = arith.subf %while3A_615, %max3A_965 : vector<256x1xf32>
      %exp3A_970 = math.exp %sub3A_969 : vector<256x1xf32>
      %mul3A_971 = arith.mulf %while3A_631, %exp3A_970 : vector<256x1xf32>
      %reduce_sum3A_972 = arith.constant dense<0.000000e+00> : vector<256xf32>
      %reduce_sum3A_973 = vector.multi_reduction <add>, %exp3A_968, %reduce_sum3A_972 [1] : vector<256x256xf32> to vector<256xf32>
      %broadcast_in_dim3A_974 = vector.shape_cast %reduce_sum3A_973 : vector<256xf32> to vector<256x1xf32>
      %add3A_975 = arith.addf %mul3A_971, %broadcast_in_dim3A_974 : vector<256x1xf32>
      %mul3A_976 = vector.broadcast %exp3A_970 : vector<256x1xf32> to vector<256x64xf32>
      %mul3A_977 = arith.mulf %while3A_647, %mul3A_976 : vector<256x64xf32>
      %slice3A_978 = vector.extract_strided_slice %get3A_659 {offsets = [0, 832], sizes = [256, 64], strides = [1, 1]} : vector<256x1024xf32> to vector<256x64xf32>
      %dot_general3A_979 = arith.constant dense<0.000000e+00> : vector<256x64xf32>
      %dot_general3A_980 = tpu.matmul %exp3A_968, %slice3A_978, %dot_general3A_979 {dimension_numbers = #tpu.dot_dimension_numbers<[1], [0], [0], [1], [0, 0, 1, 1], [], []>, transpose_lhs_hint = false} : vector<256x256xf32>, vector<256x64xf32>, vector<256x64xf32> -> vector<256x64xf32>
      %add3A_981 = arith.addf %mul3A_977, %dot_general3A_980 : vector<256x64xf32>
      %slice3A_982 = vector.extract_strided_slice %get3A_654 {offsets = [0, 896], sizes = [256, 64], strides = [1, 1]} : vector<256x1024xf32> to vector<256x64xf32>
      %dot_general3A_983 = arith.constant dense<0.000000e+00> : vector<256x256xf32>
      %dot_general3A_984 = tpu.matmul %get3A_44, %slice3A_982, %dot_general3A_983 {dimension_numbers = #tpu.dot_dimension_numbers<[1], [1], [0], [0], [0, 0, 1, 0], [], []>, transpose_lhs_hint = false} : vector<256x64xf32>, vector<256x64xf32>, vector<256x256xf32> -> vector<256x256xf32>
      %reduce_max3A_985 = arith.constant dense<0xFF800000> : vector<256xf32>
      %reduce_max3A_986 = vector.multi_reduction <maximumf>, %dot_general3A_984, %reduce_max3A_985 [1] : vector<256x256xf32> to vector<256xf32>
      %broadcast_in_dim3A_987 = vector.shape_cast %reduce_max3A_986 : vector<256xf32> to vector<256x1xf32>
      %max3A_988 = arith.maximumf %while3A_616, %broadcast_in_dim3A_987 : vector<256x1xf32>
      %sub3A_989 = vector.broadcast %max3A_988 : vector<256x1xf32> to vector<256x256xf32>
      %sub3A_990 = arith.subf %dot_general3A_984, %sub3A_989 : vector<256x256xf32>
      %exp3A_991 = math.exp %sub3A_990 : vector<256x256xf32>
      %sub3A_992 = arith.subf %while3A_616, %max3A_988 : vector<256x1xf32>
      %exp3A_993 = math.exp %sub3A_992 : vector<256x1xf32>
      %mul3A_994 = arith.mulf %while3A_632, %exp3A_993 : vector<256x1xf32>
      %reduce_sum3A_995 = arith.constant dense<0.000000e+00> : vector<256xf32>
      %reduce_sum3A_996 = vector.multi_reduction <add>, %exp3A_991, %reduce_sum3A_995 [1] : vector<256x256xf32> to vector<256xf32>
      %broadcast_in_dim3A_997 = vector.shape_cast %reduce_sum3A_996 : vector<256xf32> to vector<256x1xf32>
      %add3A_998 = arith.addf %mul3A_994, %broadcast_in_dim3A_997 : vector<256x1xf32>
      %mul3A_999 = vector.broadcast %exp3A_993 : vector<256x1xf32> to vector<256x64xf32>
      %mul3A_1000 = arith.mulf %while3A_648, %mul3A_999 : vector<256x64xf32>
      %slice3A_1001 = vector.extract_strided_slice %get3A_659 {offsets = [0, 896], sizes = [256, 64], strides = [1, 1]} : vector<256x1024xf32> to vector<256x64xf32>
      %dot_general3A_1002 = arith.constant dense<0.000000e+00> : vector<256x64xf32>
      %dot_general3A_1003 = tpu.matmul %exp3A_991, %slice3A_1001, %dot_general3A_1002 {dimension_numbers = #tpu.dot_dimension_numbers<[1], [0], [0], [1], [0, 0, 1, 1], [], []>, transpose_lhs_hint = false} : vector<256x256xf32>, vector<256x64xf32>, vector<256x64xf32> -> vector<256x64xf32>
      %add3A_1004 = arith.addf %mul3A_1000, %dot_general3A_1003 : vector<256x64xf32>
      %slice3A_1005 = vector.extract_strided_slice %get3A_654 {offsets = [0, 960], sizes = [256, 64], strides = [1, 1]} : vector<256x1024xf32> to vector<256x64xf32>
      %dot_general3A_1006 = arith.constant dense<0.000000e+00> : vector<256x256xf32>
      %dot_general3A_1007 = tpu.matmul %get3A_47, %slice3A_1005, %dot_general3A_1006 {dimension_numbers = #tpu.dot_dimension_numbers<[1], [1], [0], [0], [0, 0, 1, 0], [], []>, transpose_lhs_hint = false} : vector<256x64xf32>, vector<256x64xf32>, vector<256x256xf32> -> vector<256x256xf32>
      %reduce_max3A_1008 = arith.constant dense<0xFF800000> : vector<256xf32>
      %reduce_max3A_1009 = vector.multi_reduction <maximumf>, %dot_general3A_1007, %reduce_max3A_1008 [1] : vector<256x256xf32> to vector<256xf32>
      %broadcast_in_dim3A_1010 = vector.shape_cast %reduce_max3A_1009 : vector<256xf32> to vector<256x1xf32>
      %max3A_1011 = arith.maximumf %while3A_617, %broadcast_in_dim3A_1010 : vector<256x1xf32>
      %sub3A_1012 = vector.broadcast %max3A_1011 : vector<256x1xf32> to vector<256x256xf32>
      %sub3A_1013 = arith.subf %dot_general3A_1007, %sub3A_1012 : vector<256x256xf32>
      %exp3A_1014 = math.exp %sub3A_1013 : vector<256x256xf32>
      %sub3A_1015 = arith.subf %while3A_617, %max3A_1011 : vector<256x1xf32>
      %exp3A_1016 = math.exp %sub3A_1015 : vector<256x1xf32>
      %mul3A_1017 = arith.mulf %while3A_633, %exp3A_1016 : vector<256x1xf32>
      %reduce_sum3A_1018 = arith.constant dense<0.000000e+00> : vector<256xf32>
      %reduce_sum3A_1019 = vector.multi_reduction <add>, %exp3A_1014, %reduce_sum3A_1018 [1] : vector<256x256xf32> to vector<256xf32>
      %broadcast_in_dim3A_1020 = vector.shape_cast %reduce_sum3A_1019 : vector<256xf32> to vector<256x1xf32>
      %add3A_1021 = arith.addf %mul3A_1017, %broadcast_in_dim3A_1020 : vector<256x1xf32>
      %mul3A_1022 = vector.broadcast %exp3A_1016 : vector<256x1xf32> to vector<256x64xf32>
      %mul3A_1023 = arith.mulf %while3A_649, %mul3A_1022 : vector<256x64xf32>
      %slice3A_1024 = vector.extract_strided_slice %get3A_659 {offsets = [0, 960], sizes = [256, 64], strides = [1, 1]} : vector<256x1024xf32> to vector<256x64xf32>
      %dot_general3A_1025 = arith.constant dense<0.000000e+00> : vector<256x64xf32>
      %dot_general3A_1026 = tpu.matmul %exp3A_1014, %slice3A_1024, %dot_general3A_1025 {dimension_numbers = #tpu.dot_dimension_numbers<[1], [0], [0], [1], [0, 0, 1, 1], [], []>, transpose_lhs_hint = false} : vector<256x256xf32>, vector<256x64xf32>, vector<256x64xf32> -> vector<256x64xf32>
      %add3A_1027 = arith.addf %mul3A_1023, %dot_general3A_1026 : vector<256x64xf32>
      scf.yield %max3A_666, %max3A_689, %max3A_712, %max3A_735, %max3A_758, %max3A_781, %max3A_804, %max3A_827, %max3A_850, %max3A_873, %max3A_896, %max3A_919, %max3A_942, %max3A_965, %max3A_988, %max3A_1011, %add3A_676, %add3A_699, %add3A_722, %add3A_745, %add3A_768, %add3A_791, %add3A_814, %add3A_837, %add3A_860, %add3A_883, %add3A_906, %add3A_929, %add3A_952, %add3A_975, %add3A_998, %add3A_1021, %add3A_682, %add3A_705, %add3A_728, %add3A_751, %add3A_774, %add3A_797, %add3A_820, %add3A_843, %add3A_866, %add3A_889, %add3A_912, %add3A_935, %add3A_958, %add3A_981, %add3A_1004, %add3A_1027 : vector<256x1xf32>, vector<256x1xf32>, vector<256x1xf32>, vector<256x1xf32>, vector<256x1xf32>, vector<256x1xf32>, vector<256x1xf32>, vector<256x1xf32>, vector<256x1xf32>, vector<256x1xf32>, vector<256x1xf32>, vector<256x1xf32>, vector<256x1xf32>, vector<256x1xf32>, vector<256x1xf32>, vector<256x1xf32>, vector<256x1xf32>, vector<256x1xf32>, vector<256x1xf32>, vector<256x1xf32>, vector<256x1xf32>, vector<256x1xf32>, vector<256x1xf32>, vector<256x1xf32>, vector<256x1xf32>, vector<256x1xf32>, vector<256x1xf32>, vector<256x1xf32>, vector<256x1xf32>, vector<256x1xf32>, vector<256x1xf32>, vector<256x1xf32>, vector<256x64xf32>, vector<256x64xf32>, vector<256x64xf32>, vector<256x64xf32>, vector<256x64xf32>, vector<256x64xf32>, vector<256x64xf32>, vector<256x64xf32>, vector<256x64xf32>, vector<256x64xf32>, vector<256x64xf32>, vector<256x64xf32>, vector<256x64xf32>, vector<256x64xf32>, vector<256x64xf32>, vector<256x64xf32>
    }
    %while3A_151 = arith.constant 1 : i32
    %while3A_152:48 = scf.for %while3A_601 = %while3A_148 to %while3A_144 step %while3A_151 iter_args(%while3A_602 = %while3A_150#0, %while3A_603 = %while3A_150#1, %while3A_604 = %while3A_150#2, %while3A_605 = %while3A_150#3, %while3A_606 = %while3A_150#4, %while3A_607 = %while3A_150#5, %while3A_608 = %while3A_150#6, %while3A_609 = %while3A_150#7, %while3A_610 = %while3A_150#8, %while3A_611 = %while3A_150#9, %while3A_612 = %while3A_150#10, %while3A_613 = %while3A_150#11, %while3A_614 = %while3A_150#12, %while3A_615 = %while3A_150#13, %while3A_616 = %while3A_150#14, %while3A_617 = %while3A_150#15, %while3A_618 = %while3A_150#16, %while3A_619 = %while3A_150#17, %while3A_620 = %while3A_150#18, %while3A_621 = %while3A_150#19, %while3A_622 = %while3A_150#20, %while3A_623 = %while3A_150#21, %while3A_624 = %while3A_150#22, %while3A_625 = %while3A_150#23, %while3A_626 = %while3A_150#24, %while3A_627 = %while3A_150#25, %while3A_628 = %while3A_150#26, %while3A_629 = %while3A_150#27, %while3A_630 = %while3A_150#28, %while3A_631 = %while3A_150#29, %while3A_632 = %while3A_150#30, %while3A_633 = %while3A_150#31, %while3A_634 = %while3A_150#32, %while3A_635 = %while3A_150#33, %while3A_636 = %while3A_150#34, %while3A_637 = %while3A_150#35, %while3A_638 = %while3A_150#36, %while3A_639 = %while3A_150#37, %while3A_640 = %while3A_150#38, %while3A_641 = %while3A_150#39, %while3A_642 = %while3A_150#40, %while3A_643 = %while3A_150#41, %while3A_644 = %while3A_150#42, %while3A_645 = %while3A_150#43, %while3A_646 = %while3A_150#44, %while3A_647 = %while3A_150#45, %while3A_648 = %while3A_150#46, %while3A_649 = %while3A_150#47) -> (vector<256x1xf32>, vector<256x1xf32>, vector<256x1xf32>, vector<256x1xf32>, vector<256x1xf32>, vector<256x1xf32>, vector<256x1xf32>, vector<256x1xf32>, vector<256x1xf32>, vector<256x1xf32>, vector<256x1xf32>, vector<256x1xf32>, vector<256x1xf32>, vector<256x1xf32>, vector<256x1xf32>, vector<256x1xf32>, vector<256x1xf32>, vector<256x1xf32>, vector<256x1xf32>, vector<256x1xf32>, vector<256x1xf32>, vector<256x1xf32>, vector<256x1xf32>, vector<256x1xf32>, vector<256x1xf32>, vector<256x1xf32>, vector<256x1xf32>, vector<256x1xf32>, vector<256x1xf32>, vector<256x1xf32>, vector<256x1xf32>, vector<256x1xf32>, vector<256x64xf32>, vector<256x64xf32>, vector<256x64xf32>, vector<256x64xf32>, vector<256x64xf32>, vector<256x64xf32>, vector<256x64xf32>, vector<256x64xf32>, vector<256x64xf32>, vector<256x64xf32>, vector<256x64xf32>, vector<256x64xf32>, vector<256x64xf32>, vector<256x64xf32>, vector<256x64xf32>, vector<256x64xf32>)  : i32 {
      %mul3A_650 = arith.constant 256 : i32
      %mul3A_651 = arith.muli %while3A_601, %mul3A_650 : i32
      %get3A_652 = arith.index_cast %mul3A_651 : i32 to index
      %get3A_653 = arith.constant 0 : index
      %get3A_654 = vector.load %arg2[%get3A_652, %get3A_653] : memref<2048x1024xf32, #tpu.memory_space<vmem>>, vector<256x1024xf32>
      %mul3A_655 = arith.constant 256 : i32
      %mul3A_656 = arith.muli %while3A_601, %mul3A_655 : i32
      %get3A_657 = arith.index_cast %mul3A_656 : i32 to index
      %get3A_658 = arith.constant 0 : index
      %get3A_659 = vector.load %arg3[%get3A_657, %get3A_658] : memref<2048x1024xf32, #tpu.memory_space<vmem>>, vector<256x1024xf32>
      %slice3A_660 = vector.extract_strided_slice %get3A_654 {offsets = [0, 0], sizes = [256, 64], strides = [1, 1]} : vector<256x1024xf32> to vector<256x64xf32>
      %dot_general3A_661 = arith.constant dense<0.000000e+00> : vector<256x256xf32>
      %dot_general3A_662 = tpu.matmul %get3A_2, %slice3A_660, %dot_general3A_661 {dimension_numbers = #tpu.dot_dimension_numbers<[1], [1], [0], [0], [0, 0, 1, 0], [], []>, transpose_lhs_hint = false} : vector<256x64xf32>, vector<256x64xf32>, vector<256x256xf32> -> vector<256x256xf32>
      %reduce_max3A_663 = arith.constant dense<0xFF800000> : vector<256xf32>
      %reduce_max3A_664 = vector.multi_reduction <maximumf>, %dot_general3A_662, %reduce_max3A_663 [1] : vector<256x256xf32> to vector<256xf32>
      %broadcast_in_dim3A_665 = vector.shape_cast %reduce_max3A_664 : vector<256xf32> to vector<256x1xf32>
      %max3A_666 = arith.maximumf %while3A_602, %broadcast_in_dim3A_665 : vector<256x1xf32>
      %sub3A_667 = vector.broadcast %max3A_666 : vector<256x1xf32> to vector<256x256xf32>
      %sub3A_668 = arith.subf %dot_general3A_662, %sub3A_667 : vector<256x256xf32>
      %exp3A_669 = math.exp %sub3A_668 : vector<256x256xf32>
      %sub3A_670 = arith.subf %while3A_602, %max3A_666 : vector<256x1xf32>
      %exp3A_671 = math.exp %sub3A_670 : vector<256x1xf32>
      %mul3A_672 = arith.mulf %while3A_618, %exp3A_671 : vector<256x1xf32>
      %reduce_sum3A_673 = arith.constant dense<0.000000e+00> : vector<256xf32>
      %reduce_sum3A_674 = vector.multi_reduction <add>, %exp3A_669, %reduce_sum3A_673 [1] : vector<256x256xf32> to vector<256xf32>
      %broadcast_in_dim3A_675 = vector.shape_cast %reduce_sum3A_674 : vector<256xf32> to vector<256x1xf32>
      %add3A_676 = arith.addf %mul3A_672, %broadcast_in_dim3A_675 : vector<256x1xf32>
      %mul3A_677 = vector.broadcast %exp3A_671 : vector<256x1xf32> to vector<256x64xf32>
      %mul3A_678 = arith.mulf %while3A_634, %mul3A_677 : vector<256x64xf32>
      %slice3A_679 = vector.extract_strided_slice %get3A_659 {offsets = [0, 0], sizes = [256, 64], strides = [1, 1]} : vector<256x1024xf32> to vector<256x64xf32>
      %dot_general3A_680 = arith.constant dense<0.000000e+00> : vector<256x64xf32>
      %dot_general3A_681 = tpu.matmul %exp3A_669, %slice3A_679, %dot_general3A_680 {dimension_numbers = #tpu.dot_dimension_numbers<[1], [0], [0], [1], [0, 0, 1, 1], [], []>, transpose_lhs_hint = false} : vector<256x256xf32>, vector<256x64xf32>, vector<256x64xf32> -> vector<256x64xf32>
      %add3A_682 = arith.addf %mul3A_678, %dot_general3A_681 : vector<256x64xf32>
      %slice3A_683 = vector.extract_strided_slice %get3A_654 {offsets = [0, 64], sizes = [256, 64], strides = [1, 1]} : vector<256x1024xf32> to vector<256x64xf32>
      %dot_general3A_684 = arith.constant dense<0.000000e+00> : vector<256x256xf32>
      %dot_general3A_685 = tpu.matmul %get3A_5, %slice3A_683, %dot_general3A_684 {dimension_numbers = #tpu.dot_dimension_numbers<[1], [1], [0], [0], [0, 0, 1, 0], [], []>, transpose_lhs_hint = false} : vector<256x64xf32>, vector<256x64xf32>, vector<256x256xf32> -> vector<256x256xf32>
      %reduce_max3A_686 = arith.constant dense<0xFF800000> : vector<256xf32>
      %reduce_max3A_687 = vector.multi_reduction <maximumf>, %dot_general3A_685, %reduce_max3A_686 [1] : vector<256x256xf32> to vector<256xf32>
      %broadcast_in_dim3A_688 = vector.shape_cast %reduce_max3A_687 : vector<256xf32> to vector<256x1xf32>
      %max3A_689 = arith.maximumf %while3A_603, %broadcast_in_dim3A_688 : vector<256x1xf32>
      %sub3A_690 = vector.broadcast %max3A_689 : vector<256x1xf32> to vector<256x256xf32>
      %sub3A_691 = arith.subf %dot_general3A_685, %sub3A_690 : vector<256x256xf32>
      %exp3A_692 = math.exp %sub3A_691 : vector<256x256xf32>
      %sub3A_693 = arith.subf %while3A_603, %max3A_689 : vector<256x1xf32>
      %exp3A_694 = math.exp %sub3A_693 : vector<256x1xf32>
      %mul3A_695 = arith.mulf %while3A_619, %exp3A_694 : vector<256x1xf32>
      %reduce_sum3A_696 = arith.constant dense<0.000000e+00> : vector<256xf32>
      %reduce_sum3A_697 = vector.multi_reduction <add>, %exp3A_692, %reduce_sum3A_696 [1] : vector<256x256xf32> to vector<256xf32>
      %broadcast_in_dim3A_698 = vector.shape_cast %reduce_sum3A_697 : vector<256xf32> to vector<256x1xf32>
      %add3A_699 = arith.addf %mul3A_695, %broadcast_in_dim3A_698 : vector<256x1xf32>
      %mul3A_700 = vector.broadcast %exp3A_694 : vector<256x1xf32> to vector<256x64xf32>
      %mul3A_701 = arith.mulf %while3A_635, %mul3A_700 : vector<256x64xf32>
      %slice3A_702 = vector.extract_strided_slice %get3A_659 {offsets = [0, 64], sizes = [256, 64], strides = [1, 1]} : vector<256x1024xf32> to vector<256x64xf32>
      %dot_general3A_703 = arith.constant dense<0.000000e+00> : vector<256x64xf32>
      %dot_general3A_704 = tpu.matmul %exp3A_692, %slice3A_702, %dot_general3A_703 {dimension_numbers = #tpu.dot_dimension_numbers<[1], [0], [0], [1], [0, 0, 1, 1], [], []>, transpose_lhs_hint = false} : vector<256x256xf32>, vector<256x64xf32>, vector<256x64xf32> -> vector<256x64xf32>
      %add3A_705 = arith.addf %mul3A_701, %dot_general3A_704 : vector<256x64xf32>
      %slice3A_706 = vector.extract_strided_slice %get3A_654 {offsets = [0, 128], sizes = [256, 64], strides = [1, 1]} : vector<256x1024xf32> to vector<256x64xf32>
      %dot_general3A_707 = arith.constant dense<0.000000e+00> : vector<256x256xf32>
      %dot_general3A_708 = tpu.matmul %get3A_8, %slice3A_706, %dot_general3A_707 {dimension_numbers = #tpu.dot_dimension_numbers<[1], [1], [0], [0], [0, 0, 1, 0], [], []>, transpose_lhs_hint = false} : vector<256x64xf32>, vector<256x64xf32>, vector<256x256xf32> -> vector<256x256xf32>
      %reduce_max3A_709 = arith.constant dense<0xFF800000> : vector<256xf32>
      %reduce_max3A_710 = vector.multi_reduction <maximumf>, %dot_general3A_708, %reduce_max3A_709 [1] : vector<256x256xf32> to vector<256xf32>
      %broadcast_in_dim3A_711 = vector.shape_cast %reduce_max3A_710 : vector<256xf32> to vector<256x1xf32>
      %max3A_712 = arith.maximumf %while3A_604, %broadcast_in_dim3A_711 : vector<256x1xf32>
      %sub3A_713 = vector.broadcast %max3A_712 : vector<256x1xf32> to vector<256x256xf32>
      %sub3A_714 = arith.subf %dot_general3A_708, %sub3A_713 : vector<256x256xf32>
      %exp3A_715 = math.exp %sub3A_714 : vector<256x256xf32>
      %sub3A_716 = arith.subf %while3A_604, %max3A_712 : vector<256x1xf32>
      %exp3A_717 = math.exp %sub3A_716 : vector<256x1xf32>
      %mul3A_718 = arith.mulf %while3A_620, %exp3A_717 : vector<256x1xf32>
      %reduce_sum3A_719 = arith.constant dense<0.000000e+00> : vector<256xf32>
      %reduce_sum3A_720 = vector.multi_reduction <add>, %exp3A_715, %reduce_sum3A_719 [1] : vector<256x256xf32> to vector<256xf32>
      %broadcast_in_dim3A_721 = vector.shape_cast %reduce_sum3A_720 : vector<256xf32> to vector<256x1xf32>
      %add3A_722 = arith.addf %mul3A_718, %broadcast_in_dim3A_721 : vector<256x1xf32>
      %mul3A_723 = vector.broadcast %exp3A_717 : vector<256x1xf32> to vector<256x64xf32>
      %mul3A_724 = arith.mulf %while3A_636, %mul3A_723 : vector<256x64xf32>
      %slice3A_725 = vector.extract_strided_slice %get3A_659 {offsets = [0, 128], sizes = [256, 64], strides = [1, 1]} : vector<256x1024xf32> to vector<256x64xf32>
      %dot_general3A_726 = arith.constant dense<0.000000e+00> : vector<256x64xf32>
      %dot_general3A_727 = tpu.matmul %exp3A_715, %slice3A_725, %dot_general3A_726 {dimension_numbers = #tpu.dot_dimension_numbers<[1], [0], [0], [1], [0, 0, 1, 1], [], []>, transpose_lhs_hint = false} : vector<256x256xf32>, vector<256x64xf32>, vector<256x64xf32> -> vector<256x64xf32>
      %add3A_728 = arith.addf %mul3A_724, %dot_general3A_727 : vector<256x64xf32>
      %slice3A_729 = vector.extract_strided_slice %get3A_654 {offsets = [0, 192], sizes = [256, 64], strides = [1, 1]} : vector<256x1024xf32> to vector<256x64xf32>
      %dot_general3A_730 = arith.constant dense<0.000000e+00> : vector<256x256xf32>
      %dot_general3A_731 = tpu.matmul %get3A_11, %slice3A_729, %dot_general3A_730 {dimension_numbers = #tpu.dot_dimension_numbers<[1], [1], [0], [0], [0, 0, 1, 0], [], []>, transpose_lhs_hint = false} : vector<256x64xf32>, vector<256x64xf32>, vector<256x256xf32> -> vector<256x256xf32>
      %reduce_max3A_732 = arith.constant dense<0xFF800000> : vector<256xf32>
      %reduce_max3A_733 = vector.multi_reduction <maximumf>, %dot_general3A_731, %reduce_max3A_732 [1] : vector<256x256xf32> to vector<256xf32>
      %broadcast_in_dim3A_734 = vector.shape_cast %reduce_max3A_733 : vector<256xf32> to vector<256x1xf32>
      %max3A_735 = arith.maximumf %while3A_605, %broadcast_in_dim3A_734 : vector<256x1xf32>
      %sub3A_736 = vector.broadcast %max3A_735 : vector<256x1xf32> to vector<256x256xf32>
      %sub3A_737 = arith.subf %dot_general3A_731, %sub3A_736 : vector<256x256xf32>
      %exp3A_738 = math.exp %sub3A_737 : vector<256x256xf32>
      %sub3A_739 = arith.subf %while3A_605, %max3A_735 : vector<256x1xf32>
      %exp3A_740 = math.exp %sub3A_739 : vector<256x1xf32>
      %mul3A_741 = arith.mulf %while3A_621, %exp3A_740 : vector<256x1xf32>
      %reduce_sum3A_742 = arith.constant dense<0.000000e+00> : vector<256xf32>
      %reduce_sum3A_743 = vector.multi_reduction <add>, %exp3A_738, %reduce_sum3A_742 [1] : vector<256x256xf32> to vector<256xf32>
      %broadcast_in_dim3A_744 = vector.shape_cast %reduce_sum3A_743 : vector<256xf32> to vector<256x1xf32>
      %add3A_745 = arith.addf %mul3A_741, %broadcast_in_dim3A_744 : vector<256x1xf32>
      %mul3A_746 = vector.broadcast %exp3A_740 : vector<256x1xf32> to vector<256x64xf32>
      %mul3A_747 = arith.mulf %while3A_637, %mul3A_746 : vector<256x64xf32>
      %slice3A_748 = vector.extract_strided_slice %get3A_659 {offsets = [0, 192], sizes = [256, 64], strides = [1, 1]} : vector<256x1024xf32> to vector<256x64xf32>
      %dot_general3A_749 = arith.constant dense<0.000000e+00> : vector<256x64xf32>
      %dot_general3A_750 = tpu.matmul %exp3A_738, %slice3A_748, %dot_general3A_749 {dimension_numbers = #tpu.dot_dimension_numbers<[1], [0], [0], [1], [0, 0, 1, 1], [], []>, transpose_lhs_hint = false} : vector<256x256xf32>, vector<256x64xf32>, vector<256x64xf32> -> vector<256x64xf32>
      %add3A_751 = arith.addf %mul3A_747, %dot_general3A_750 : vector<256x64xf32>
      %slice3A_752 = vector.extract_strided_slice %get3A_654 {offsets = [0, 256], sizes = [256, 64], strides = [1, 1]} : vector<256x1024xf32> to vector<256x64xf32>
      %dot_general3A_753 = arith.constant dense<0.000000e+00> : vector<256x256xf32>
      %dot_general3A_754 = tpu.matmul %get3A_14, %slice3A_752, %dot_general3A_753 {dimension_numbers = #tpu.dot_dimension_numbers<[1], [1], [0], [0], [0, 0, 1, 0], [], []>, transpose_lhs_hint = false} : vector<256x64xf32>, vector<256x64xf32>, vector<256x256xf32> -> vector<256x256xf32>
      %reduce_max3A_755 = arith.constant dense<0xFF800000> : vector<256xf32>
      %reduce_max3A_756 = vector.multi_reduction <maximumf>, %dot_general3A_754, %reduce_max3A_755 [1] : vector<256x256xf32> to vector<256xf32>
      %broadcast_in_dim3A_757 = vector.shape_cast %reduce_max3A_756 : vector<256xf32> to vector<256x1xf32>
      %max3A_758 = arith.maximumf %while3A_606, %broadcast_in_dim3A_757 : vector<256x1xf32>
      %sub3A_759 = vector.broadcast %max3A_758 : vector<256x1xf32> to vector<256x256xf32>
      %sub3A_760 = arith.subf %dot_general3A_754, %sub3A_759 : vector<256x256xf32>
      %exp3A_761 = math.exp %sub3A_760 : vector<256x256xf32>
      %sub3A_762 = arith.subf %while3A_606, %max3A_758 : vector<256x1xf32>
      %exp3A_763 = math.exp %sub3A_762 : vector<256x1xf32>
      %mul3A_764 = arith.mulf %while3A_622, %exp3A_763 : vector<256x1xf32>
      %reduce_sum3A_765 = arith.constant dense<0.000000e+00> : vector<256xf32>
      %reduce_sum3A_766 = vector.multi_reduction <add>, %exp3A_761, %reduce_sum3A_765 [1] : vector<256x256xf32> to vector<256xf32>
      %broadcast_in_dim3A_767 = vector.shape_cast %reduce_sum3A_766 : vector<256xf32> to vector<256x1xf32>
      %add3A_768 = arith.addf %mul3A_764, %broadcast_in_dim3A_767 : vector<256x1xf32>
      %mul3A_769 = vector.broadcast %exp3A_763 : vector<256x1xf32> to vector<256x64xf32>
      %mul3A_770 = arith.mulf %while3A_638, %mul3A_769 : vector<256x64xf32>
      %slice3A_771 = vector.extract_strided_slice %get3A_659 {offsets = [0, 256], sizes = [256, 64], strides = [1, 1]} : vector<256x1024xf32> to vector<256x64xf32>
      %dot_general3A_772 = arith.constant dense<0.000000e+00> : vector<256x64xf32>
      %dot_general3A_773 = tpu.matmul %exp3A_761, %slice3A_771, %dot_general3A_772 {dimension_numbers = #tpu.dot_dimension_numbers<[1], [0], [0], [1], [0, 0, 1, 1], [], []>, transpose_lhs_hint = false} : vector<256x256xf32>, vector<256x64xf32>, vector<256x64xf32> -> vector<256x64xf32>
      %add3A_774 = arith.addf %mul3A_770, %dot_general3A_773 : vector<256x64xf32>
      %slice3A_775 = vector.extract_strided_slice %get3A_654 {offsets = [0, 320], sizes = [256, 64], strides = [1, 1]} : vector<256x1024xf32> to vector<256x64xf32>
      %dot_general3A_776 = arith.constant dense<0.000000e+00> : vector<256x256xf32>
      %dot_general3A_777 = tpu.matmul %get3A_17, %slice3A_775, %dot_general3A_776 {dimension_numbers = #tpu.dot_dimension_numbers<[1], [1], [0], [0], [0, 0, 1, 0], [], []>, transpose_lhs_hint = false} : vector<256x64xf32>, vector<256x64xf32>, vector<256x256xf32> -> vector<256x256xf32>
      %reduce_max3A_778 = arith.constant dense<0xFF800000> : vector<256xf32>
      %reduce_max3A_779 = vector.multi_reduction <maximumf>, %dot_general3A_777, %reduce_max3A_778 [1] : vector<256x256xf32> to vector<256xf32>
      %broadcast_in_dim3A_780 = vector.shape_cast %reduce_max3A_779 : vector<256xf32> to vector<256x1xf32>
      %max3A_781 = arith.maximumf %while3A_607, %broadcast_in_dim3A_780 : vector<256x1xf32>
      %sub3A_782 = vector.broadcast %max3A_781 : vector<256x1xf32> to vector<256x256xf32>
      %sub3A_783 = arith.subf %dot_general3A_777, %sub3A_782 : vector<256x256xf32>
      %exp3A_784 = math.exp %sub3A_783 : vector<256x256xf32>
      %sub3A_785 = arith.subf %while3A_607, %max3A_781 : vector<256x1xf32>
      %exp3A_786 = math.exp %sub3A_785 : vector<256x1xf32>
      %mul3A_787 = arith.mulf %while3A_623, %exp3A_786 : vector<256x1xf32>
      %reduce_sum3A_788 = arith.constant dense<0.000000e+00> : vector<256xf32>
      %reduce_sum3A_789 = vector.multi_reduction <add>, %exp3A_784, %reduce_sum3A_788 [1] : vector<256x256xf32> to vector<256xf32>
      %broadcast_in_dim3A_790 = vector.shape_cast %reduce_sum3A_789 : vector<256xf32> to vector<256x1xf32>
      %add3A_791 = arith.addf %mul3A_787, %broadcast_in_dim3A_790 : vector<256x1xf32>
      %mul3A_792 = vector.broadcast %exp3A_786 : vector<256x1xf32> to vector<256x64xf32>
      %mul3A_793 = arith.mulf %while3A_639, %mul3A_792 : vector<256x64xf32>
      %slice3A_794 = vector.extract_strided_slice %get3A_659 {offsets = [0, 320], sizes = [256, 64], strides = [1, 1]} : vector<256x1024xf32> to vector<256x64xf32>
      %dot_general3A_795 = arith.constant dense<0.000000e+00> : vector<256x64xf32>
      %dot_general3A_796 = tpu.matmul %exp3A_784, %slice3A_794, %dot_general3A_795 {dimension_numbers = #tpu.dot_dimension_numbers<[1], [0], [0], [1], [0, 0, 1, 1], [], []>, transpose_lhs_hint = false} : vector<256x256xf32>, vector<256x64xf32>, vector<256x64xf32> -> vector<256x64xf32>
      %add3A_797 = arith.addf %mul3A_793, %dot_general3A_796 : vector<256x64xf32>
      %slice3A_798 = vector.extract_strided_slice %get3A_654 {offsets = [0, 384], sizes = [256, 64], strides = [1, 1]} : vector<256x1024xf32> to vector<256x64xf32>
      %dot_general3A_799 = arith.constant dense<0.000000e+00> : vector<256x256xf32>
      %dot_general3A_800 = tpu.matmul %get3A_20, %slice3A_798, %dot_general3A_799 {dimension_numbers = #tpu.dot_dimension_numbers<[1], [1], [0], [0], [0, 0, 1, 0], [], []>, transpose_lhs_hint = false} : vector<256x64xf32>, vector<256x64xf32>, vector<256x256xf32> -> vector<256x256xf32>
      %reduce_max3A_801 = arith.constant dense<0xFF800000> : vector<256xf32>
      %reduce_max3A_802 = vector.multi_reduction <maximumf>, %dot_general3A_800, %reduce_max3A_801 [1] : vector<256x256xf32> to vector<256xf32>
      %broadcast_in_dim3A_803 = vector.shape_cast %reduce_max3A_802 : vector<256xf32> to vector<256x1xf32>
      %max3A_804 = arith.maximumf %while3A_608, %broadcast_in_dim3A_803 : vector<256x1xf32>
      %sub3A_805 = vector.broadcast %max3A_804 : vector<256x1xf32> to vector<256x256xf32>
      %sub3A_806 = arith.subf %dot_general3A_800, %sub3A_805 : vector<256x256xf32>
      %exp3A_807 = math.exp %sub3A_806 : vector<256x256xf32>
      %sub3A_808 = arith.subf %while3A_608, %max3A_804 : vector<256x1xf32>
      %exp3A_809 = math.exp %sub3A_808 : vector<256x1xf32>
      %mul3A_810 = arith.mulf %while3A_624, %exp3A_809 : vector<256x1xf32>
      %reduce_sum3A_811 = arith.constant dense<0.000000e+00> : vector<256xf32>
      %reduce_sum3A_812 = vector.multi_reduction <add>, %exp3A_807, %reduce_sum3A_811 [1] : vector<256x256xf32> to vector<256xf32>
      %broadcast_in_dim3A_813 = vector.shape_cast %reduce_sum3A_812 : vector<256xf32> to vector<256x1xf32>
      %add3A_814 = arith.addf %mul3A_810, %broadcast_in_dim3A_813 : vector<256x1xf32>
      %mul3A_815 = vector.broadcast %exp3A_809 : vector<256x1xf32> to vector<256x64xf32>
      %mul3A_816 = arith.mulf %while3A_640, %mul3A_815 : vector<256x64xf32>
      %slice3A_817 = vector.extract_strided_slice %get3A_659 {offsets = [0, 384], sizes = [256, 64], strides = [1, 1]} : vector<256x1024xf32> to vector<256x64xf32>
      %dot_general3A_818 = arith.constant dense<0.000000e+00> : vector<256x64xf32>
      %dot_general3A_819 = tpu.matmul %exp3A_807, %slice3A_817, %dot_general3A_818 {dimension_numbers = #tpu.dot_dimension_numbers<[1], [0], [0], [1], [0, 0, 1, 1], [], []>, transpose_lhs_hint = false} : vector<256x256xf32>, vector<256x64xf32>, vector<256x64xf32> -> vector<256x64xf32>
      %add3A_820 = arith.addf %mul3A_816, %dot_general3A_819 : vector<256x64xf32>
      %slice3A_821 = vector.extract_strided_slice %get3A_654 {offsets = [0, 448], sizes = [256, 64], strides = [1, 1]} : vector<256x1024xf32> to vector<256x64xf32>
      %dot_general3A_822 = arith.constant dense<0.000000e+00> : vector<256x256xf32>
      %dot_general3A_823 = tpu.matmul %get3A_23, %slice3A_821, %dot_general3A_822 {dimension_numbers = #tpu.dot_dimension_numbers<[1], [1], [0], [0], [0, 0, 1, 0], [], []>, transpose_lhs_hint = false} : vector<256x64xf32>, vector<256x64xf32>, vector<256x256xf32> -> vector<256x256xf32>
      %reduce_max3A_824 = arith.constant dense<0xFF800000> : vector<256xf32>
      %reduce_max3A_825 = vector.multi_reduction <maximumf>, %dot_general3A_823, %reduce_max3A_824 [1] : vector<256x256xf32> to vector<256xf32>
      %broadcast_in_dim3A_826 = vector.shape_cast %reduce_max3A_825 : vector<256xf32> to vector<256x1xf32>
      %max3A_827 = arith.maximumf %while3A_609, %broadcast_in_dim3A_826 : vector<256x1xf32>
      %sub3A_828 = vector.broadcast %max3A_827 : vector<256x1xf32> to vector<256x256xf32>
      %sub3A_829 = arith.subf %dot_general3A_823, %sub3A_828 : vector<256x256xf32>
      %exp3A_830 = math.exp %sub3A_829 : vector<256x256xf32>
      %sub3A_831 = arith.subf %while3A_609, %max3A_827 : vector<256x1xf32>
      %exp3A_832 = math.exp %sub3A_831 : vector<256x1xf32>
      %mul3A_833 = arith.mulf %while3A_625, %exp3A_832 : vector<256x1xf32>
      %reduce_sum3A_834 = arith.constant dense<0.000000e+00> : vector<256xf32>
      %reduce_sum3A_835 = vector.multi_reduction <add>, %exp3A_830, %reduce_sum3A_834 [1] : vector<256x256xf32> to vector<256xf32>
      %broadcast_in_dim3A_836 = vector.shape_cast %reduce_sum3A_835 : vector<256xf32> to vector<256x1xf32>
      %add3A_837 = arith.addf %mul3A_833, %broadcast_in_dim3A_836 : vector<256x1xf32>
      %mul3A_838 = vector.broadcast %exp3A_832 : vector<256x1xf32> to vector<256x64xf32>
      %mul3A_839 = arith.mulf %while3A_641, %mul3A_838 : vector<256x64xf32>
      %slice3A_840 = vector.extract_strided_slice %get3A_659 {offsets = [0, 448], sizes = [256, 64], strides = [1, 1]} : vector<256x1024xf32> to vector<256x64xf32>
      %dot_general3A_841 = arith.constant dense<0.000000e+00> : vector<256x64xf32>
      %dot_general3A_842 = tpu.matmul %exp3A_830, %slice3A_840, %dot_general3A_841 {dimension_numbers = #tpu.dot_dimension_numbers<[1], [0], [0], [1], [0, 0, 1, 1], [], []>, transpose_lhs_hint = false} : vector<256x256xf32>, vector<256x64xf32>, vector<256x64xf32> -> vector<256x64xf32>
      %add3A_843 = arith.addf %mul3A_839, %dot_general3A_842 : vector<256x64xf32>
      %slice3A_844 = vector.extract_strided_slice %get3A_654 {offsets = [0, 512], sizes = [256, 64], strides = [1, 1]} : vector<256x1024xf32> to vector<256x64xf32>
      %dot_general3A_845 = arith.constant dense<0.000000e+00> : vector<256x256xf32>
      %dot_general3A_846 = tpu.matmul %get3A_26, %slice3A_844, %dot_general3A_845 {dimension_numbers = #tpu.dot_dimension_numbers<[1], [1], [0], [0], [0, 0, 1, 0], [], []>, transpose_lhs_hint = false} : vector<256x64xf32>, vector<256x64xf32>, vector<256x256xf32> -> vector<256x256xf32>
      %reduce_max3A_847 = arith.constant dense<0xFF800000> : vector<256xf32>
      %reduce_max3A_848 = vector.multi_reduction <maximumf>, %dot_general3A_846, %reduce_max3A_847 [1] : vector<256x256xf32> to vector<256xf32>
      %broadcast_in_dim3A_849 = vector.shape_cast %reduce_max3A_848 : vector<256xf32> to vector<256x1xf32>
      %max3A_850 = arith.maximumf %while3A_610, %broadcast_in_dim3A_849 : vector<256x1xf32>
      %sub3A_851 = vector.broadcast %max3A_850 : vector<256x1xf32> to vector<256x256xf32>
      %sub3A_852 = arith.subf %dot_general3A_846, %sub3A_851 : vector<256x256xf32>
      %exp3A_853 = math.exp %sub3A_852 : vector<256x256xf32>
      %sub3A_854 = arith.subf %while3A_610, %max3A_850 : vector<256x1xf32>
      %exp3A_855 = math.exp %sub3A_854 : vector<256x1xf32>
      %mul3A_856 = arith.mulf %while3A_626, %exp3A_855 : vector<256x1xf32>
      %reduce_sum3A_857 = arith.constant dense<0.000000e+00> : vector<256xf32>
      %reduce_sum3A_858 = vector.multi_reduction <add>, %exp3A_853, %reduce_sum3A_857 [1] : vector<256x256xf32> to vector<256xf32>
      %broadcast_in_dim3A_859 = vector.shape_cast %reduce_sum3A_858 : vector<256xf32> to vector<256x1xf32>
      %add3A_860 = arith.addf %mul3A_856, %broadcast_in_dim3A_859 : vector<256x1xf32>
      %mul3A_861 = vector.broadcast %exp3A_855 : vector<256x1xf32> to vector<256x64xf32>
      %mul3A_862 = arith.mulf %while3A_642, %mul3A_861 : vector<256x64xf32>
      %slice3A_863 = vector.extract_strided_slice %get3A_659 {offsets = [0, 512], sizes = [256, 64], strides = [1, 1]} : vector<256x1024xf32> to vector<256x64xf32>
      %dot_general3A_864 = arith.constant dense<0.000000e+00> : vector<256x64xf32>
      %dot_general3A_865 = tpu.matmul %exp3A_853, %slice3A_863, %dot_general3A_864 {dimension_numbers = #tpu.dot_dimension_numbers<[1], [0], [0], [1], [0, 0, 1, 1], [], []>, transpose_lhs_hint = false} : vector<256x256xf32>, vector<256x64xf32>, vector<256x64xf32> -> vector<256x64xf32>
      %add3A_866 = arith.addf %mul3A_862, %dot_general3A_865 : vector<256x64xf32>
      %slice3A_867 = vector.extract_strided_slice %get3A_654 {offsets = [0, 576], sizes = [256, 64], strides = [1, 1]} : vector<256x1024xf32> to vector<256x64xf32>
      %dot_general3A_868 = arith.constant dense<0.000000e+00> : vector<256x256xf32>
      %dot_general3A_869 = tpu.matmul %get3A_29, %slice3A_867, %dot_general3A_868 {dimension_numbers = #tpu.dot_dimension_numbers<[1], [1], [0], [0], [0, 0, 1, 0], [], []>, transpose_lhs_hint = false} : vector<256x64xf32>, vector<256x64xf32>, vector<256x256xf32> -> vector<256x256xf32>
      %reduce_max3A_870 = arith.constant dense<0xFF800000> : vector<256xf32>
      %reduce_max3A_871 = vector.multi_reduction <maximumf>, %dot_general3A_869, %reduce_max3A_870 [1] : vector<256x256xf32> to vector<256xf32>
      %broadcast_in_dim3A_872 = vector.shape_cast %reduce_max3A_871 : vector<256xf32> to vector<256x1xf32>
      %max3A_873 = arith.maximumf %while3A_611, %broadcast_in_dim3A_872 : vector<256x1xf32>
      %sub3A_874 = vector.broadcast %max3A_873 : vector<256x1xf32> to vector<256x256xf32>
      %sub3A_875 = arith.subf %dot_general3A_869, %sub3A_874 : vector<256x256xf32>
      %exp3A_876 = math.exp %sub3A_875 : vector<256x256xf32>
      %sub3A_877 = arith.subf %while3A_611, %max3A_873 : vector<256x1xf32>
      %exp3A_878 = math.exp %sub3A_877 : vector<256x1xf32>
      %mul3A_879 = arith.mulf %while3A_627, %exp3A_878 : vector<256x1xf32>
      %reduce_sum3A_880 = arith.constant dense<0.000000e+00> : vector<256xf32>
      %reduce_sum3A_881 = vector.multi_reduction <add>, %exp3A_876, %reduce_sum3A_880 [1] : vector<256x256xf32> to vector<256xf32>
      %broadcast_in_dim3A_882 = vector.shape_cast %reduce_sum3A_881 : vector<256xf32> to vector<256x1xf32>
      %add3A_883 = arith.addf %mul3A_879, %broadcast_in_dim3A_882 : vector<256x1xf32>
      %mul3A_884 = vector.broadcast %exp3A_878 : vector<256x1xf32> to vector<256x64xf32>
      %mul3A_885 = arith.mulf %while3A_643, %mul3A_884 : vector<256x64xf32>
      %slice3A_886 = vector.extract_strided_slice %get3A_659 {offsets = [0, 576], sizes = [256, 64], strides = [1, 1]} : vector<256x1024xf32> to vector<256x64xf32>
      %dot_general3A_887 = arith.constant dense<0.000000e+00> : vector<256x64xf32>
      %dot_general3A_888 = tpu.matmul %exp3A_876, %slice3A_886, %dot_general3A_887 {dimension_numbers = #tpu.dot_dimension_numbers<[1], [0], [0], [1], [0, 0, 1, 1], [], []>, transpose_lhs_hint = false} : vector<256x256xf32>, vector<256x64xf32>, vector<256x64xf32> -> vector<256x64xf32>
      %add3A_889 = arith.addf %mul3A_885, %dot_general3A_888 : vector<256x64xf32>
      %slice3A_890 = vector.extract_strided_slice %get3A_654 {offsets = [0, 640], sizes = [256, 64], strides = [1, 1]} : vector<256x1024xf32> to vector<256x64xf32>
      %dot_general3A_891 = arith.constant dense<0.000000e+00> : vector<256x256xf32>
      %dot_general3A_892 = tpu.matmul %get3A_32, %slice3A_890, %dot_general3A_891 {dimension_numbers = #tpu.dot_dimension_numbers<[1], [1], [0], [0], [0, 0, 1, 0], [], []>, transpose_lhs_hint = false} : vector<256x64xf32>, vector<256x64xf32>, vector<256x256xf32> -> vector<256x256xf32>
      %reduce_max3A_893 = arith.constant dense<0xFF800000> : vector<256xf32>
      %reduce_max3A_894 = vector.multi_reduction <maximumf>, %dot_general3A_892, %reduce_max3A_893 [1] : vector<256x256xf32> to vector<256xf32>
      %broadcast_in_dim3A_895 = vector.shape_cast %reduce_max3A_894 : vector<256xf32> to vector<256x1xf32>
      %max3A_896 = arith.maximumf %while3A_612, %broadcast_in_dim3A_895 : vector<256x1xf32>
      %sub3A_897 = vector.broadcast %max3A_896 : vector<256x1xf32> to vector<256x256xf32>
      %sub3A_898 = arith.subf %dot_general3A_892, %sub3A_897 : vector<256x256xf32>
      %exp3A_899 = math.exp %sub3A_898 : vector<256x256xf32>
      %sub3A_900 = arith.subf %while3A_612, %max3A_896 : vector<256x1xf32>
      %exp3A_901 = math.exp %sub3A_900 : vector<256x1xf32>
      %mul3A_902 = arith.mulf %while3A_628, %exp3A_901 : vector<256x1xf32>
      %reduce_sum3A_903 = arith.constant dense<0.000000e+00> : vector<256xf32>
      %reduce_sum3A_904 = vector.multi_reduction <add>, %exp3A_899, %reduce_sum3A_903 [1] : vector<256x256xf32> to vector<256xf32>
      %broadcast_in_dim3A_905 = vector.shape_cast %reduce_sum3A_904 : vector<256xf32> to vector<256x1xf32>
      %add3A_906 = arith.addf %mul3A_902, %broadcast_in_dim3A_905 : vector<256x1xf32>
      %mul3A_907 = vector.broadcast %exp3A_901 : vector<256x1xf32> to vector<256x64xf32>
      %mul3A_908 = arith.mulf %while3A_644, %mul3A_907 : vector<256x64xf32>
      %slice3A_909 = vector.extract_strided_slice %get3A_659 {offsets = [0, 640], sizes = [256, 64], strides = [1, 1]} : vector<256x1024xf32> to vector<256x64xf32>
      %dot_general3A_910 = arith.constant dense<0.000000e+00> : vector<256x64xf32>
      %dot_general3A_911 = tpu.matmul %exp3A_899, %slice3A_909, %dot_general3A_910 {dimension_numbers = #tpu.dot_dimension_numbers<[1], [0], [0], [1], [0, 0, 1, 1], [], []>, transpose_lhs_hint = false} : vector<256x256xf32>, vector<256x64xf32>, vector<256x64xf32> -> vector<256x64xf32>
      %add3A_912 = arith.addf %mul3A_908, %dot_general3A_911 : vector<256x64xf32>
      %slice3A_913 = vector.extract_strided_slice %get3A_654 {offsets = [0, 704], sizes = [256, 64], strides = [1, 1]} : vector<256x1024xf32> to vector<256x64xf32>
      %dot_general3A_914 = arith.constant dense<0.000000e+00> : vector<256x256xf32>
      %dot_general3A_915 = tpu.matmul %get3A_35, %slice3A_913, %dot_general3A_914 {dimension_numbers = #tpu.dot_dimension_numbers<[1], [1], [0], [0], [0, 0, 1, 0], [], []>, transpose_lhs_hint = false} : vector<256x64xf32>, vector<256x64xf32>, vector<256x256xf32> -> vector<256x256xf32>
      %reduce_max3A_916 = arith.constant dense<0xFF800000> : vector<256xf32>
      %reduce_max3A_917 = vector.multi_reduction <maximumf>, %dot_general3A_915, %reduce_max3A_916 [1] : vector<256x256xf32> to vector<256xf32>
      %broadcast_in_dim3A_918 = vector.shape_cast %reduce_max3A_917 : vector<256xf32> to vector<256x1xf32>
      %max3A_919 = arith.maximumf %while3A_613, %broadcast_in_dim3A_918 : vector<256x1xf32>
      %sub3A_920 = vector.broadcast %max3A_919 : vector<256x1xf32> to vector<256x256xf32>
      %sub3A_921 = arith.subf %dot_general3A_915, %sub3A_920 : vector<256x256xf32>
      %exp3A_922 = math.exp %sub3A_921 : vector<256x256xf32>
      %sub3A_923 = arith.subf %while3A_613, %max3A_919 : vector<256x1xf32>
      %exp3A_924 = math.exp %sub3A_923 : vector<256x1xf32>
      %mul3A_925 = arith.mulf %while3A_629, %exp3A_924 : vector<256x1xf32>
      %reduce_sum3A_926 = arith.constant dense<0.000000e+00> : vector<256xf32>
      %reduce_sum3A_927 = vector.multi_reduction <add>, %exp3A_922, %reduce_sum3A_926 [1] : vector<256x256xf32> to vector<256xf32>
      %broadcast_in_dim3A_928 = vector.shape_cast %reduce_sum3A_927 : vector<256xf32> to vector<256x1xf32>
      %add3A_929 = arith.addf %mul3A_925, %broadcast_in_dim3A_928 : vector<256x1xf32>
      %mul3A_930 = vector.broadcast %exp3A_924 : vector<256x1xf32> to vector<256x64xf32>
      %mul3A_931 = arith.mulf %while3A_645, %mul3A_930 : vector<256x64xf32>
      %slice3A_932 = vector.extract_strided_slice %get3A_659 {offsets = [0, 704], sizes = [256, 64], strides = [1, 1]} : vector<256x1024xf32> to vector<256x64xf32>
      %dot_general3A_933 = arith.constant dense<0.000000e+00> : vector<256x64xf32>
      %dot_general3A_934 = tpu.matmul %exp3A_922, %slice3A_932, %dot_general3A_933 {dimension_numbers = #tpu.dot_dimension_numbers<[1], [0], [0], [1], [0, 0, 1, 1], [], []>, transpose_lhs_hint = false} : vector<256x256xf32>, vector<256x64xf32>, vector<256x64xf32> -> vector<256x64xf32>
      %add3A_935 = arith.addf %mul3A_931, %dot_general3A_934 : vector<256x64xf32>
      %slice3A_936 = vector.extract_strided_slice %get3A_654 {offsets = [0, 768], sizes = [256, 64], strides = [1, 1]} : vector<256x1024xf32> to vector<256x64xf32>
      %dot_general3A_937 = arith.constant dense<0.000000e+00> : vector<256x256xf32>
      %dot_general3A_938 = tpu.matmul %get3A_38, %slice3A_936, %dot_general3A_937 {dimension_numbers = #tpu.dot_dimension_numbers<[1], [1], [0], [0], [0, 0, 1, 0], [], []>, transpose_lhs_hint = false} : vector<256x64xf32>, vector<256x64xf32>, vector<256x256xf32> -> vector<256x256xf32>
      %reduce_max3A_939 = arith.constant dense<0xFF800000> : vector<256xf32>
      %reduce_max3A_940 = vector.multi_reduction <maximumf>, %dot_general3A_938, %reduce_max3A_939 [1] : vector<256x256xf32> to vector<256xf32>
      %broadcast_in_dim3A_941 = vector.shape_cast %reduce_max3A_940 : vector<256xf32> to vector<256x1xf32>
      %max3A_942 = arith.maximumf %while3A_614, %broadcast_in_dim3A_941 : vector<256x1xf32>
      %sub3A_943 = vector.broadcast %max3A_942 : vector<256x1xf32> to vector<256x256xf32>
      %sub3A_944 = arith.subf %dot_general3A_938, %sub3A_943 : vector<256x256xf32>
      %exp3A_945 = math.exp %sub3A_944 : vector<256x256xf32>
      %sub3A_946 = arith.subf %while3A_614, %max3A_942 : vector<256x1xf32>
      %exp3A_947 = math.exp %sub3A_946 : vector<256x1xf32>
      %mul3A_948 = arith.mulf %while3A_630, %exp3A_947 : vector<256x1xf32>
      %reduce_sum3A_949 = arith.constant dense<0.000000e+00> : vector<256xf32>
      %reduce_sum3A_950 = vector.multi_reduction <add>, %exp3A_945, %reduce_sum3A_949 [1] : vector<256x256xf32> to vector<256xf32>
      %broadcast_in_dim3A_951 = vector.shape_cast %reduce_sum3A_950 : vector<256xf32> to vector<256x1xf32>
      %add3A_952 = arith.addf %mul3A_948, %broadcast_in_dim3A_951 : vector<256x1xf32>
      %mul3A_953 = vector.broadcast %exp3A_947 : vector<256x1xf32> to vector<256x64xf32>
      %mul3A_954 = arith.mulf %while3A_646, %mul3A_953 : vector<256x64xf32>
      %slice3A_955 = vector.extract_strided_slice %get3A_659 {offsets = [0, 768], sizes = [256, 64], strides = [1, 1]} : vector<256x1024xf32> to vector<256x64xf32>
      %dot_general3A_956 = arith.constant dense<0.000000e+00> : vector<256x64xf32>
      %dot_general3A_957 = tpu.matmul %exp3A_945, %slice3A_955, %dot_general3A_956 {dimension_numbers = #tpu.dot_dimension_numbers<[1], [0], [0], [1], [0, 0, 1, 1], [], []>, transpose_lhs_hint = false} : vector<256x256xf32>, vector<256x64xf32>, vector<256x64xf32> -> vector<256x64xf32>
      %add3A_958 = arith.addf %mul3A_954, %dot_general3A_957 : vector<256x64xf32>
      %slice3A_959 = vector.extract_strided_slice %get3A_654 {offsets = [0, 832], sizes = [256, 64], strides = [1, 1]} : vector<256x1024xf32> to vector<256x64xf32>
      %dot_general3A_960 = arith.constant dense<0.000000e+00> : vector<256x256xf32>
      %dot_general3A_961 = tpu.matmul %get3A_41, %slice3A_959, %dot_general3A_960 {dimension_numbers = #tpu.dot_dimension_numbers<[1], [1], [0], [0], [0, 0, 1, 0], [], []>, transpose_lhs_hint = false} : vector<256x64xf32>, vector<256x64xf32>, vector<256x256xf32> -> vector<256x256xf32>
      %reduce_max3A_962 = arith.constant dense<0xFF800000> : vector<256xf32>
      %reduce_max3A_963 = vector.multi_reduction <maximumf>, %dot_general3A_961, %reduce_max3A_962 [1] : vector<256x256xf32> to vector<256xf32>
      %broadcast_in_dim3A_964 = vector.shape_cast %reduce_max3A_963 : vector<256xf32> to vector<256x1xf32>
      %max3A_965 = arith.maximumf %while3A_615, %broadcast_in_dim3A_964 : vector<256x1xf32>
      %sub3A_966 = vector.broadcast %max3A_965 : vector<256x1xf32> to vector<256x256xf32>
      %sub3A_967 = arith.subf %dot_general3A_961, %sub3A_966 : vector<256x256xf32>
      %exp3A_968 = math.exp %sub3A_967 : vector<256x256xf32>
      %sub3A_969 = arith.subf %while3A_615, %max3A_965 : vector<256x1xf32>
      %exp3A_970 = math.exp %sub3A_969 : vector<256x1xf32>
      %mul3A_971 = arith.mulf %while3A_631, %exp3A_970 : vector<256x1xf32>
      %reduce_sum3A_972 = arith.constant dense<0.000000e+00> : vector<256xf32>
      %reduce_sum3A_973 = vector.multi_reduction <add>, %exp3A_968, %reduce_sum3A_972 [1] : vector<256x256xf32> to vector<256xf32>
      %broadcast_in_dim3A_974 = vector.shape_cast %reduce_sum3A_973 : vector<256xf32> to vector<256x1xf32>
      %add3A_975 = arith.addf %mul3A_971, %broadcast_in_dim3A_974 : vector<256x1xf32>
      %mul3A_976 = vector.broadcast %exp3A_970 : vector<256x1xf32> to vector<256x64xf32>
      %mul3A_977 = arith.mulf %while3A_647, %mul3A_976 : vector<256x64xf32>
      %slice3A_978 = vector.extract_strided_slice %get3A_659 {offsets = [0, 832], sizes = [256, 64], strides = [1, 1]} : vector<256x1024xf32> to vector<256x64xf32>
      %dot_general3A_979 = arith.constant dense<0.000000e+00> : vector<256x64xf32>
      %dot_general3A_980 = tpu.matmul %exp3A_968, %slice3A_978, %dot_general3A_979 {dimension_numbers = #tpu.dot_dimension_numbers<[1], [0], [0], [1], [0, 0, 1, 1], [], []>, transpose_lhs_hint = false} : vector<256x256xf32>, vector<256x64xf32>, vector<256x64xf32> -> vector<256x64xf32>
      %add3A_981 = arith.addf %mul3A_977, %dot_general3A_980 : vector<256x64xf32>
      %slice3A_982 = vector.extract_strided_slice %get3A_654 {offsets = [0, 896], sizes = [256, 64], strides = [1, 1]} : vector<256x1024xf32> to vector<256x64xf32>
      %dot_general3A_983 = arith.constant dense<0.000000e+00> : vector<256x256xf32>
      %dot_general3A_984 = tpu.matmul %get3A_44, %slice3A_982, %dot_general3A_983 {dimension_numbers = #tpu.dot_dimension_numbers<[1], [1], [0], [0], [0, 0, 1, 0], [], []>, transpose_lhs_hint = false} : vector<256x64xf32>, vector<256x64xf32>, vector<256x256xf32> -> vector<256x256xf32>
      %reduce_max3A_985 = arith.constant dense<0xFF800000> : vector<256xf32>
      %reduce_max3A_986 = vector.multi_reduction <maximumf>, %dot_general3A_984, %reduce_max3A_985 [1] : vector<256x256xf32> to vector<256xf32>
      %broadcast_in_dim3A_987 = vector.shape_cast %reduce_max3A_986 : vector<256xf32> to vector<256x1xf32>
      %max3A_988 = arith.maximumf %while3A_616, %broadcast_in_dim3A_987 : vector<256x1xf32>
      %sub3A_989 = vector.broadcast %max3A_988 : vector<256x1xf32> to vector<256x256xf32>
      %sub3A_990 = arith.subf %dot_general3A_984, %sub3A_989 : vector<256x256xf32>
      %exp3A_991 = math.exp %sub3A_990 : vector<256x256xf32>
      %sub3A_992 = arith.subf %while3A_616, %max3A_988 : vector<256x1xf32>
      %exp3A_993 = math.exp %sub3A_992 : vector<256x1xf32>
      %mul3A_994 = arith.mulf %while3A_632, %exp3A_993 : vector<256x1xf32>
      %reduce_sum3A_995 = arith.constant dense<0.000000e+00> : vector<256xf32>
      %reduce_sum3A_996 = vector.multi_reduction <add>, %exp3A_991, %reduce_sum3A_995 [1] : vector<256x256xf32> to vector<256xf32>
      %broadcast_in_dim3A_997 = vector.shape_cast %reduce_sum3A_996 : vector<256xf32> to vector<256x1xf32>
      %add3A_998 = arith.addf %mul3A_994, %broadcast_in_dim3A_997 : vector<256x1xf32>
      %mul3A_999 = vector.broadcast %exp3A_993 : vector<256x1xf32> to vector<256x64xf32>
      %mul3A_1000 = arith.mulf %while3A_648, %mul3A_999 : vector<256x64xf32>
      %slice3A_1001 = vector.extract_strided_slice %get3A_659 {offsets = [0, 896], sizes = [256, 64], strides = [1, 1]} : vector<256x1024xf32> to vector<256x64xf32>
      %dot_general3A_1002 = arith.constant dense<0.000000e+00> : vector<256x64xf32>
      %dot_general3A_1003 = tpu.matmul %exp3A_991, %slice3A_1001, %dot_general3A_1002 {dimension_numbers = #tpu.dot_dimension_numbers<[1], [0], [0], [1], [0, 0, 1, 1], [], []>, transpose_lhs_hint = false} : vector<256x256xf32>, vector<256x64xf32>, vector<256x64xf32> -> vector<256x64xf32>
      %add3A_1004 = arith.addf %mul3A_1000, %dot_general3A_1003 : vector<256x64xf32>
      %slice3A_1005 = vector.extract_strided_slice %get3A_654 {offsets = [0, 960], sizes = [256, 64], strides = [1, 1]} : vector<256x1024xf32> to vector<256x64xf32>
      %dot_general3A_1006 = arith.constant dense<0.000000e+00> : vector<256x256xf32>
      %dot_general3A_1007 = tpu.matmul %get3A_47, %slice3A_1005, %dot_general3A_1006 {dimension_numbers = #tpu.dot_dimension_numbers<[1], [1], [0], [0], [0, 0, 1, 0], [], []>, transpose_lhs_hint = false} : vector<256x64xf32>, vector<256x64xf32>, vector<256x256xf32> -> vector<256x256xf32>
      %reduce_max3A_1008 = arith.constant dense<0xFF800000> : vector<256xf32>
      %reduce_max3A_1009 = vector.multi_reduction <maximumf>, %dot_general3A_1007, %reduce_max3A_1008 [1] : vector<256x256xf32> to vector<256xf32>
      %broadcast_in_dim3A_1010 = vector.shape_cast %reduce_max3A_1009 : vector<256xf32> to vector<256x1xf32>
      %max3A_1011 = arith.maximumf %while3A_617, %broadcast_in_dim3A_1010 : vector<256x1xf32>
      %sub3A_1012 = vector.broadcast %max3A_1011 : vector<256x1xf32> to vector<256x256xf32>
      %sub3A_1013 = arith.subf %dot_general3A_1007, %sub3A_1012 : vector<256x256xf32>
      %exp3A_1014 = math.exp %sub3A_1013 : vector<256x256xf32>
      %sub3A_1015 = arith.subf %while3A_617, %max3A_1011 : vector<256x1xf32>
      %exp3A_1016 = math.exp %sub3A_1015 : vector<256x1xf32>
      %mul3A_1017 = arith.mulf %while3A_633, %exp3A_1016 : vector<256x1xf32>
      %reduce_sum3A_1018 = arith.constant dense<0.000000e+00> : vector<256xf32>
      %reduce_sum3A_1019 = vector.multi_reduction <add>, %exp3A_1014, %reduce_sum3A_1018 [1] : vector<256x256xf32> to vector<256xf32>
      %broadcast_in_dim3A_1020 = vector.shape_cast %reduce_sum3A_1019 : vector<256xf32> to vector<256x1xf32>
      %add3A_1021 = arith.addf %mul3A_1017, %broadcast_in_dim3A_1020 : vector<256x1xf32>
      %mul3A_1022 = vector.broadcast %exp3A_1016 : vector<256x1xf32> to vector<256x64xf32>
      %mul3A_1023 = arith.mulf %while3A_649, %mul3A_1022 : vector<256x64xf32>
      %slice3A_1024 = vector.extract_strided_slice %get3A_659 {offsets = [0, 960], sizes = [256, 64], strides = [1, 1]} : vector<256x1024xf32> to vector<256x64xf32>
      %dot_general3A_1025 = arith.constant dense<0.000000e+00> : vector<256x64xf32>
      %dot_general3A_1026 = tpu.matmul %exp3A_1014, %slice3A_1024, %dot_general3A_1025 {dimension_numbers = #tpu.dot_dimension_numbers<[1], [0], [0], [1], [0, 0, 1, 1], [], []>, transpose_lhs_hint = false} : vector<256x256xf32>, vector<256x64xf32>, vector<256x64xf32> -> vector<256x64xf32>
      %add3A_1027 = arith.addf %mul3A_1023, %dot_general3A_1026 : vector<256x64xf32>
      scf.yield %max3A_666, %max3A_689, %max3A_712, %max3A_735, %max3A_758, %max3A_781, %max3A_804, %max3A_827, %max3A_850, %max3A_873, %max3A_896, %max3A_919, %max3A_942, %max3A_965, %max3A_988, %max3A_1011, %add3A_676, %add3A_699, %add3A_722, %add3A_745, %add3A_768, %add3A_791, %add3A_814, %add3A_837, %add3A_860, %add3A_883, %add3A_906, %add3A_929, %add3A_952, %add3A_975, %add3A_998, %add3A_1021, %add3A_682, %add3A_705, %add3A_728, %add3A_751, %add3A_774, %add3A_797, %add3A_820, %add3A_843, %add3A_866, %add3A_889, %add3A_912, %add3A_935, %add3A_958, %add3A_981, %add3A_1004, %add3A_1027 : vector<256x1xf32>, vector<256x1xf32>, vector<256x1xf32>, vector<256x1xf32>, vector<256x1xf32>, vector<256x1xf32>, vector<256x1xf32>, vector<256x1xf32>, vector<256x1xf32>, vector<256x1xf32>, vector<256x1xf32>, vector<256x1xf32>, vector<256x1xf32>, vector<256x1xf32>, vector<256x1xf32>, vector<256x1xf32>, vector<256x1xf32>, vector<256x1xf32>, vector<256x1xf32>, vector<256x1xf32>, vector<256x1xf32>, vector<256x1xf32>, vector<256x1xf32>, vector<256x1xf32>, vector<256x1xf32>, vector<256x1xf32>, vector<256x1xf32>, vector<256x1xf32>, vector<256x1xf32>, vector<256x1xf32>, vector<256x1xf32>, vector<256x1xf32>, vector<256x64xf32>, vector<256x64xf32>, vector<256x64xf32>, vector<256x64xf32>, vector<256x64xf32>, vector<256x64xf32>, vector<256x64xf32>, vector<256x64xf32>, vector<256x64xf32>, vector<256x64xf32>, vector<256x64xf32>, vector<256x64xf32>, vector<256x64xf32>, vector<256x64xf32>, vector<256x64xf32>, vector<256x64xf32>
    }
    %mul3A = arith.constant 256 : i32
    %mul3A_153 = arith.muli %arg0, %mul3A : i32
    %get3A_154 = arith.index_cast %mul3A_153 : i32 to index
    %get3A_155 = arith.constant 0 : index
    %get3A_156 = vector.load %arg2[%get3A_154, %get3A_155] : memref<2048x1024xf32, #tpu.memory_space<vmem>>, vector<256x1024xf32>
    %mul3A_157 = arith.constant 256 : i32
    %mul3A_158 = arith.muli %arg0, %mul3A_157 : i32
    %get3A_159 = arith.index_cast %mul3A_158 : i32 to index
    %get3A_160 = arith.constant 0 : index
    %get3A_161 = vector.load %arg3[%get3A_159, %get3A_160] : memref<2048x1024xf32, #tpu.memory_space<vmem>>, vector<256x1024xf32>
    %slice3A = vector.extract_strided_slice %get3A_156 {offsets = [0, 0], sizes = [256, 64], strides = [1, 1]} : vector<256x1024xf32> to vector<256x64xf32>
    %dot_general3A = arith.constant dense<0.000000e+00> : vector<256x256xf32>
    %dot_general3A_162 = tpu.matmul %get3A_2, %slice3A, %dot_general3A {dimension_numbers = #tpu.dot_dimension_numbers<[1], [1], [0], [0], [0, 0, 1, 0], [], []>, transpose_lhs_hint = false} : vector<256x64xf32>, vector<256x64xf32>, vector<256x256xf32> -> vector<256x256xf32>
    %jit3A = arith.constant -1.000000e+30 : f32
    %broadcast_in_dim3A_163 = vector.broadcast %jit3A : f32 to vector<256x256xf32>
    %select_n3A = arith.select %le3A, %dot_general3A_162, %broadcast_in_dim3A_163 : vector<256x256xi1>, vector<256x256xf32>
    %reduce_max3A = arith.constant dense<0xFF800000> : vector<256xf32>
    %reduce_max3A_164 = vector.multi_reduction <maximumf>, %select_n3A, %reduce_max3A [1] : vector<256x256xf32> to vector<256xf32>
    %broadcast_in_dim3A_165 = vector.shape_cast %reduce_max3A_164 : vector<256xf32> to vector<256x1xf32>
    %max3A = arith.maximumf %while3A_152#0, %broadcast_in_dim3A_165 : vector<256x1xf32>
    %sub3A = vector.broadcast %max3A : vector<256x1xf32> to vector<256x256xf32>
    %sub3A_166 = arith.subf %select_n3A, %sub3A : vector<256x256xf32>
    %exp3A = math.exp %sub3A_166 : vector<256x256xf32>
    %sub3A_167 = arith.subf %while3A_152#0, %max3A : vector<256x1xf32>
    %exp3A_168 = math.exp %sub3A_167 : vector<256x1xf32>
    %mul3A_169 = arith.mulf %while3A_152#16, %exp3A_168 : vector<256x1xf32>
    %reduce_sum3A = arith.constant dense<0.000000e+00> : vector<256xf32>
    %reduce_sum3A_170 = vector.multi_reduction <add>, %exp3A, %reduce_sum3A [1] : vector<256x256xf32> to vector<256xf32>
    %broadcast_in_dim3A_171 = vector.shape_cast %reduce_sum3A_170 : vector<256xf32> to vector<256x1xf32>
    %add3A = arith.addf %mul3A_169, %broadcast_in_dim3A_171 : vector<256x1xf32>
    %mul3A_172 = vector.broadcast %exp3A_168 : vector<256x1xf32> to vector<256x64xf32>
    %mul3A_173 = arith.mulf %while3A_152#32, %mul3A_172 : vector<256x64xf32>
    %slice3A_174 = vector.extract_strided_slice %get3A_161 {offsets = [0, 0], sizes = [256, 64], strides = [1, 1]} : vector<256x1024xf32> to vector<256x64xf32>
    %dot_general3A_175 = arith.constant dense<0.000000e+00> : vector<256x64xf32>
    %dot_general3A_176 = tpu.matmul %exp3A, %slice3A_174, %dot_general3A_175 {dimension_numbers = #tpu.dot_dimension_numbers<[1], [0], [0], [1], [0, 0, 1, 1], [], []>, transpose_lhs_hint = false} : vector<256x256xf32>, vector<256x64xf32>, vector<256x64xf32> -> vector<256x64xf32>
    %add3A_177 = arith.addf %mul3A_173, %dot_general3A_176 : vector<256x64xf32>
    %slice3A_178 = vector.extract_strided_slice %get3A_156 {offsets = [0, 64], sizes = [256, 64], strides = [1, 1]} : vector<256x1024xf32> to vector<256x64xf32>
    %dot_general3A_179 = arith.constant dense<0.000000e+00> : vector<256x256xf32>
    %dot_general3A_180 = tpu.matmul %get3A_5, %slice3A_178, %dot_general3A_179 {dimension_numbers = #tpu.dot_dimension_numbers<[1], [1], [0], [0], [0, 0, 1, 0], [], []>, transpose_lhs_hint = false} : vector<256x64xf32>, vector<256x64xf32>, vector<256x256xf32> -> vector<256x256xf32>
    %jit3A_181 = arith.constant -1.000000e+30 : f32
    %broadcast_in_dim3A_182 = vector.broadcast %jit3A_181 : f32 to vector<256x256xf32>
    %select_n3A_183 = arith.select %le3A, %dot_general3A_180, %broadcast_in_dim3A_182 : vector<256x256xi1>, vector<256x256xf32>
    %reduce_max3A_184 = arith.constant dense<0xFF800000> : vector<256xf32>
    %reduce_max3A_185 = vector.multi_reduction <maximumf>, %select_n3A_183, %reduce_max3A_184 [1] : vector<256x256xf32> to vector<256xf32>
    %broadcast_in_dim3A_186 = vector.shape_cast %reduce_max3A_185 : vector<256xf32> to vector<256x1xf32>
    %max3A_187 = arith.maximumf %while3A_152#1, %broadcast_in_dim3A_186 : vector<256x1xf32>
    %sub3A_188 = vector.broadcast %max3A_187 : vector<256x1xf32> to vector<256x256xf32>
    %sub3A_189 = arith.subf %select_n3A_183, %sub3A_188 : vector<256x256xf32>
    %exp3A_190 = math.exp %sub3A_189 : vector<256x256xf32>
    %sub3A_191 = arith.subf %while3A_152#1, %max3A_187 : vector<256x1xf32>
    %exp3A_192 = math.exp %sub3A_191 : vector<256x1xf32>
    %mul3A_193 = arith.mulf %while3A_152#17, %exp3A_192 : vector<256x1xf32>
    %reduce_sum3A_194 = arith.constant dense<0.000000e+00> : vector<256xf32>
    %reduce_sum3A_195 = vector.multi_reduction <add>, %exp3A_190, %reduce_sum3A_194 [1] : vector<256x256xf32> to vector<256xf32>
    %broadcast_in_dim3A_196 = vector.shape_cast %reduce_sum3A_195 : vector<256xf32> to vector<256x1xf32>
    %add3A_197 = arith.addf %mul3A_193, %broadcast_in_dim3A_196 : vector<256x1xf32>
    %mul3A_198 = vector.broadcast %exp3A_192 : vector<256x1xf32> to vector<256x64xf32>
    %mul3A_199 = arith.mulf %while3A_152#33, %mul3A_198 : vector<256x64xf32>
    %slice3A_200 = vector.extract_strided_slice %get3A_161 {offsets = [0, 64], sizes = [256, 64], strides = [1, 1]} : vector<256x1024xf32> to vector<256x64xf32>
    %dot_general3A_201 = arith.constant dense<0.000000e+00> : vector<256x64xf32>
    %dot_general3A_202 = tpu.matmul %exp3A_190, %slice3A_200, %dot_general3A_201 {dimension_numbers = #tpu.dot_dimension_numbers<[1], [0], [0], [1], [0, 0, 1, 1], [], []>, transpose_lhs_hint = false} : vector<256x256xf32>, vector<256x64xf32>, vector<256x64xf32> -> vector<256x64xf32>
    %add3A_203 = arith.addf %mul3A_199, %dot_general3A_202 : vector<256x64xf32>
    %slice3A_204 = vector.extract_strided_slice %get3A_156 {offsets = [0, 128], sizes = [256, 64], strides = [1, 1]} : vector<256x1024xf32> to vector<256x64xf32>
    %dot_general3A_205 = arith.constant dense<0.000000e+00> : vector<256x256xf32>
    %dot_general3A_206 = tpu.matmul %get3A_8, %slice3A_204, %dot_general3A_205 {dimension_numbers = #tpu.dot_dimension_numbers<[1], [1], [0], [0], [0, 0, 1, 0], [], []>, transpose_lhs_hint = false} : vector<256x64xf32>, vector<256x64xf32>, vector<256x256xf32> -> vector<256x256xf32>
    %jit3A_207 = arith.constant -1.000000e+30 : f32
    %broadcast_in_dim3A_208 = vector.broadcast %jit3A_207 : f32 to vector<256x256xf32>
    %select_n3A_209 = arith.select %le3A, %dot_general3A_206, %broadcast_in_dim3A_208 : vector<256x256xi1>, vector<256x256xf32>
    %reduce_max3A_210 = arith.constant dense<0xFF800000> : vector<256xf32>
    %reduce_max3A_211 = vector.multi_reduction <maximumf>, %select_n3A_209, %reduce_max3A_210 [1] : vector<256x256xf32> to vector<256xf32>
    %broadcast_in_dim3A_212 = vector.shape_cast %reduce_max3A_211 : vector<256xf32> to vector<256x1xf32>
    %max3A_213 = arith.maximumf %while3A_152#2, %broadcast_in_dim3A_212 : vector<256x1xf32>
    %sub3A_214 = vector.broadcast %max3A_213 : vector<256x1xf32> to vector<256x256xf32>
    %sub3A_215 = arith.subf %select_n3A_209, %sub3A_214 : vector<256x256xf32>
    %exp3A_216 = math.exp %sub3A_215 : vector<256x256xf32>
    %sub3A_217 = arith.subf %while3A_152#2, %max3A_213 : vector<256x1xf32>
    %exp3A_218 = math.exp %sub3A_217 : vector<256x1xf32>
    %mul3A_219 = arith.mulf %while3A_152#18, %exp3A_218 : vector<256x1xf32>
    %reduce_sum3A_220 = arith.constant dense<0.000000e+00> : vector<256xf32>
    %reduce_sum3A_221 = vector.multi_reduction <add>, %exp3A_216, %reduce_sum3A_220 [1] : vector<256x256xf32> to vector<256xf32>
    %broadcast_in_dim3A_222 = vector.shape_cast %reduce_sum3A_221 : vector<256xf32> to vector<256x1xf32>
    %add3A_223 = arith.addf %mul3A_219, %broadcast_in_dim3A_222 : vector<256x1xf32>
    %mul3A_224 = vector.broadcast %exp3A_218 : vector<256x1xf32> to vector<256x64xf32>
    %mul3A_225 = arith.mulf %while3A_152#34, %mul3A_224 : vector<256x64xf32>
    %slice3A_226 = vector.extract_strided_slice %get3A_161 {offsets = [0, 128], sizes = [256, 64], strides = [1, 1]} : vector<256x1024xf32> to vector<256x64xf32>
    %dot_general3A_227 = arith.constant dense<0.000000e+00> : vector<256x64xf32>
    %dot_general3A_228 = tpu.matmul %exp3A_216, %slice3A_226, %dot_general3A_227 {dimension_numbers = #tpu.dot_dimension_numbers<[1], [0], [0], [1], [0, 0, 1, 1], [], []>, transpose_lhs_hint = false} : vector<256x256xf32>, vector<256x64xf32>, vector<256x64xf32> -> vector<256x64xf32>
    %add3A_229 = arith.addf %mul3A_225, %dot_general3A_228 : vector<256x64xf32>
    %slice3A_230 = vector.extract_strided_slice %get3A_156 {offsets = [0, 192], sizes = [256, 64], strides = [1, 1]} : vector<256x1024xf32> to vector<256x64xf32>
    %dot_general3A_231 = arith.constant dense<0.000000e+00> : vector<256x256xf32>
    %dot_general3A_232 = tpu.matmul %get3A_11, %slice3A_230, %dot_general3A_231 {dimension_numbers = #tpu.dot_dimension_numbers<[1], [1], [0], [0], [0, 0, 1, 0], [], []>, transpose_lhs_hint = false} : vector<256x64xf32>, vector<256x64xf32>, vector<256x256xf32> -> vector<256x256xf32>
    %jit3A_233 = arith.constant -1.000000e+30 : f32
    %broadcast_in_dim3A_234 = vector.broadcast %jit3A_233 : f32 to vector<256x256xf32>
    %select_n3A_235 = arith.select %le3A, %dot_general3A_232, %broadcast_in_dim3A_234 : vector<256x256xi1>, vector<256x256xf32>
    %reduce_max3A_236 = arith.constant dense<0xFF800000> : vector<256xf32>
    %reduce_max3A_237 = vector.multi_reduction <maximumf>, %select_n3A_235, %reduce_max3A_236 [1] : vector<256x256xf32> to vector<256xf32>
    %broadcast_in_dim3A_238 = vector.shape_cast %reduce_max3A_237 : vector<256xf32> to vector<256x1xf32>
    %max3A_239 = arith.maximumf %while3A_152#3, %broadcast_in_dim3A_238 : vector<256x1xf32>
    %sub3A_240 = vector.broadcast %max3A_239 : vector<256x1xf32> to vector<256x256xf32>
    %sub3A_241 = arith.subf %select_n3A_235, %sub3A_240 : vector<256x256xf32>
    %exp3A_242 = math.exp %sub3A_241 : vector<256x256xf32>
    %sub3A_243 = arith.subf %while3A_152#3, %max3A_239 : vector<256x1xf32>
    %exp3A_244 = math.exp %sub3A_243 : vector<256x1xf32>
    %mul3A_245 = arith.mulf %while3A_152#19, %exp3A_244 : vector<256x1xf32>
    %reduce_sum3A_246 = arith.constant dense<0.000000e+00> : vector<256xf32>
    %reduce_sum3A_247 = vector.multi_reduction <add>, %exp3A_242, %reduce_sum3A_246 [1] : vector<256x256xf32> to vector<256xf32>
    %broadcast_in_dim3A_248 = vector.shape_cast %reduce_sum3A_247 : vector<256xf32> to vector<256x1xf32>
    %add3A_249 = arith.addf %mul3A_245, %broadcast_in_dim3A_248 : vector<256x1xf32>
    %mul3A_250 = vector.broadcast %exp3A_244 : vector<256x1xf32> to vector<256x64xf32>
    %mul3A_251 = arith.mulf %while3A_152#35, %mul3A_250 : vector<256x64xf32>
    %slice3A_252 = vector.extract_strided_slice %get3A_161 {offsets = [0, 192], sizes = [256, 64], strides = [1, 1]} : vector<256x1024xf32> to vector<256x64xf32>
    %dot_general3A_253 = arith.constant dense<0.000000e+00> : vector<256x64xf32>
    %dot_general3A_254 = tpu.matmul %exp3A_242, %slice3A_252, %dot_general3A_253 {dimension_numbers = #tpu.dot_dimension_numbers<[1], [0], [0], [1], [0, 0, 1, 1], [], []>, transpose_lhs_hint = false} : vector<256x256xf32>, vector<256x64xf32>, vector<256x64xf32> -> vector<256x64xf32>
    %add3A_255 = arith.addf %mul3A_251, %dot_general3A_254 : vector<256x64xf32>
    %slice3A_256 = vector.extract_strided_slice %get3A_156 {offsets = [0, 256], sizes = [256, 64], strides = [1, 1]} : vector<256x1024xf32> to vector<256x64xf32>
    %dot_general3A_257 = arith.constant dense<0.000000e+00> : vector<256x256xf32>
    %dot_general3A_258 = tpu.matmul %get3A_14, %slice3A_256, %dot_general3A_257 {dimension_numbers = #tpu.dot_dimension_numbers<[1], [1], [0], [0], [0, 0, 1, 0], [], []>, transpose_lhs_hint = false} : vector<256x64xf32>, vector<256x64xf32>, vector<256x256xf32> -> vector<256x256xf32>
    %jit3A_259 = arith.constant -1.000000e+30 : f32
    %broadcast_in_dim3A_260 = vector.broadcast %jit3A_259 : f32 to vector<256x256xf32>
    %select_n3A_261 = arith.select %le3A, %dot_general3A_258, %broadcast_in_dim3A_260 : vector<256x256xi1>, vector<256x256xf32>
    %reduce_max3A_262 = arith.constant dense<0xFF800000> : vector<256xf32>
    %reduce_max3A_263 = vector.multi_reduction <maximumf>, %select_n3A_261, %reduce_max3A_262 [1] : vector<256x256xf32> to vector<256xf32>
    %broadcast_in_dim3A_264 = vector.shape_cast %reduce_max3A_263 : vector<256xf32> to vector<256x1xf32>
    %max3A_265 = arith.maximumf %while3A_152#4, %broadcast_in_dim3A_264 : vector<256x1xf32>
    %sub3A_266 = vector.broadcast %max3A_265 : vector<256x1xf32> to vector<256x256xf32>
    %sub3A_267 = arith.subf %select_n3A_261, %sub3A_266 : vector<256x256xf32>
    %exp3A_268 = math.exp %sub3A_267 : vector<256x256xf32>
    %sub3A_269 = arith.subf %while3A_152#4, %max3A_265 : vector<256x1xf32>
    %exp3A_270 = math.exp %sub3A_269 : vector<256x1xf32>
    %mul3A_271 = arith.mulf %while3A_152#20, %exp3A_270 : vector<256x1xf32>
    %reduce_sum3A_272 = arith.constant dense<0.000000e+00> : vector<256xf32>
    %reduce_sum3A_273 = vector.multi_reduction <add>, %exp3A_268, %reduce_sum3A_272 [1] : vector<256x256xf32> to vector<256xf32>
    %broadcast_in_dim3A_274 = vector.shape_cast %reduce_sum3A_273 : vector<256xf32> to vector<256x1xf32>
    %add3A_275 = arith.addf %mul3A_271, %broadcast_in_dim3A_274 : vector<256x1xf32>
    %mul3A_276 = vector.broadcast %exp3A_270 : vector<256x1xf32> to vector<256x64xf32>
    %mul3A_277 = arith.mulf %while3A_152#36, %mul3A_276 : vector<256x64xf32>
    %slice3A_278 = vector.extract_strided_slice %get3A_161 {offsets = [0, 256], sizes = [256, 64], strides = [1, 1]} : vector<256x1024xf32> to vector<256x64xf32>
    %dot_general3A_279 = arith.constant dense<0.000000e+00> : vector<256x64xf32>
    %dot_general3A_280 = tpu.matmul %exp3A_268, %slice3A_278, %dot_general3A_279 {dimension_numbers = #tpu.dot_dimension_numbers<[1], [0], [0], [1], [0, 0, 1, 1], [], []>, transpose_lhs_hint = false} : vector<256x256xf32>, vector<256x64xf32>, vector<256x64xf32> -> vector<256x64xf32>
    %add3A_281 = arith.addf %mul3A_277, %dot_general3A_280 : vector<256x64xf32>
    %slice3A_282 = vector.extract_strided_slice %get3A_156 {offsets = [0, 320], sizes = [256, 64], strides = [1, 1]} : vector<256x1024xf32> to vector<256x64xf32>
    %dot_general3A_283 = arith.constant dense<0.000000e+00> : vector<256x256xf32>
    %dot_general3A_284 = tpu.matmul %get3A_17, %slice3A_282, %dot_general3A_283 {dimension_numbers = #tpu.dot_dimension_numbers<[1], [1], [0], [0], [0, 0, 1, 0], [], []>, transpose_lhs_hint = false} : vector<256x64xf32>, vector<256x64xf32>, vector<256x256xf32> -> vector<256x256xf32>
    %jit3A_285 = arith.constant -1.000000e+30 : f32
    %broadcast_in_dim3A_286 = vector.broadcast %jit3A_285 : f32 to vector<256x256xf32>
    %select_n3A_287 = arith.select %le3A, %dot_general3A_284, %broadcast_in_dim3A_286 : vector<256x256xi1>, vector<256x256xf32>
    %reduce_max3A_288 = arith.constant dense<0xFF800000> : vector<256xf32>
    %reduce_max3A_289 = vector.multi_reduction <maximumf>, %select_n3A_287, %reduce_max3A_288 [1] : vector<256x256xf32> to vector<256xf32>
    %broadcast_in_dim3A_290 = vector.shape_cast %reduce_max3A_289 : vector<256xf32> to vector<256x1xf32>
    %max3A_291 = arith.maximumf %while3A_152#5, %broadcast_in_dim3A_290 : vector<256x1xf32>
    %sub3A_292 = vector.broadcast %max3A_291 : vector<256x1xf32> to vector<256x256xf32>
    %sub3A_293 = arith.subf %select_n3A_287, %sub3A_292 : vector<256x256xf32>
    %exp3A_294 = math.exp %sub3A_293 : vector<256x256xf32>
    %sub3A_295 = arith.subf %while3A_152#5, %max3A_291 : vector<256x1xf32>
    %exp3A_296 = math.exp %sub3A_295 : vector<256x1xf32>
    %mul3A_297 = arith.mulf %while3A_152#21, %exp3A_296 : vector<256x1xf32>
    %reduce_sum3A_298 = arith.constant dense<0.000000e+00> : vector<256xf32>
    %reduce_sum3A_299 = vector.multi_reduction <add>, %exp3A_294, %reduce_sum3A_298 [1] : vector<256x256xf32> to vector<256xf32>
    %broadcast_in_dim3A_300 = vector.shape_cast %reduce_sum3A_299 : vector<256xf32> to vector<256x1xf32>
    %add3A_301 = arith.addf %mul3A_297, %broadcast_in_dim3A_300 : vector<256x1xf32>
    %mul3A_302 = vector.broadcast %exp3A_296 : vector<256x1xf32> to vector<256x64xf32>
    %mul3A_303 = arith.mulf %while3A_152#37, %mul3A_302 : vector<256x64xf32>
    %slice3A_304 = vector.extract_strided_slice %get3A_161 {offsets = [0, 320], sizes = [256, 64], strides = [1, 1]} : vector<256x1024xf32> to vector<256x64xf32>
    %dot_general3A_305 = arith.constant dense<0.000000e+00> : vector<256x64xf32>
    %dot_general3A_306 = tpu.matmul %exp3A_294, %slice3A_304, %dot_general3A_305 {dimension_numbers = #tpu.dot_dimension_numbers<[1], [0], [0], [1], [0, 0, 1, 1], [], []>, transpose_lhs_hint = false} : vector<256x256xf32>, vector<256x64xf32>, vector<256x64xf32> -> vector<256x64xf32>
    %add3A_307 = arith.addf %mul3A_303, %dot_general3A_306 : vector<256x64xf32>
    %slice3A_308 = vector.extract_strided_slice %get3A_156 {offsets = [0, 384], sizes = [256, 64], strides = [1, 1]} : vector<256x1024xf32> to vector<256x64xf32>
    %dot_general3A_309 = arith.constant dense<0.000000e+00> : vector<256x256xf32>
    %dot_general3A_310 = tpu.matmul %get3A_20, %slice3A_308, %dot_general3A_309 {dimension_numbers = #tpu.dot_dimension_numbers<[1], [1], [0], [0], [0, 0, 1, 0], [], []>, transpose_lhs_hint = false} : vector<256x64xf32>, vector<256x64xf32>, vector<256x256xf32> -> vector<256x256xf32>
    %jit3A_311 = arith.constant -1.000000e+30 : f32
    %broadcast_in_dim3A_312 = vector.broadcast %jit3A_311 : f32 to vector<256x256xf32>
    %select_n3A_313 = arith.select %le3A, %dot_general3A_310, %broadcast_in_dim3A_312 : vector<256x256xi1>, vector<256x256xf32>
    %reduce_max3A_314 = arith.constant dense<0xFF800000> : vector<256xf32>
    %reduce_max3A_315 = vector.multi_reduction <maximumf>, %select_n3A_313, %reduce_max3A_314 [1] : vector<256x256xf32> to vector<256xf32>
    %broadcast_in_dim3A_316 = vector.shape_cast %reduce_max3A_315 : vector<256xf32> to vector<256x1xf32>
    %max3A_317 = arith.maximumf %while3A_152#6, %broadcast_in_dim3A_316 : vector<256x1xf32>
    %sub3A_318 = vector.broadcast %max3A_317 : vector<256x1xf32> to vector<256x256xf32>
    %sub3A_319 = arith.subf %select_n3A_313, %sub3A_318 : vector<256x256xf32>
    %exp3A_320 = math.exp %sub3A_319 : vector<256x256xf32>
    %sub3A_321 = arith.subf %while3A_152#6, %max3A_317 : vector<256x1xf32>
    %exp3A_322 = math.exp %sub3A_321 : vector<256x1xf32>
    %mul3A_323 = arith.mulf %while3A_152#22, %exp3A_322 : vector<256x1xf32>
    %reduce_sum3A_324 = arith.constant dense<0.000000e+00> : vector<256xf32>
    %reduce_sum3A_325 = vector.multi_reduction <add>, %exp3A_320, %reduce_sum3A_324 [1] : vector<256x256xf32> to vector<256xf32>
    %broadcast_in_dim3A_326 = vector.shape_cast %reduce_sum3A_325 : vector<256xf32> to vector<256x1xf32>
    %add3A_327 = arith.addf %mul3A_323, %broadcast_in_dim3A_326 : vector<256x1xf32>
    %mul3A_328 = vector.broadcast %exp3A_322 : vector<256x1xf32> to vector<256x64xf32>
    %mul3A_329 = arith.mulf %while3A_152#38, %mul3A_328 : vector<256x64xf32>
    %slice3A_330 = vector.extract_strided_slice %get3A_161 {offsets = [0, 384], sizes = [256, 64], strides = [1, 1]} : vector<256x1024xf32> to vector<256x64xf32>
    %dot_general3A_331 = arith.constant dense<0.000000e+00> : vector<256x64xf32>
    %dot_general3A_332 = tpu.matmul %exp3A_320, %slice3A_330, %dot_general3A_331 {dimension_numbers = #tpu.dot_dimension_numbers<[1], [0], [0], [1], [0, 0, 1, 1], [], []>, transpose_lhs_hint = false} : vector<256x256xf32>, vector<256x64xf32>, vector<256x64xf32> -> vector<256x64xf32>
    %add3A_333 = arith.addf %mul3A_329, %dot_general3A_332 : vector<256x64xf32>
    %slice3A_334 = vector.extract_strided_slice %get3A_156 {offsets = [0, 448], sizes = [256, 64], strides = [1, 1]} : vector<256x1024xf32> to vector<256x64xf32>
    %dot_general3A_335 = arith.constant dense<0.000000e+00> : vector<256x256xf32>
    %dot_general3A_336 = tpu.matmul %get3A_23, %slice3A_334, %dot_general3A_335 {dimension_numbers = #tpu.dot_dimension_numbers<[1], [1], [0], [0], [0, 0, 1, 0], [], []>, transpose_lhs_hint = false} : vector<256x64xf32>, vector<256x64xf32>, vector<256x256xf32> -> vector<256x256xf32>
    %jit3A_337 = arith.constant -1.000000e+30 : f32
    %broadcast_in_dim3A_338 = vector.broadcast %jit3A_337 : f32 to vector<256x256xf32>
    %select_n3A_339 = arith.select %le3A, %dot_general3A_336, %broadcast_in_dim3A_338 : vector<256x256xi1>, vector<256x256xf32>
    %reduce_max3A_340 = arith.constant dense<0xFF800000> : vector<256xf32>
    %reduce_max3A_341 = vector.multi_reduction <maximumf>, %select_n3A_339, %reduce_max3A_340 [1] : vector<256x256xf32> to vector<256xf32>
    %broadcast_in_dim3A_342 = vector.shape_cast %reduce_max3A_341 : vector<256xf32> to vector<256x1xf32>
    %max3A_343 = arith.maximumf %while3A_152#7, %broadcast_in_dim3A_342 : vector<256x1xf32>
    %sub3A_344 = vector.broadcast %max3A_343 : vector<256x1xf32> to vector<256x256xf32>
    %sub3A_345 = arith.subf %select_n3A_339, %sub3A_344 : vector<256x256xf32>
    %exp3A_346 = math.exp %sub3A_345 : vector<256x256xf32>
    %sub3A_347 = arith.subf %while3A_152#7, %max3A_343 : vector<256x1xf32>
    %exp3A_348 = math.exp %sub3A_347 : vector<256x1xf32>
    %mul3A_349 = arith.mulf %while3A_152#23, %exp3A_348 : vector<256x1xf32>
    %reduce_sum3A_350 = arith.constant dense<0.000000e+00> : vector<256xf32>
    %reduce_sum3A_351 = vector.multi_reduction <add>, %exp3A_346, %reduce_sum3A_350 [1] : vector<256x256xf32> to vector<256xf32>
    %broadcast_in_dim3A_352 = vector.shape_cast %reduce_sum3A_351 : vector<256xf32> to vector<256x1xf32>
    %add3A_353 = arith.addf %mul3A_349, %broadcast_in_dim3A_352 : vector<256x1xf32>
    %mul3A_354 = vector.broadcast %exp3A_348 : vector<256x1xf32> to vector<256x64xf32>
    %mul3A_355 = arith.mulf %while3A_152#39, %mul3A_354 : vector<256x64xf32>
    %slice3A_356 = vector.extract_strided_slice %get3A_161 {offsets = [0, 448], sizes = [256, 64], strides = [1, 1]} : vector<256x1024xf32> to vector<256x64xf32>
    %dot_general3A_357 = arith.constant dense<0.000000e+00> : vector<256x64xf32>
    %dot_general3A_358 = tpu.matmul %exp3A_346, %slice3A_356, %dot_general3A_357 {dimension_numbers = #tpu.dot_dimension_numbers<[1], [0], [0], [1], [0, 0, 1, 1], [], []>, transpose_lhs_hint = false} : vector<256x256xf32>, vector<256x64xf32>, vector<256x64xf32> -> vector<256x64xf32>
    %add3A_359 = arith.addf %mul3A_355, %dot_general3A_358 : vector<256x64xf32>
    %slice3A_360 = vector.extract_strided_slice %get3A_156 {offsets = [0, 512], sizes = [256, 64], strides = [1, 1]} : vector<256x1024xf32> to vector<256x64xf32>
    %dot_general3A_361 = arith.constant dense<0.000000e+00> : vector<256x256xf32>
    %dot_general3A_362 = tpu.matmul %get3A_26, %slice3A_360, %dot_general3A_361 {dimension_numbers = #tpu.dot_dimension_numbers<[1], [1], [0], [0], [0, 0, 1, 0], [], []>, transpose_lhs_hint = false} : vector<256x64xf32>, vector<256x64xf32>, vector<256x256xf32> -> vector<256x256xf32>
    %jit3A_363 = arith.constant -1.000000e+30 : f32
    %broadcast_in_dim3A_364 = vector.broadcast %jit3A_363 : f32 to vector<256x256xf32>
    %select_n3A_365 = arith.select %le3A, %dot_general3A_362, %broadcast_in_dim3A_364 : vector<256x256xi1>, vector<256x256xf32>
    %reduce_max3A_366 = arith.constant dense<0xFF800000> : vector<256xf32>
    %reduce_max3A_367 = vector.multi_reduction <maximumf>, %select_n3A_365, %reduce_max3A_366 [1] : vector<256x256xf32> to vector<256xf32>
    %broadcast_in_dim3A_368 = vector.shape_cast %reduce_max3A_367 : vector<256xf32> to vector<256x1xf32>
    %max3A_369 = arith.maximumf %while3A_152#8, %broadcast_in_dim3A_368 : vector<256x1xf32>
    %sub3A_370 = vector.broadcast %max3A_369 : vector<256x1xf32> to vector<256x256xf32>
    %sub3A_371 = arith.subf %select_n3A_365, %sub3A_370 : vector<256x256xf32>
    %exp3A_372 = math.exp %sub3A_371 : vector<256x256xf32>
    %sub3A_373 = arith.subf %while3A_152#8, %max3A_369 : vector<256x1xf32>
    %exp3A_374 = math.exp %sub3A_373 : vector<256x1xf32>
    %mul3A_375 = arith.mulf %while3A_152#24, %exp3A_374 : vector<256x1xf32>
    %reduce_sum3A_376 = arith.constant dense<0.000000e+00> : vector<256xf32>
    %reduce_sum3A_377 = vector.multi_reduction <add>, %exp3A_372, %reduce_sum3A_376 [1] : vector<256x256xf32> to vector<256xf32>
    %broadcast_in_dim3A_378 = vector.shape_cast %reduce_sum3A_377 : vector<256xf32> to vector<256x1xf32>
    %add3A_379 = arith.addf %mul3A_375, %broadcast_in_dim3A_378 : vector<256x1xf32>
    %mul3A_380 = vector.broadcast %exp3A_374 : vector<256x1xf32> to vector<256x64xf32>
    %mul3A_381 = arith.mulf %while3A_152#40, %mul3A_380 : vector<256x64xf32>
    %slice3A_382 = vector.extract_strided_slice %get3A_161 {offsets = [0, 512], sizes = [256, 64], strides = [1, 1]} : vector<256x1024xf32> to vector<256x64xf32>
    %dot_general3A_383 = arith.constant dense<0.000000e+00> : vector<256x64xf32>
    %dot_general3A_384 = tpu.matmul %exp3A_372, %slice3A_382, %dot_general3A_383 {dimension_numbers = #tpu.dot_dimension_numbers<[1], [0], [0], [1], [0, 0, 1, 1], [], []>, transpose_lhs_hint = false} : vector<256x256xf32>, vector<256x64xf32>, vector<256x64xf32> -> vector<256x64xf32>
    %add3A_385 = arith.addf %mul3A_381, %dot_general3A_384 : vector<256x64xf32>
    %slice3A_386 = vector.extract_strided_slice %get3A_156 {offsets = [0, 576], sizes = [256, 64], strides = [1, 1]} : vector<256x1024xf32> to vector<256x64xf32>
    %dot_general3A_387 = arith.constant dense<0.000000e+00> : vector<256x256xf32>
    %dot_general3A_388 = tpu.matmul %get3A_29, %slice3A_386, %dot_general3A_387 {dimension_numbers = #tpu.dot_dimension_numbers<[1], [1], [0], [0], [0, 0, 1, 0], [], []>, transpose_lhs_hint = false} : vector<256x64xf32>, vector<256x64xf32>, vector<256x256xf32> -> vector<256x256xf32>
    %jit3A_389 = arith.constant -1.000000e+30 : f32
    %broadcast_in_dim3A_390 = vector.broadcast %jit3A_389 : f32 to vector<256x256xf32>
    %select_n3A_391 = arith.select %le3A, %dot_general3A_388, %broadcast_in_dim3A_390 : vector<256x256xi1>, vector<256x256xf32>
    %reduce_max3A_392 = arith.constant dense<0xFF800000> : vector<256xf32>
    %reduce_max3A_393 = vector.multi_reduction <maximumf>, %select_n3A_391, %reduce_max3A_392 [1] : vector<256x256xf32> to vector<256xf32>
    %broadcast_in_dim3A_394 = vector.shape_cast %reduce_max3A_393 : vector<256xf32> to vector<256x1xf32>
    %max3A_395 = arith.maximumf %while3A_152#9, %broadcast_in_dim3A_394 : vector<256x1xf32>
    %sub3A_396 = vector.broadcast %max3A_395 : vector<256x1xf32> to vector<256x256xf32>
    %sub3A_397 = arith.subf %select_n3A_391, %sub3A_396 : vector<256x256xf32>
    %exp3A_398 = math.exp %sub3A_397 : vector<256x256xf32>
    %sub3A_399 = arith.subf %while3A_152#9, %max3A_395 : vector<256x1xf32>
    %exp3A_400 = math.exp %sub3A_399 : vector<256x1xf32>
    %mul3A_401 = arith.mulf %while3A_152#25, %exp3A_400 : vector<256x1xf32>
    %reduce_sum3A_402 = arith.constant dense<0.000000e+00> : vector<256xf32>
    %reduce_sum3A_403 = vector.multi_reduction <add>, %exp3A_398, %reduce_sum3A_402 [1] : vector<256x256xf32> to vector<256xf32>
    %broadcast_in_dim3A_404 = vector.shape_cast %reduce_sum3A_403 : vector<256xf32> to vector<256x1xf32>
    %add3A_405 = arith.addf %mul3A_401, %broadcast_in_dim3A_404 : vector<256x1xf32>
    %mul3A_406 = vector.broadcast %exp3A_400 : vector<256x1xf32> to vector<256x64xf32>
    %mul3A_407 = arith.mulf %while3A_152#41, %mul3A_406 : vector<256x64xf32>
    %slice3A_408 = vector.extract_strided_slice %get3A_161 {offsets = [0, 576], sizes = [256, 64], strides = [1, 1]} : vector<256x1024xf32> to vector<256x64xf32>
    %dot_general3A_409 = arith.constant dense<0.000000e+00> : vector<256x64xf32>
    %dot_general3A_410 = tpu.matmul %exp3A_398, %slice3A_408, %dot_general3A_409 {dimension_numbers = #tpu.dot_dimension_numbers<[1], [0], [0], [1], [0, 0, 1, 1], [], []>, transpose_lhs_hint = false} : vector<256x256xf32>, vector<256x64xf32>, vector<256x64xf32> -> vector<256x64xf32>
    %add3A_411 = arith.addf %mul3A_407, %dot_general3A_410 : vector<256x64xf32>
    %slice3A_412 = vector.extract_strided_slice %get3A_156 {offsets = [0, 640], sizes = [256, 64], strides = [1, 1]} : vector<256x1024xf32> to vector<256x64xf32>
    %dot_general3A_413 = arith.constant dense<0.000000e+00> : vector<256x256xf32>
    %dot_general3A_414 = tpu.matmul %get3A_32, %slice3A_412, %dot_general3A_413 {dimension_numbers = #tpu.dot_dimension_numbers<[1], [1], [0], [0], [0, 0, 1, 0], [], []>, transpose_lhs_hint = false} : vector<256x64xf32>, vector<256x64xf32>, vector<256x256xf32> -> vector<256x256xf32>
    %jit3A_415 = arith.constant -1.000000e+30 : f32
    %broadcast_in_dim3A_416 = vector.broadcast %jit3A_415 : f32 to vector<256x256xf32>
    %select_n3A_417 = arith.select %le3A, %dot_general3A_414, %broadcast_in_dim3A_416 : vector<256x256xi1>, vector<256x256xf32>
    %reduce_max3A_418 = arith.constant dense<0xFF800000> : vector<256xf32>
    %reduce_max3A_419 = vector.multi_reduction <maximumf>, %select_n3A_417, %reduce_max3A_418 [1] : vector<256x256xf32> to vector<256xf32>
    %broadcast_in_dim3A_420 = vector.shape_cast %reduce_max3A_419 : vector<256xf32> to vector<256x1xf32>
    %max3A_421 = arith.maximumf %while3A_152#10, %broadcast_in_dim3A_420 : vector<256x1xf32>
    %sub3A_422 = vector.broadcast %max3A_421 : vector<256x1xf32> to vector<256x256xf32>
    %sub3A_423 = arith.subf %select_n3A_417, %sub3A_422 : vector<256x256xf32>
    %exp3A_424 = math.exp %sub3A_423 : vector<256x256xf32>
    %sub3A_425 = arith.subf %while3A_152#10, %max3A_421 : vector<256x1xf32>
    %exp3A_426 = math.exp %sub3A_425 : vector<256x1xf32>
    %mul3A_427 = arith.mulf %while3A_152#26, %exp3A_426 : vector<256x1xf32>
    %reduce_sum3A_428 = arith.constant dense<0.000000e+00> : vector<256xf32>
    %reduce_sum3A_429 = vector.multi_reduction <add>, %exp3A_424, %reduce_sum3A_428 [1] : vector<256x256xf32> to vector<256xf32>
    %broadcast_in_dim3A_430 = vector.shape_cast %reduce_sum3A_429 : vector<256xf32> to vector<256x1xf32>
    %add3A_431 = arith.addf %mul3A_427, %broadcast_in_dim3A_430 : vector<256x1xf32>
    %mul3A_432 = vector.broadcast %exp3A_426 : vector<256x1xf32> to vector<256x64xf32>
    %mul3A_433 = arith.mulf %while3A_152#42, %mul3A_432 : vector<256x64xf32>
    %slice3A_434 = vector.extract_strided_slice %get3A_161 {offsets = [0, 640], sizes = [256, 64], strides = [1, 1]} : vector<256x1024xf32> to vector<256x64xf32>
    %dot_general3A_435 = arith.constant dense<0.000000e+00> : vector<256x64xf32>
    %dot_general3A_436 = tpu.matmul %exp3A_424, %slice3A_434, %dot_general3A_435 {dimension_numbers = #tpu.dot_dimension_numbers<[1], [0], [0], [1], [0, 0, 1, 1], [], []>, transpose_lhs_hint = false} : vector<256x256xf32>, vector<256x64xf32>, vector<256x64xf32> -> vector<256x64xf32>
    %add3A_437 = arith.addf %mul3A_433, %dot_general3A_436 : vector<256x64xf32>
    %slice3A_438 = vector.extract_strided_slice %get3A_156 {offsets = [0, 704], sizes = [256, 64], strides = [1, 1]} : vector<256x1024xf32> to vector<256x64xf32>
    %dot_general3A_439 = arith.constant dense<0.000000e+00> : vector<256x256xf32>
    %dot_general3A_440 = tpu.matmul %get3A_35, %slice3A_438, %dot_general3A_439 {dimension_numbers = #tpu.dot_dimension_numbers<[1], [1], [0], [0], [0, 0, 1, 0], [], []>, transpose_lhs_hint = false} : vector<256x64xf32>, vector<256x64xf32>, vector<256x256xf32> -> vector<256x256xf32>
    %jit3A_441 = arith.constant -1.000000e+30 : f32
    %broadcast_in_dim3A_442 = vector.broadcast %jit3A_441 : f32 to vector<256x256xf32>
    %select_n3A_443 = arith.select %le3A, %dot_general3A_440, %broadcast_in_dim3A_442 : vector<256x256xi1>, vector<256x256xf32>
    %reduce_max3A_444 = arith.constant dense<0xFF800000> : vector<256xf32>
    %reduce_max3A_445 = vector.multi_reduction <maximumf>, %select_n3A_443, %reduce_max3A_444 [1] : vector<256x256xf32> to vector<256xf32>
    %broadcast_in_dim3A_446 = vector.shape_cast %reduce_max3A_445 : vector<256xf32> to vector<256x1xf32>
    %max3A_447 = arith.maximumf %while3A_152#11, %broadcast_in_dim3A_446 : vector<256x1xf32>
    %sub3A_448 = vector.broadcast %max3A_447 : vector<256x1xf32> to vector<256x256xf32>
    %sub3A_449 = arith.subf %select_n3A_443, %sub3A_448 : vector<256x256xf32>
    %exp3A_450 = math.exp %sub3A_449 : vector<256x256xf32>
    %sub3A_451 = arith.subf %while3A_152#11, %max3A_447 : vector<256x1xf32>
    %exp3A_452 = math.exp %sub3A_451 : vector<256x1xf32>
    %mul3A_453 = arith.mulf %while3A_152#27, %exp3A_452 : vector<256x1xf32>
    %reduce_sum3A_454 = arith.constant dense<0.000000e+00> : vector<256xf32>
    %reduce_sum3A_455 = vector.multi_reduction <add>, %exp3A_450, %reduce_sum3A_454 [1] : vector<256x256xf32> to vector<256xf32>
    %broadcast_in_dim3A_456 = vector.shape_cast %reduce_sum3A_455 : vector<256xf32> to vector<256x1xf32>
    %add3A_457 = arith.addf %mul3A_453, %broadcast_in_dim3A_456 : vector<256x1xf32>
    %mul3A_458 = vector.broadcast %exp3A_452 : vector<256x1xf32> to vector<256x64xf32>
    %mul3A_459 = arith.mulf %while3A_152#43, %mul3A_458 : vector<256x64xf32>
    %slice3A_460 = vector.extract_strided_slice %get3A_161 {offsets = [0, 704], sizes = [256, 64], strides = [1, 1]} : vector<256x1024xf32> to vector<256x64xf32>
    %dot_general3A_461 = arith.constant dense<0.000000e+00> : vector<256x64xf32>
    %dot_general3A_462 = tpu.matmul %exp3A_450, %slice3A_460, %dot_general3A_461 {dimension_numbers = #tpu.dot_dimension_numbers<[1], [0], [0], [1], [0, 0, 1, 1], [], []>, transpose_lhs_hint = false} : vector<256x256xf32>, vector<256x64xf32>, vector<256x64xf32> -> vector<256x64xf32>
    %add3A_463 = arith.addf %mul3A_459, %dot_general3A_462 : vector<256x64xf32>
    %slice3A_464 = vector.extract_strided_slice %get3A_156 {offsets = [0, 768], sizes = [256, 64], strides = [1, 1]} : vector<256x1024xf32> to vector<256x64xf32>
    %dot_general3A_465 = arith.constant dense<0.000000e+00> : vector<256x256xf32>
    %dot_general3A_466 = tpu.matmul %get3A_38, %slice3A_464, %dot_general3A_465 {dimension_numbers = #tpu.dot_dimension_numbers<[1], [1], [0], [0], [0, 0, 1, 0], [], []>, transpose_lhs_hint = false} : vector<256x64xf32>, vector<256x64xf32>, vector<256x256xf32> -> vector<256x256xf32>
    %jit3A_467 = arith.constant -1.000000e+30 : f32
    %broadcast_in_dim3A_468 = vector.broadcast %jit3A_467 : f32 to vector<256x256xf32>
    %select_n3A_469 = arith.select %le3A, %dot_general3A_466, %broadcast_in_dim3A_468 : vector<256x256xi1>, vector<256x256xf32>
    %reduce_max3A_470 = arith.constant dense<0xFF800000> : vector<256xf32>
    %reduce_max3A_471 = vector.multi_reduction <maximumf>, %select_n3A_469, %reduce_max3A_470 [1] : vector<256x256xf32> to vector<256xf32>
    %broadcast_in_dim3A_472 = vector.shape_cast %reduce_max3A_471 : vector<256xf32> to vector<256x1xf32>
    %max3A_473 = arith.maximumf %while3A_152#12, %broadcast_in_dim3A_472 : vector<256x1xf32>
    %sub3A_474 = vector.broadcast %max3A_473 : vector<256x1xf32> to vector<256x256xf32>
    %sub3A_475 = arith.subf %select_n3A_469, %sub3A_474 : vector<256x256xf32>
    %exp3A_476 = math.exp %sub3A_475 : vector<256x256xf32>
    %sub3A_477 = arith.subf %while3A_152#12, %max3A_473 : vector<256x1xf32>
    %exp3A_478 = math.exp %sub3A_477 : vector<256x1xf32>
    %mul3A_479 = arith.mulf %while3A_152#28, %exp3A_478 : vector<256x1xf32>
    %reduce_sum3A_480 = arith.constant dense<0.000000e+00> : vector<256xf32>
    %reduce_sum3A_481 = vector.multi_reduction <add>, %exp3A_476, %reduce_sum3A_480 [1] : vector<256x256xf32> to vector<256xf32>
    %broadcast_in_dim3A_482 = vector.shape_cast %reduce_sum3A_481 : vector<256xf32> to vector<256x1xf32>
    %add3A_483 = arith.addf %mul3A_479, %broadcast_in_dim3A_482 : vector<256x1xf32>
    %mul3A_484 = vector.broadcast %exp3A_478 : vector<256x1xf32> to vector<256x64xf32>
    %mul3A_485 = arith.mulf %while3A_152#44, %mul3A_484 : vector<256x64xf32>
    %slice3A_486 = vector.extract_strided_slice %get3A_161 {offsets = [0, 768], sizes = [256, 64], strides = [1, 1]} : vector<256x1024xf32> to vector<256x64xf32>
    %dot_general3A_487 = arith.constant dense<0.000000e+00> : vector<256x64xf32>
    %dot_general3A_488 = tpu.matmul %exp3A_476, %slice3A_486, %dot_general3A_487 {dimension_numbers = #tpu.dot_dimension_numbers<[1], [0], [0], [1], [0, 0, 1, 1], [], []>, transpose_lhs_hint = false} : vector<256x256xf32>, vector<256x64xf32>, vector<256x64xf32> -> vector<256x64xf32>
    %add3A_489 = arith.addf %mul3A_485, %dot_general3A_488 : vector<256x64xf32>
    %slice3A_490 = vector.extract_strided_slice %get3A_156 {offsets = [0, 832], sizes = [256, 64], strides = [1, 1]} : vector<256x1024xf32> to vector<256x64xf32>
    %dot_general3A_491 = arith.constant dense<0.000000e+00> : vector<256x256xf32>
    %dot_general3A_492 = tpu.matmul %get3A_41, %slice3A_490, %dot_general3A_491 {dimension_numbers = #tpu.dot_dimension_numbers<[1], [1], [0], [0], [0, 0, 1, 0], [], []>, transpose_lhs_hint = false} : vector<256x64xf32>, vector<256x64xf32>, vector<256x256xf32> -> vector<256x256xf32>
    %jit3A_493 = arith.constant -1.000000e+30 : f32
    %broadcast_in_dim3A_494 = vector.broadcast %jit3A_493 : f32 to vector<256x256xf32>
    %select_n3A_495 = arith.select %le3A, %dot_general3A_492, %broadcast_in_dim3A_494 : vector<256x256xi1>, vector<256x256xf32>
    %reduce_max3A_496 = arith.constant dense<0xFF800000> : vector<256xf32>
    %reduce_max3A_497 = vector.multi_reduction <maximumf>, %select_n3A_495, %reduce_max3A_496 [1] : vector<256x256xf32> to vector<256xf32>
    %broadcast_in_dim3A_498 = vector.shape_cast %reduce_max3A_497 : vector<256xf32> to vector<256x1xf32>
    %max3A_499 = arith.maximumf %while3A_152#13, %broadcast_in_dim3A_498 : vector<256x1xf32>
    %sub3A_500 = vector.broadcast %max3A_499 : vector<256x1xf32> to vector<256x256xf32>
    %sub3A_501 = arith.subf %select_n3A_495, %sub3A_500 : vector<256x256xf32>
    %exp3A_502 = math.exp %sub3A_501 : vector<256x256xf32>
    %sub3A_503 = arith.subf %while3A_152#13, %max3A_499 : vector<256x1xf32>
    %exp3A_504 = math.exp %sub3A_503 : vector<256x1xf32>
    %mul3A_505 = arith.mulf %while3A_152#29, %exp3A_504 : vector<256x1xf32>
    %reduce_sum3A_506 = arith.constant dense<0.000000e+00> : vector<256xf32>
    %reduce_sum3A_507 = vector.multi_reduction <add>, %exp3A_502, %reduce_sum3A_506 [1] : vector<256x256xf32> to vector<256xf32>
    %broadcast_in_dim3A_508 = vector.shape_cast %reduce_sum3A_507 : vector<256xf32> to vector<256x1xf32>
    %add3A_509 = arith.addf %mul3A_505, %broadcast_in_dim3A_508 : vector<256x1xf32>
    %mul3A_510 = vector.broadcast %exp3A_504 : vector<256x1xf32> to vector<256x64xf32>
    %mul3A_511 = arith.mulf %while3A_152#45, %mul3A_510 : vector<256x64xf32>
    %slice3A_512 = vector.extract_strided_slice %get3A_161 {offsets = [0, 832], sizes = [256, 64], strides = [1, 1]} : vector<256x1024xf32> to vector<256x64xf32>
    %dot_general3A_513 = arith.constant dense<0.000000e+00> : vector<256x64xf32>
    %dot_general3A_514 = tpu.matmul %exp3A_502, %slice3A_512, %dot_general3A_513 {dimension_numbers = #tpu.dot_dimension_numbers<[1], [0], [0], [1], [0, 0, 1, 1], [], []>, transpose_lhs_hint = false} : vector<256x256xf32>, vector<256x64xf32>, vector<256x64xf32> -> vector<256x64xf32>
    %add3A_515 = arith.addf %mul3A_511, %dot_general3A_514 : vector<256x64xf32>
    %slice3A_516 = vector.extract_strided_slice %get3A_156 {offsets = [0, 896], sizes = [256, 64], strides = [1, 1]} : vector<256x1024xf32> to vector<256x64xf32>
    %dot_general3A_517 = arith.constant dense<0.000000e+00> : vector<256x256xf32>
    %dot_general3A_518 = tpu.matmul %get3A_44, %slice3A_516, %dot_general3A_517 {dimension_numbers = #tpu.dot_dimension_numbers<[1], [1], [0], [0], [0, 0, 1, 0], [], []>, transpose_lhs_hint = false} : vector<256x64xf32>, vector<256x64xf32>, vector<256x256xf32> -> vector<256x256xf32>
    %jit3A_519 = arith.constant -1.000000e+30 : f32
    %broadcast_in_dim3A_520 = vector.broadcast %jit3A_519 : f32 to vector<256x256xf32>
    %select_n3A_521 = arith.select %le3A, %dot_general3A_518, %broadcast_in_dim3A_520 : vector<256x256xi1>, vector<256x256xf32>
    %reduce_max3A_522 = arith.constant dense<0xFF800000> : vector<256xf32>
    %reduce_max3A_523 = vector.multi_reduction <maximumf>, %select_n3A_521, %reduce_max3A_522 [1] : vector<256x256xf32> to vector<256xf32>
    %broadcast_in_dim3A_524 = vector.shape_cast %reduce_max3A_523 : vector<256xf32> to vector<256x1xf32>
    %max3A_525 = arith.maximumf %while3A_152#14, %broadcast_in_dim3A_524 : vector<256x1xf32>
    %sub3A_526 = vector.broadcast %max3A_525 : vector<256x1xf32> to vector<256x256xf32>
    %sub3A_527 = arith.subf %select_n3A_521, %sub3A_526 : vector<256x256xf32>
    %exp3A_528 = math.exp %sub3A_527 : vector<256x256xf32>
    %sub3A_529 = arith.subf %while3A_152#14, %max3A_525 : vector<256x1xf32>
    %exp3A_530 = math.exp %sub3A_529 : vector<256x1xf32>
    %mul3A_531 = arith.mulf %while3A_152#30, %exp3A_530 : vector<256x1xf32>
    %reduce_sum3A_532 = arith.constant dense<0.000000e+00> : vector<256xf32>
    %reduce_sum3A_533 = vector.multi_reduction <add>, %exp3A_528, %reduce_sum3A_532 [1] : vector<256x256xf32> to vector<256xf32>
    %broadcast_in_dim3A_534 = vector.shape_cast %reduce_sum3A_533 : vector<256xf32> to vector<256x1xf32>
    %add3A_535 = arith.addf %mul3A_531, %broadcast_in_dim3A_534 : vector<256x1xf32>
    %mul3A_536 = vector.broadcast %exp3A_530 : vector<256x1xf32> to vector<256x64xf32>
    %mul3A_537 = arith.mulf %while3A_152#46, %mul3A_536 : vector<256x64xf32>
    %slice3A_538 = vector.extract_strided_slice %get3A_161 {offsets = [0, 896], sizes = [256, 64], strides = [1, 1]} : vector<256x1024xf32> to vector<256x64xf32>
    %dot_general3A_539 = arith.constant dense<0.000000e+00> : vector<256x64xf32>
    %dot_general3A_540 = tpu.matmul %exp3A_528, %slice3A_538, %dot_general3A_539 {dimension_numbers = #tpu.dot_dimension_numbers<[1], [0], [0], [1], [0, 0, 1, 1], [], []>, transpose_lhs_hint = false} : vector<256x256xf32>, vector<256x64xf32>, vector<256x64xf32> -> vector<256x64xf32>
    %add3A_541 = arith.addf %mul3A_537, %dot_general3A_540 : vector<256x64xf32>
    %slice3A_542 = vector.extract_strided_slice %get3A_156 {offsets = [0, 960], sizes = [256, 64], strides = [1, 1]} : vector<256x1024xf32> to vector<256x64xf32>
    %dot_general3A_543 = arith.constant dense<0.000000e+00> : vector<256x256xf32>
    %dot_general3A_544 = tpu.matmul %get3A_47, %slice3A_542, %dot_general3A_543 {dimension_numbers = #tpu.dot_dimension_numbers<[1], [1], [0], [0], [0, 0, 1, 0], [], []>, transpose_lhs_hint = false} : vector<256x64xf32>, vector<256x64xf32>, vector<256x256xf32> -> vector<256x256xf32>
    %jit3A_545 = arith.constant -1.000000e+30 : f32
    %broadcast_in_dim3A_546 = vector.broadcast %jit3A_545 : f32 to vector<256x256xf32>
    %select_n3A_547 = arith.select %le3A, %dot_general3A_544, %broadcast_in_dim3A_546 : vector<256x256xi1>, vector<256x256xf32>
    %reduce_max3A_548 = arith.constant dense<0xFF800000> : vector<256xf32>
    %reduce_max3A_549 = vector.multi_reduction <maximumf>, %select_n3A_547, %reduce_max3A_548 [1] : vector<256x256xf32> to vector<256xf32>
    %broadcast_in_dim3A_550 = vector.shape_cast %reduce_max3A_549 : vector<256xf32> to vector<256x1xf32>
    %max3A_551 = arith.maximumf %while3A_152#15, %broadcast_in_dim3A_550 : vector<256x1xf32>
    %sub3A_552 = vector.broadcast %max3A_551 : vector<256x1xf32> to vector<256x256xf32>
    %sub3A_553 = arith.subf %select_n3A_547, %sub3A_552 : vector<256x256xf32>
    %exp3A_554 = math.exp %sub3A_553 : vector<256x256xf32>
    %sub3A_555 = arith.subf %while3A_152#15, %max3A_551 : vector<256x1xf32>
    %exp3A_556 = math.exp %sub3A_555 : vector<256x1xf32>
    %mul3A_557 = arith.mulf %while3A_152#31, %exp3A_556 : vector<256x1xf32>
    %reduce_sum3A_558 = arith.constant dense<0.000000e+00> : vector<256xf32>
    %reduce_sum3A_559 = vector.multi_reduction <add>, %exp3A_554, %reduce_sum3A_558 [1] : vector<256x256xf32> to vector<256xf32>
    %broadcast_in_dim3A_560 = vector.shape_cast %reduce_sum3A_559 : vector<256xf32> to vector<256x1xf32>
    %add3A_561 = arith.addf %mul3A_557, %broadcast_in_dim3A_560 : vector<256x1xf32>
    %mul3A_562 = vector.broadcast %exp3A_556 : vector<256x1xf32> to vector<256x64xf32>
    %mul3A_563 = arith.mulf %while3A_152#47, %mul3A_562 : vector<256x64xf32>
    %slice3A_564 = vector.extract_strided_slice %get3A_161 {offsets = [0, 960], sizes = [256, 64], strides = [1, 1]} : vector<256x1024xf32> to vector<256x64xf32>
    %dot_general3A_565 = arith.constant dense<0.000000e+00> : vector<256x64xf32>
    %dot_general3A_566 = tpu.matmul %exp3A_554, %slice3A_564, %dot_general3A_565 {dimension_numbers = #tpu.dot_dimension_numbers<[1], [0], [0], [1], [0, 0, 1, 1], [], []>, transpose_lhs_hint = false} : vector<256x256xf32>, vector<256x64xf32>, vector<256x64xf32> -> vector<256x64xf32>
    %add3A_567 = arith.addf %mul3A_563, %dot_general3A_566 : vector<256x64xf32>
    %div3A = vector.broadcast %add3A : vector<256x1xf32> to vector<256x64xf32>
    %div3A_568 = arith.divf %add3A_177, %div3A : vector<256x64xf32>
    %div3A_569 = vector.broadcast %add3A_197 : vector<256x1xf32> to vector<256x64xf32>
    %div3A_570 = arith.divf %add3A_203, %div3A_569 : vector<256x64xf32>
    %div3A_571 = vector.broadcast %add3A_223 : vector<256x1xf32> to vector<256x64xf32>
    %div3A_572 = arith.divf %add3A_229, %div3A_571 : vector<256x64xf32>
    %div3A_573 = vector.broadcast %add3A_249 : vector<256x1xf32> to vector<256x64xf32>
    %div3A_574 = arith.divf %add3A_255, %div3A_573 : vector<256x64xf32>
    %div3A_575 = vector.broadcast %add3A_275 : vector<256x1xf32> to vector<256x64xf32>
    %div3A_576 = arith.divf %add3A_281, %div3A_575 : vector<256x64xf32>
    %div3A_577 = vector.broadcast %add3A_301 : vector<256x1xf32> to vector<256x64xf32>
    %div3A_578 = arith.divf %add3A_307, %div3A_577 : vector<256x64xf32>
    %div3A_579 = vector.broadcast %add3A_327 : vector<256x1xf32> to vector<256x64xf32>
    %div3A_580 = arith.divf %add3A_333, %div3A_579 : vector<256x64xf32>
    %div3A_581 = vector.broadcast %add3A_353 : vector<256x1xf32> to vector<256x64xf32>
    %div3A_582 = arith.divf %add3A_359, %div3A_581 : vector<256x64xf32>
    %div3A_583 = vector.broadcast %add3A_379 : vector<256x1xf32> to vector<256x64xf32>
    %div3A_584 = arith.divf %add3A_385, %div3A_583 : vector<256x64xf32>
    %div3A_585 = vector.broadcast %add3A_405 : vector<256x1xf32> to vector<256x64xf32>
    %div3A_586 = arith.divf %add3A_411, %div3A_585 : vector<256x64xf32>
    %div3A_587 = vector.broadcast %add3A_431 : vector<256x1xf32> to vector<256x64xf32>
    %div3A_588 = arith.divf %add3A_437, %div3A_587 : vector<256x64xf32>
    %div3A_589 = vector.broadcast %add3A_457 : vector<256x1xf32> to vector<256x64xf32>
    %div3A_590 = arith.divf %add3A_463, %div3A_589 : vector<256x64xf32>
    %div3A_591 = vector.broadcast %add3A_483 : vector<256x1xf32> to vector<256x64xf32>
    %div3A_592 = arith.divf %add3A_489, %div3A_591 : vector<256x64xf32>
    %div3A_593 = vector.broadcast %add3A_509 : vector<256x1xf32> to vector<256x64xf32>
    %div3A_594 = arith.divf %add3A_515, %div3A_593 : vector<256x64xf32>
    %div3A_595 = vector.broadcast %add3A_535 : vector<256x1xf32> to vector<256x64xf32>
    %div3A_596 = arith.divf %add3A_541, %div3A_595 : vector<256x64xf32>
    %div3A_597 = vector.broadcast %add3A_561 : vector<256x1xf32> to vector<256x64xf32>
    %div3A_598 = arith.divf %add3A_567, %div3A_597 : vector<256x64xf32>
    %concatenate3A = tpu.concatenate %div3A_568, %div3A_570, %div3A_572, %div3A_574, %div3A_576, %div3A_578, %div3A_580, %div3A_582, %div3A_584, %div3A_586, %div3A_588, %div3A_590, %div3A_592, %div3A_594, %div3A_596, %div3A_598 in 1 : vector<256x64xf32>, vector<256x64xf32>, vector<256x64xf32>, vector<256x64xf32>, vector<256x64xf32>, vector<256x64xf32>, vector<256x64xf32>, vector<256x64xf32>, vector<256x64xf32>, vector<256x64xf32>, vector<256x64xf32>, vector<256x64xf32>, vector<256x64xf32>, vector<256x64xf32>, vector<256x64xf32>, vector<256x64xf32> -> vector<256x1024xf32>
    %swap3A = arith.constant 0 : index
    %swap3A_599 = arith.constant 0 : index
    %swap3A_600 = vector.load %arg4[%swap3A, %swap3A_599] : memref<256x1024xf32, #tpu.memory_space<vmem>>, vector<256x1024xf32>
    tpu.vector_store %arg4[%swap3A, %swap3A_599], %concatenate3A {strides = array<i32>} : memref<256x1024xf32, #tpu.memory_space<vmem>>, vector<256x1024xf32>,
    return
  }
  func.func @transform_0(%arg0: i32) -> (i32, i32) {
    %c0_i32 = arith.constant 0 : i32
    %c0_i32_0 = arith.constant 0 : i32
    return %arg0, %c0_i32 : i32, i32
  }
  func.func @transform_1(%arg0: i32) -> (i32, i32) {
    %c0_i32 = arith.constant 0 : i32
    %c0_i32_0 = arith.constant 0 : i32
    %c0_i32_1 = arith.constant 0 : i32
    return %c0_i32, %c0_i32_0 : i32, i32
  }
  func.func @transform_2(%arg0: i32) -> (i32, i32) {
    %c0_i32 = arith.constant 0 : i32
    %c0_i32_0 = arith.constant 0 : i32
    %c0_i32_1 = arith.constant 0 : i32
    return %c0_i32, %c0_i32_0 : i32, i32
  }
  func.func @transform_3(%arg0: i32) -> (i32, i32) {
    %c0_i32 = arith.constant 0 : i32
    %c0_i32_0 = arith.constant 0 : i32
    return %arg0, %c0_i32 : i32, i32
  }
}

module attributes {stable_mosaic.version = 14 : i64} {
  func.func @_wo_router_kernel(%arg0: i32, %arg1: memref<256x1024xf32, #tpu.memory_space<vmem>>, %arg2: memref<1024x1024xf32, #tpu.memory_space<vmem>>, %arg3: memref<1024x8xf32, #tpu.memory_space<vmem>>, %arg4: memref<256x1024xf32, #tpu.memory_space<vmem>>, %arg5: memref<256x2xi32, #tpu.memory_space<vmem>>, %arg6: memref<256x2xf32, #tpu.memory_space<vmem>>) attributes {dimension_semantics = [#tpu.dimension_semantics<arbitrary>], iteration_bounds = array<i64: 8>, scalar_prefetch = 0 : i64, scratch_operands = 0 : i64, tpu.core_type = #tpu.core_type<tc>, window_params = [{transform_indices = @transform_0, window_bounds = array<i64: 256, 1024>}, {pipeline_mode = #tpu.pipeline_mode<synchronous>, transform_indices = @transform_1, window_bounds = array<i64: 1024, 1024>}, {pipeline_mode = #tpu.pipeline_mode<synchronous>, transform_indices = @transform_2, window_bounds = array<i64: 1024, 8>}, {transform_indices = @transform_3, window_bounds = array<i64: 256, 1024>}, {transform_indices = @transform_4, window_bounds = array<i64: 256, 2>}, {transform_indices = @transform_5, window_bounds = array<i64: 256, 2>}]} {
    %get3A = arith.constant 0 : index
    %get3A_0 = arith.constant 0 : index
    %get3A_1 = vector.load %arg1[%get3A, %get3A_0] : memref<256x1024xf32, #tpu.memory_space<vmem>>, vector<256x1024xf32>
    %get3A_2 = arith.constant 0 : index
    %get3A_3 = arith.constant 0 : index
    %get3A_4 = vector.load %arg2[%get3A_2, %get3A_3] : memref<1024x1024xf32, #tpu.memory_space<vmem>>, vector<1024x1024xf32>
    %dot_general3A = arith.constant dense<0.000000e+00> : vector<256x1024xf32>
    %dot_general3A_5 = tpu.matmul %get3A_1, %get3A_4, %dot_general3A {dimension_numbers = #tpu.dot_dimension_numbers<[1], [0], [0], [1], [0, 0, 1, 1], [], []>, transpose_lhs_hint = false} : vector<256x1024xf32>, vector<1024x1024xf32>, vector<256x1024xf32> -> vector<256x1024xf32>
    %swap3A = arith.constant 0 : index
    %swap3A_6 = arith.constant 0 : index
    %swap3A_7 = vector.load %arg4[%swap3A, %swap3A_6] : memref<256x1024xf32, #tpu.memory_space<vmem>>, vector<256x1024xf32>
    tpu.vector_store %arg4[%swap3A, %swap3A_6], %dot_general3A_5 {strides = array<i32>} : memref<256x1024xf32, #tpu.memory_space<vmem>>, vector<256x1024xf32>,
    %get3A_8 = arith.constant 0 : index
    %get3A_9 = arith.constant 0 : index
    %get3A_10 = vector.load %arg3[%get3A_8, %get3A_9] : memref<1024x8xf32, #tpu.memory_space<vmem>>, vector<1024x8xf32>
    %dot_general3A_11 = arith.constant dense<0.000000e+00> : vector<256x8xf32>
    %dot_general3A_12 = tpu.matmul %dot_general3A_5, %get3A_10, %dot_general3A_11 {dimension_numbers = #tpu.dot_dimension_numbers<[1], [0], [0], [1], [0, 0, 1, 1], [], []>, transpose_lhs_hint = false} : vector<256x1024xf32>, vector<1024x8xf32>, vector<256x8xf32> -> vector<256x8xf32>
    %reduce_max3A = arith.constant dense<0xFF800000> : vector<256xf32>
    %reduce_max3A_13 = vector.multi_reduction <maximumf>, %dot_general3A_12, %reduce_max3A [1] : vector<256x8xf32> to vector<256xf32>
    %max3A = arith.constant 0xFF800000 : f32
    %max3A_14 = vector.broadcast %max3A : f32 to vector<256xf32>
    %max3A_15 = arith.maximumf %max3A_14, %reduce_max3A_13 : vector<256xf32>
    %broadcast_in_dim3A = vector.shape_cast %max3A_15 : vector<256xf32> to vector<256x1xf32>
    %sub3A = vector.broadcast %broadcast_in_dim3A : vector<256x1xf32> to vector<256x8xf32>
    %sub3A_16 = arith.subf %dot_general3A_12, %sub3A : vector<256x8xf32>
    %exp3A = math.exp %sub3A_16 : vector<256x8xf32>
    %reduce_sum3A = arith.constant dense<0.000000e+00> : vector<256xf32>
    %reduce_sum3A_17 = vector.multi_reduction <add>, %exp3A, %reduce_sum3A [1] : vector<256x8xf32> to vector<256xf32>
    %broadcast_in_dim3A_18 = vector.shape_cast %reduce_sum3A_17 : vector<256xf32> to vector<256x1xf32>
    %div3A = vector.broadcast %broadcast_in_dim3A_18 : vector<256x1xf32> to vector<256x8xf32>
    %div3A_19 = arith.divf %exp3A, %div3A : vector<256x8xf32>
    %iota3A = tpu.iota {dimensions = array<i32: 1>} : vector<256x8xi32>
    %reduce_max3A_20 = arith.constant dense<0xFF800000> : vector<256xf32>
    %reduce_max3A_21 = vector.multi_reduction <maximumf>, %div3A_19, %reduce_max3A_20 [1] : vector<256x8xf32> to vector<256xf32>
    %broadcast_in_dim3A_22 = vector.shape_cast %reduce_max3A_21 : vector<256xf32> to vector<256x1xf32>
    %eq3A = vector.broadcast %broadcast_in_dim3A_22 : vector<256x1xf32> to vector<256x8xf32>
    %eq3A_23 = arith.cmpf oeq, %div3A_19, %eq3A : vector<256x8xf32>
    %jit3A = arith.constant 8 : i32
    %broadcast_in_dim3A_24 = vector.broadcast %jit3A : i32 to vector<256x8xi32>
    %select_n3A = arith.select %eq3A_23, %iota3A, %broadcast_in_dim3A_24 : vector<256x8xi1>, vector<256x8xi32>
    %reduce_min3A = arith.constant dense<2147483647> : vector<256xi32>
    %reduce_min3A_25 = vector.multi_reduction <minsi>, %select_n3A, %reduce_min3A [1] : vector<256x8xi32> to vector<256xi32>
    %broadcast_in_dim3A_26 = vector.shape_cast %reduce_min3A_25 : vector<256xi32> to vector<256x1xi32>
    %eq3A_27 = vector.broadcast %broadcast_in_dim3A_26 : vector<256x1xi32> to vector<256x8xi32>
    %eq3A_28 = arith.cmpi eq, %iota3A, %eq3A_27 : vector<256x8xi32>
    %jit3A_29 = arith.constant 0xFF800000 : f32
    %broadcast_in_dim3A_30 = vector.broadcast %jit3A_29 : f32 to vector<256x8xf32>
    %select_n3A_31 = arith.select %eq3A_28, %broadcast_in_dim3A_30, %div3A_19 : vector<256x8xi1>, vector<256x8xf32>
    %reduce_max3A_32 = arith.constant dense<0xFF800000> : vector<256xf32>
    %reduce_max3A_33 = vector.multi_reduction <maximumf>, %select_n3A_31, %reduce_max3A_32 [1] : vector<256x8xf32> to vector<256xf32>
    %broadcast_in_dim3A_34 = vector.shape_cast %reduce_max3A_33 : vector<256xf32> to vector<256x1xf32>
    %eq3A_35 = vector.broadcast %broadcast_in_dim3A_34 : vector<256x1xf32> to vector<256x8xf32>
    %eq3A_36 = arith.cmpf oeq, %select_n3A_31, %eq3A_35 : vector<256x8xf32>
    %jit3A_37 = arith.constant 8 : i32
    %broadcast_in_dim3A_38 = vector.broadcast %jit3A_37 : i32 to vector<256x8xi32>
    %select_n3A_39 = arith.select %eq3A_36, %iota3A, %broadcast_in_dim3A_38 : vector<256x8xi1>, vector<256x8xi32>
    %reduce_min3A_40 = arith.constant dense<2147483647> : vector<256xi32>
    %reduce_min3A_41 = vector.multi_reduction <minsi>, %select_n3A_39, %reduce_min3A_40 [1] : vector<256x8xi32> to vector<256xi32>
    %broadcast_in_dim3A_42 = vector.shape_cast %reduce_min3A_41 : vector<256xi32> to vector<256x1xi32>
    %add3A = arith.addf %broadcast_in_dim3A_22, %broadcast_in_dim3A_34 : vector<256x1xf32>
    %concatenate3A = tpu.concatenate %broadcast_in_dim3A_26, %broadcast_in_dim3A_42 in 1 : vector<256x1xi32>, vector<256x1xi32> -> vector<256x2xi32>
    %swap3A_43 = arith.constant 0 : index
    %swap3A_44 = arith.constant 0 : index
    %swap3A_45 = vector.load %arg5[%swap3A_43, %swap3A_44] : memref<256x2xi32, #tpu.memory_space<vmem>>, vector<256x2xi32>
    tpu.vector_store %arg5[%swap3A_43, %swap3A_44], %concatenate3A {strides = array<i32>} : memref<256x2xi32, #tpu.memory_space<vmem>>, vector<256x2xi32>,
    %div3A_46 = arith.divf %broadcast_in_dim3A_22, %add3A : vector<256x1xf32>
    %div3A_47 = arith.divf %broadcast_in_dim3A_34, %add3A : vector<256x1xf32>
    %concatenate3A_48 = tpu.concatenate %div3A_46, %div3A_47 in 1 : vector<256x1xf32>, vector<256x1xf32> -> vector<256x2xf32>
    %swap3A_49 = arith.constant 0 : index
    %swap3A_50 = arith.constant 0 : index
    %swap3A_51 = vector.load %arg6[%swap3A_49, %swap3A_50] : memref<256x2xf32, #tpu.memory_space<vmem>>, vector<256x2xf32>
    tpu.vector_store %arg6[%swap3A_49, %swap3A_50], %concatenate3A_48 {strides = array<i32>} : memref<256x2xf32, #tpu.memory_space<vmem>>, vector<256x2xf32>,
    return
  }
  func.func @transform_0(%arg0: i32) -> (i32, i32) {
    %c0_i32 = arith.constant 0 : i32
    %c0_i32_0 = arith.constant 0 : i32
    return %arg0, %c0_i32 : i32, i32
  }
  func.func @transform_1(%arg0: i32) -> (i32, i32) {
    %c0_i32 = arith.constant 0 : i32
    %c0_i32_0 = arith.constant 0 : i32
    %c0_i32_1 = arith.constant 0 : i32
    return %c0_i32, %c0_i32_0 : i32, i32
  }
  func.func @transform_2(%arg0: i32) -> (i32, i32) {
    %c0_i32 = arith.constant 0 : i32
    %c0_i32_0 = arith.constant 0 : i32
    %c0_i32_1 = arith.constant 0 : i32
    return %c0_i32, %c0_i32_0 : i32, i32
  }
  func.func @transform_3(%arg0: i32) -> (i32, i32) {
    %c0_i32 = arith.constant 0 : i32
    %c0_i32_0 = arith.constant 0 : i32
    return %arg0, %c0_i32 : i32, i32
  }
  func.func @transform_4(%arg0: i32) -> (i32, i32) {
    %c0_i32 = arith.constant 0 : i32
    %c0_i32_0 = arith.constant 0 : i32
    return %arg0, %c0_i32 : i32, i32
  }
  func.func @transform_5(%arg0: i32) -> (i32, i32) {
    %c0_i32 = arith.constant 0 : i32
    %c0_i32_0 = arith.constant 0 : i32
    return %arg0, %c0_i32 : i32, i32
  }
}

module attributes {stable_mosaic.version = 14 : i64} {
  func.func @_dispatch_kernel(%arg0: i32, %arg1: memref<2048x2xi32, #tpu.memory_space<vmem>>, %arg2: memref<2048x2xi32, #tpu.memory_space<vmem>>, %arg3: memref<24x1xi32, #tpu.memory_space<vmem>>) attributes {dimension_semantics = [#tpu.dimension_semantics<arbitrary>], iteration_bounds = array<i64: 1>, scalar_prefetch = 0 : i64, scratch_operands = 0 : i64, tpu.core_type = #tpu.core_type<tc>, window_params = [{pipeline_mode = #tpu.pipeline_mode<synchronous>, transform_indices = @transform_0, window_bounds = array<i64: 2048, 2>}, {pipeline_mode = #tpu.pipeline_mode<synchronous>, transform_indices = @transform_1, window_bounds = array<i64: 2048, 2>}, {pipeline_mode = #tpu.pipeline_mode<synchronous>, transform_indices = @transform_2, window_bounds = array<i64: 24, 1>}]} {
    %get3A = arith.constant 0 : index
    %get3A_0 = arith.constant 0 : index
    %get3A_1 = vector.load %arg1[%get3A, %get3A_0] : memref<2048x2xi32, #tpu.memory_space<vmem>>, vector<2048x2xi32>
    %slice3A = vector.extract_strided_slice %get3A_1 {offsets = [0, 0], sizes = [2048, 1], strides = [1, 1]} : vector<2048x2xi32> to vector<2048x1xi32>
    %slice3A_2 = vector.extract_strided_slice %get3A_1 {offsets = [0, 1], sizes = [2048, 1], strides = [1, 1]} : vector<2048x2xi32> to vector<2048x1xi32>
    %iota3A = tpu.iota {dimensions = array<i32: 1>} : vector<2048x8xi32>
    %eq3A = vector.broadcast %slice3A : vector<2048x1xi32> to vector<2048x8xi32>
    %eq3A_3 = arith.cmpi eq, %iota3A, %eq3A : vector<2048x8xi32>
    %convert_element_type3A = arith.extui %eq3A_3 : vector<2048x8xi1> to vector<2048x8xi32>
    %eq3A_4 = vector.broadcast %slice3A_2 : vector<2048x1xi32> to vector<2048x8xi32>
    %eq3A_5 = arith.cmpi eq, %iota3A, %eq3A_4 : vector<2048x8xi32>
    %convert_element_type3A_6 = arith.extui %eq3A_5 : vector<2048x8xi1> to vector<2048x8xi32>
    %broadcast_in_dim3A = arith.constant 0 : i32
    %broadcast_in_dim3A_7 = vector.broadcast %broadcast_in_dim3A : i32 to vector<1x8xi32>
    %slice3A_8 = vector.extract_strided_slice %convert_element_type3A {offsets = [0, 0], sizes = [2047, 8], strides = [1, 1]} : vector<2048x8xi32> to vector<2047x8xi32>
    %concatenate3A = tpu.concatenate %broadcast_in_dim3A_7, %slice3A_8 in 0 : vector<1x8xi32>, vector<2047x8xi32> -> vector<2048x8xi32>
    %add3A = arith.addi %convert_element_type3A, %concatenate3A : vector<2048x8xi32>
    %broadcast_in_dim3A_9 = arith.constant 0 : i32
    %broadcast_in_dim3A_10 = vector.broadcast %broadcast_in_dim3A_9 : i32 to vector<2x8xi32>
    %slice3A_11 = vector.extract_strided_slice %add3A {offsets = [0, 0], sizes = [2046, 8], strides = [1, 1]} : vector<2048x8xi32> to vector<2046x8xi32>
    %concatenate3A_12 = tpu.concatenate %broadcast_in_dim3A_10, %slice3A_11 in 0 : vector<2x8xi32>, vector<2046x8xi32> -> vector<2048x8xi32>
    %add3A_13 = arith.addi %add3A, %concatenate3A_12 : vector<2048x8xi32>
    %broadcast_in_dim3A_14 = arith.constant 0 : i32
    %broadcast_in_dim3A_15 = vector.broadcast %broadcast_in_dim3A_14 : i32 to vector<4x8xi32>
    %slice3A_16 = vector.extract_strided_slice %add3A_13 {offsets = [0, 0], sizes = [2044, 8], strides = [1, 1]} : vector<2048x8xi32> to vector<2044x8xi32>
    %concatenate3A_17 = tpu.concatenate %broadcast_in_dim3A_15, %slice3A_16 in 0 : vector<4x8xi32>, vector<2044x8xi32> -> vector<2048x8xi32>
    %add3A_18 = arith.addi %add3A_13, %concatenate3A_17 : vector<2048x8xi32>
    %broadcast_in_dim3A_19 = arith.constant 0 : i32
    %broadcast_in_dim3A_20 = vector.broadcast %broadcast_in_dim3A_19 : i32 to vector<8x8xi32>
    %slice3A_21 = vector.extract_strided_slice %add3A_18 {offsets = [0, 0], sizes = [2040, 8], strides = [1, 1]} : vector<2048x8xi32> to vector<2040x8xi32>
    %concatenate3A_22 = tpu.concatenate %broadcast_in_dim3A_20, %slice3A_21 in 0 : vector<8x8xi32>, vector<2040x8xi32> -> vector<2048x8xi32>
    %add3A_23 = arith.addi %add3A_18, %concatenate3A_22 : vector<2048x8xi32>
    %broadcast_in_dim3A_24 = arith.constant 0 : i32
    %broadcast_in_dim3A_25 = vector.broadcast %broadcast_in_dim3A_24 : i32 to vector<16x8xi32>
    %slice3A_26 = vector.extract_strided_slice %add3A_23 {offsets = [0, 0], sizes = [2032, 8], strides = [1, 1]} : vector<2048x8xi32> to vector<2032x8xi32>
    %concatenate3A_27 = tpu.concatenate %broadcast_in_dim3A_25, %slice3A_26 in 0 : vector<16x8xi32>, vector<2032x8xi32> -> vector<2048x8xi32>
    %add3A_28 = arith.addi %add3A_23, %concatenate3A_27 : vector<2048x8xi32>
    %broadcast_in_dim3A_29 = arith.constant 0 : i32
    %broadcast_in_dim3A_30 = vector.broadcast %broadcast_in_dim3A_29 : i32 to vector<32x8xi32>
    %slice3A_31 = vector.extract_strided_slice %add3A_28 {offsets = [0, 0], sizes = [2016, 8], strides = [1, 1]} : vector<2048x8xi32> to vector<2016x8xi32>
    %concatenate3A_32 = tpu.concatenate %broadcast_in_dim3A_30, %slice3A_31 in 0 : vector<32x8xi32>, vector<2016x8xi32> -> vector<2048x8xi32>
    %add3A_33 = arith.addi %add3A_28, %concatenate3A_32 : vector<2048x8xi32>
    %broadcast_in_dim3A_34 = arith.constant 0 : i32
    %broadcast_in_dim3A_35 = vector.broadcast %broadcast_in_dim3A_34 : i32 to vector<64x8xi32>
    %slice3A_36 = vector.extract_strided_slice %add3A_33 {offsets = [0, 0], sizes = [1984, 8], strides = [1, 1]} : vector<2048x8xi32> to vector<1984x8xi32>
    %concatenate3A_37 = tpu.concatenate %broadcast_in_dim3A_35, %slice3A_36 in 0 : vector<64x8xi32>, vector<1984x8xi32> -> vector<2048x8xi32>
    %add3A_38 = arith.addi %add3A_33, %concatenate3A_37 : vector<2048x8xi32>
    %broadcast_in_dim3A_39 = arith.constant 0 : i32
    %broadcast_in_dim3A_40 = vector.broadcast %broadcast_in_dim3A_39 : i32 to vector<128x8xi32>
    %slice3A_41 = vector.extract_strided_slice %add3A_38 {offsets = [0, 0], sizes = [1920, 8], strides = [1, 1]} : vector<2048x8xi32> to vector<1920x8xi32>
    %concatenate3A_42 = tpu.concatenate %broadcast_in_dim3A_40, %slice3A_41 in 0 : vector<128x8xi32>, vector<1920x8xi32> -> vector<2048x8xi32>
    %add3A_43 = arith.addi %add3A_38, %concatenate3A_42 : vector<2048x8xi32>
    %broadcast_in_dim3A_44 = arith.constant 0 : i32
    %broadcast_in_dim3A_45 = vector.broadcast %broadcast_in_dim3A_44 : i32 to vector<256x8xi32>
    %slice3A_46 = vector.extract_strided_slice %add3A_43 {offsets = [0, 0], sizes = [1792, 8], strides = [1, 1]} : vector<2048x8xi32> to vector<1792x8xi32>
    %concatenate3A_47 = tpu.concatenate %broadcast_in_dim3A_45, %slice3A_46 in 0 : vector<256x8xi32>, vector<1792x8xi32> -> vector<2048x8xi32>
    %add3A_48 = arith.addi %add3A_43, %concatenate3A_47 : vector<2048x8xi32>
    %broadcast_in_dim3A_49 = arith.constant 0 : i32
    %broadcast_in_dim3A_50 = vector.broadcast %broadcast_in_dim3A_49 : i32 to vector<512x8xi32>
    %slice3A_51 = vector.extract_strided_slice %add3A_48 {offsets = [0, 0], sizes = [1536, 8], strides = [1, 1]} : vector<2048x8xi32> to vector<1536x8xi32>
    %concatenate3A_52 = tpu.concatenate %broadcast_in_dim3A_50, %slice3A_51 in 0 : vector<512x8xi32>, vector<1536x8xi32> -> vector<2048x8xi32>
    %add3A_53 = arith.addi %add3A_48, %concatenate3A_52 : vector<2048x8xi32>
    %broadcast_in_dim3A_54 = arith.constant 0 : i32
    %broadcast_in_dim3A_55 = vector.broadcast %broadcast_in_dim3A_54 : i32 to vector<1024x8xi32>
    %slice3A_56 = vector.extract_strided_slice %add3A_53 {offsets = [0, 0], sizes = [1024, 8], strides = [1, 1]} : vector<2048x8xi32> to vector<1024x8xi32>
    %concatenate3A_57 = tpu.concatenate %broadcast_in_dim3A_55, %slice3A_56 in 0 : vector<1024x8xi32>, vector<1024x8xi32> -> vector<2048x8xi32>
    %add3A_58 = arith.addi %add3A_53, %concatenate3A_57 : vector<2048x8xi32>
    %sub3A = arith.subi %add3A_58, %convert_element_type3A : vector<2048x8xi32>
    %broadcast_in_dim3A_59 = arith.constant 0 : i32
    %broadcast_in_dim3A_60 = vector.broadcast %broadcast_in_dim3A_59 : i32 to vector<1x8xi32>
    %slice3A_61 = vector.extract_strided_slice %convert_element_type3A_6 {offsets = [0, 0], sizes = [2047, 8], strides = [1, 1]} : vector<2048x8xi32> to vector<2047x8xi32>
    %concatenate3A_62 = tpu.concatenate %broadcast_in_dim3A_60, %slice3A_61 in 0 : vector<1x8xi32>, vector<2047x8xi32> -> vector<2048x8xi32>
    %add3A_63 = arith.addi %convert_element_type3A_6, %concatenate3A_62 : vector<2048x8xi32>
    %broadcast_in_dim3A_64 = arith.constant 0 : i32
    %broadcast_in_dim3A_65 = vector.broadcast %broadcast_in_dim3A_64 : i32 to vector<2x8xi32>
    %slice3A_66 = vector.extract_strided_slice %add3A_63 {offsets = [0, 0], sizes = [2046, 8], strides = [1, 1]} : vector<2048x8xi32> to vector<2046x8xi32>
    %concatenate3A_67 = tpu.concatenate %broadcast_in_dim3A_65, %slice3A_66 in 0 : vector<2x8xi32>, vector<2046x8xi32> -> vector<2048x8xi32>
    %add3A_68 = arith.addi %add3A_63, %concatenate3A_67 : vector<2048x8xi32>
    %broadcast_in_dim3A_69 = arith.constant 0 : i32
    %broadcast_in_dim3A_70 = vector.broadcast %broadcast_in_dim3A_69 : i32 to vector<4x8xi32>
    %slice3A_71 = vector.extract_strided_slice %add3A_68 {offsets = [0, 0], sizes = [2044, 8], strides = [1, 1]} : vector<2048x8xi32> to vector<2044x8xi32>
    %concatenate3A_72 = tpu.concatenate %broadcast_in_dim3A_70, %slice3A_71 in 0 : vector<4x8xi32>, vector<2044x8xi32> -> vector<2048x8xi32>
    %add3A_73 = arith.addi %add3A_68, %concatenate3A_72 : vector<2048x8xi32>
    %broadcast_in_dim3A_74 = arith.constant 0 : i32
    %broadcast_in_dim3A_75 = vector.broadcast %broadcast_in_dim3A_74 : i32 to vector<8x8xi32>
    %slice3A_76 = vector.extract_strided_slice %add3A_73 {offsets = [0, 0], sizes = [2040, 8], strides = [1, 1]} : vector<2048x8xi32> to vector<2040x8xi32>
    %concatenate3A_77 = tpu.concatenate %broadcast_in_dim3A_75, %slice3A_76 in 0 : vector<8x8xi32>, vector<2040x8xi32> -> vector<2048x8xi32>
    %add3A_78 = arith.addi %add3A_73, %concatenate3A_77 : vector<2048x8xi32>
    %broadcast_in_dim3A_79 = arith.constant 0 : i32
    %broadcast_in_dim3A_80 = vector.broadcast %broadcast_in_dim3A_79 : i32 to vector<16x8xi32>
    %slice3A_81 = vector.extract_strided_slice %add3A_78 {offsets = [0, 0], sizes = [2032, 8], strides = [1, 1]} : vector<2048x8xi32> to vector<2032x8xi32>
    %concatenate3A_82 = tpu.concatenate %broadcast_in_dim3A_80, %slice3A_81 in 0 : vector<16x8xi32>, vector<2032x8xi32> -> vector<2048x8xi32>
    %add3A_83 = arith.addi %add3A_78, %concatenate3A_82 : vector<2048x8xi32>
    %broadcast_in_dim3A_84 = arith.constant 0 : i32
    %broadcast_in_dim3A_85 = vector.broadcast %broadcast_in_dim3A_84 : i32 to vector<32x8xi32>
    %slice3A_86 = vector.extract_strided_slice %add3A_83 {offsets = [0, 0], sizes = [2016, 8], strides = [1, 1]} : vector<2048x8xi32> to vector<2016x8xi32>
    %concatenate3A_87 = tpu.concatenate %broadcast_in_dim3A_85, %slice3A_86 in 0 : vector<32x8xi32>, vector<2016x8xi32> -> vector<2048x8xi32>
    %add3A_88 = arith.addi %add3A_83, %concatenate3A_87 : vector<2048x8xi32>
    %broadcast_in_dim3A_89 = arith.constant 0 : i32
    %broadcast_in_dim3A_90 = vector.broadcast %broadcast_in_dim3A_89 : i32 to vector<64x8xi32>
    %slice3A_91 = vector.extract_strided_slice %add3A_88 {offsets = [0, 0], sizes = [1984, 8], strides = [1, 1]} : vector<2048x8xi32> to vector<1984x8xi32>
    %concatenate3A_92 = tpu.concatenate %broadcast_in_dim3A_90, %slice3A_91 in 0 : vector<64x8xi32>, vector<1984x8xi32> -> vector<2048x8xi32>
    %add3A_93 = arith.addi %add3A_88, %concatenate3A_92 : vector<2048x8xi32>
    %broadcast_in_dim3A_94 = arith.constant 0 : i32
    %broadcast_in_dim3A_95 = vector.broadcast %broadcast_in_dim3A_94 : i32 to vector<128x8xi32>
    %slice3A_96 = vector.extract_strided_slice %add3A_93 {offsets = [0, 0], sizes = [1920, 8], strides = [1, 1]} : vector<2048x8xi32> to vector<1920x8xi32>
    %concatenate3A_97 = tpu.concatenate %broadcast_in_dim3A_95, %slice3A_96 in 0 : vector<128x8xi32>, vector<1920x8xi32> -> vector<2048x8xi32>
    %add3A_98 = arith.addi %add3A_93, %concatenate3A_97 : vector<2048x8xi32>
    %broadcast_in_dim3A_99 = arith.constant 0 : i32
    %broadcast_in_dim3A_100 = vector.broadcast %broadcast_in_dim3A_99 : i32 to vector<256x8xi32>
    %slice3A_101 = vector.extract_strided_slice %add3A_98 {offsets = [0, 0], sizes = [1792, 8], strides = [1, 1]} : vector<2048x8xi32> to vector<1792x8xi32>
    %concatenate3A_102 = tpu.concatenate %broadcast_in_dim3A_100, %slice3A_101 in 0 : vector<256x8xi32>, vector<1792x8xi32> -> vector<2048x8xi32>
    %add3A_103 = arith.addi %add3A_98, %concatenate3A_102 : vector<2048x8xi32>
    %broadcast_in_dim3A_104 = arith.constant 0 : i32
    %broadcast_in_dim3A_105 = vector.broadcast %broadcast_in_dim3A_104 : i32 to vector<512x8xi32>
    %slice3A_106 = vector.extract_strided_slice %add3A_103 {offsets = [0, 0], sizes = [1536, 8], strides = [1, 1]} : vector<2048x8xi32> to vector<1536x8xi32>
    %concatenate3A_107 = tpu.concatenate %broadcast_in_dim3A_105, %slice3A_106 in 0 : vector<512x8xi32>, vector<1536x8xi32> -> vector<2048x8xi32>
    %add3A_108 = arith.addi %add3A_103, %concatenate3A_107 : vector<2048x8xi32>
    %broadcast_in_dim3A_109 = arith.constant 0 : i32
    %broadcast_in_dim3A_110 = vector.broadcast %broadcast_in_dim3A_109 : i32 to vector<1024x8xi32>
    %slice3A_111 = vector.extract_strided_slice %add3A_108 {offsets = [0, 0], sizes = [1024, 8], strides = [1, 1]} : vector<2048x8xi32> to vector<1024x8xi32>
    %concatenate3A_112 = tpu.concatenate %broadcast_in_dim3A_110, %slice3A_111 in 0 : vector<1024x8xi32>, vector<1024x8xi32> -> vector<2048x8xi32>
    %add3A_113 = arith.addi %add3A_108, %concatenate3A_112 : vector<2048x8xi32>
    %sub3A_114 = arith.subi %add3A_113, %convert_element_type3A_6 : vector<2048x8xi32>
    %add3A_115 = arith.addi %convert_element_type3A, %convert_element_type3A_6 : vector<2048x8xi32>
    %reduce_sum3A = arith.constant dense<0> : vector<8xi32>
    %reduce_sum3A_116 = vector.multi_reduction <add>, %add3A_115, %reduce_sum3A [0] : vector<2048x8xi32> to vector<8xi32>
    %broadcast_in_dim3A_117 = vector.shape_cast %reduce_sum3A_116 : vector<8xi32> to vector<1x8xi32>
    %add3A_118 = arith.constant 256 : i32
    %add3A_119 = vector.broadcast %add3A_118 : i32 to vector<1x8xi32>
    %add3A_120 = arith.addi %broadcast_in_dim3A_117, %add3A_119 : vector<1x8xi32>
    %sub3A_121 = arith.constant 1 : i32
    %sub3A_122 = vector.broadcast %sub3A_121 : i32 to vector<1x8xi32>
    %sub3A_123 = arith.subi %add3A_120, %sub3A_122 : vector<1x8xi32>
    %jit3A = arith.constant 256 : i32
    %div3A = vector.broadcast %jit3A : i32 to vector<1x8xi32>
    %div3A_124 = arith.divsi %sub3A_123, %div3A : vector<1x8xi32>
    %sign3A = arith.constant 0 : i32
    %sign3A_125 = vector.broadcast %sign3A : i32 to vector<1x8xi32>
    %sign3A_126 = arith.cmpi sgt, %sub3A_123, %sign3A_125 : vector<1x8xi32>
    %sign3A_127 = arith.extui %sign3A_126 : vector<1x8xi1> to vector<1x8xi32>
    %sign3A_128 = arith.constant 0 : i32
    %sign3A_129 = vector.broadcast %sign3A_128 : i32 to vector<1x8xi32>
    %sign3A_130 = arith.cmpi slt, %sub3A_123, %sign3A_129 : vector<1x8xi32>
    %sign3A_131 = arith.extui %sign3A_130 : vector<1x8xi1> to vector<1x8xi32>
    %sign3A_132 = arith.subi %sign3A_127, %sign3A_131 : vector<1x8xi32>
    %sign3A_133 = arith.constant 0 : i32
    %sign3A_134 = arith.cmpi sgt, %jit3A, %sign3A_133 : i32
    %sign3A_135 = arith.extui %sign3A_134 : i1 to i32
    %sign3A_136 = arith.constant 0 : i32
    %sign3A_137 = arith.cmpi slt, %jit3A, %sign3A_136 : i32
    %sign3A_138 = arith.extui %sign3A_137 : i1 to i32
    %sign3A_139 = arith.subi %sign3A_135, %sign3A_138 : i32
    %ne3A = vector.broadcast %sign3A_139 : i32 to vector<1x8xi32>
    %ne3A_140 = arith.cmpi ne, %sign3A_132, %ne3A : vector<1x8xi32>
    %rem3A = vector.broadcast %jit3A : i32 to vector<1x8xi32>
    %rem3A_141 = arith.remsi %sub3A_123, %rem3A : vector<1x8xi32>
    %ne3A_142 = arith.constant 0 : i32
    %ne3A_143 = vector.broadcast %ne3A_142 : i32 to vector<1x8xi32>
    %ne3A_144 = arith.cmpi ne, %rem3A_141, %ne3A_143 : vector<1x8xi32>
    %and3A = arith.andi %ne3A_140, %ne3A_144 : vector<1x8xi1>
    %sub3A_145 = arith.constant 1 : i32
    %sub3A_146 = vector.broadcast %sub3A_145 : i32 to vector<1x8xi32>
    %sub3A_147 = arith.subi %div3A_124, %sub3A_146 : vector<1x8xi32>
    %select_n3A = arith.select %and3A, %sub3A_147, %div3A_124 : vector<1x8xi1>, vector<1x8xi32>
    %mul3A = arith.constant 256 : i32
    %mul3A_148 = vector.broadcast %mul3A : i32 to vector<1x8xi32>
    %mul3A_149 = arith.muli %select_n3A, %mul3A_148 : vector<1x8xi32>
    %iota3A_150 = tpu.iota {dimensions = array<i32: 0>} : vector<8x8xi32>
    %iota3A_151 = tpu.iota {dimensions = array<i32: 1>} : vector<8x8xi32>
    %lt3A = arith.cmpi slt, %iota3A_150, %iota3A_151 : vector<8x8xi32>
    %convert_element_type3A_152 = arith.extui %lt3A : vector<8x8xi1> to vector<8x8xi32>
    %convert_element_type3A_153 = arith.sitofp %convert_element_type3A_152 : vector<8x8xi32> to vector<8x8xf32>
    %convert_element_type3A_154 = arith.sitofp %mul3A_149 : vector<1x8xi32> to vector<1x8xf32>
    %dot_general3A = arith.constant dense<0.000000e+00> : vector<1x8xf32>
    %dot_general3A_155 = tpu.matmul %convert_element_type3A_154, %convert_element_type3A_153, %dot_general3A {dimension_numbers = #tpu.dot_dimension_numbers<[1], [0], [0], [1], [0, 0, 1, 1], [], []>, transpose_lhs_hint = false} : vector<1x8xf32>, vector<8x8xf32>, vector<1x8xf32> -> vector<1x8xf32>
    %convert_element_type3A_156 = arith.fptosi %dot_general3A_155 : vector<1x8xf32> to vector<1x8xi32>
    %add3A_157 = arith.addi %convert_element_type3A_156, %mul3A_149 : vector<1x8xi32>
    %add3A_158 = arith.addi %sub3A, %sub3A_114 : vector<2048x8xi32>
    %add3A_159 = arith.addi %add3A_158, %convert_element_type3A : vector<2048x8xi32>
    %add3A_160 = vector.broadcast %convert_element_type3A_156 : vector<1x8xi32> to vector<2048x8xi32>
    %add3A_161 = arith.addi %add3A_160, %add3A_158 : vector<2048x8xi32>
    %add3A_162 = vector.broadcast %convert_element_type3A_156 : vector<1x8xi32> to vector<2048x8xi32>
    %add3A_163 = arith.addi %add3A_162, %add3A_159 : vector<2048x8xi32>
    %eq3A_164 = vector.broadcast %slice3A : vector<2048x1xi32> to vector<2048x8xi32>
    %eq3A_165 = arith.cmpi eq, %iota3A, %eq3A_164 : vector<2048x8xi32>
    %jit3A_166 = arith.constant 0 : i32
    %broadcast_in_dim3A_167 = vector.broadcast %jit3A_166 : i32 to vector<2048x8xi32>
    %select_n3A_168 = arith.select %eq3A_165, %add3A_161, %broadcast_in_dim3A_167 : vector<2048x8xi1>, vector<2048x8xi32>
    %reduce_sum3A_169 = arith.constant dense<0> : vector<2048xi32>
    %reduce_sum3A_170 = vector.multi_reduction <add>, %select_n3A_168, %reduce_sum3A_169 [1] : vector<2048x8xi32> to vector<2048xi32>
    %broadcast_in_dim3A_171 = vector.shape_cast %reduce_sum3A_170 : vector<2048xi32> to vector<2048x1xi32>
    %eq3A_172 = vector.broadcast %slice3A_2 : vector<2048x1xi32> to vector<2048x8xi32>
    %eq3A_173 = arith.cmpi eq, %iota3A, %eq3A_172 : vector<2048x8xi32>
    %jit3A_174 = arith.constant 0 : i32
    %broadcast_in_dim3A_175 = vector.broadcast %jit3A_174 : i32 to vector<2048x8xi32>
    %select_n3A_176 = arith.select %eq3A_173, %add3A_163, %broadcast_in_dim3A_175 : vector<2048x8xi1>, vector<2048x8xi32>
    %reduce_sum3A_177 = arith.constant dense<0> : vector<2048xi32>
    %reduce_sum3A_178 = vector.multi_reduction <add>, %select_n3A_176, %reduce_sum3A_177 [1] : vector<2048x8xi32> to vector<2048xi32>
    %broadcast_in_dim3A_179 = vector.shape_cast %reduce_sum3A_178 : vector<2048xi32> to vector<2048x1xi32>
    %concatenate3A_180 = tpu.concatenate %broadcast_in_dim3A_171, %broadcast_in_dim3A_179 in 1 : vector<2048x1xi32>, vector<2048x1xi32> -> vector<2048x2xi32>
    %swap3A = arith.constant 0 : index
    %swap3A_181 = arith.constant 0 : index
    %swap3A_182 = vector.load %arg2[%swap3A, %swap3A_181] : memref<2048x2xi32, #tpu.memory_space<vmem>>, vector<2048x2xi32>
    tpu.vector_store %arg2[%swap3A, %swap3A_181], %concatenate3A_180 {strides = array<i32>} : memref<2048x2xi32, #tpu.memory_space<vmem>>, vector<2048x2xi32>,
    %iota3A_183 = tpu.iota {dimensions = array<i32: 0>} : vector<24x8xi32>
    %mul3A_184 = arith.constant 256 : i32
    %mul3A_185 = vector.broadcast %mul3A_184 : i32 to vector<24x8xi32>
    %mul3A_186 = arith.muli %iota3A_183, %mul3A_185 : vector<24x8xi32>
    %ge3A = vector.broadcast %add3A_157 : vector<1x8xi32> to vector<24x8xi32>
    %ge3A_187 = arith.cmpi sge, %mul3A_186, %ge3A : vector<24x8xi32>
    %convert_element_type3A_188 = arith.extui %ge3A_187 : vector<24x8xi1> to vector<24x8xi32>
    %reduce_sum3A_189 = arith.constant dense<0> : vector<24xi32>
    %reduce_sum3A_190 = vector.multi_reduction <add>, %convert_element_type3A_188, %reduce_sum3A_189 [1] : vector<24x8xi32> to vector<24xi32>
    %broadcast_in_dim3A_191 = vector.shape_cast %reduce_sum3A_190 : vector<24xi32> to vector<24x1xi32>
    %min3A = arith.constant 7 : i32
    %min3A_192 = vector.broadcast %min3A : i32 to vector<24x1xi32>
    %min3A_193 = arith.minsi %broadcast_in_dim3A_191, %min3A_192 : vector<24x1xi32>
    %swap3A_194 = arith.constant 0 : index
    %swap3A_195 = arith.constant 0 : index
    %swap3A_196 = vector.load %arg3[%swap3A_194, %swap3A_195] : memref<24x1xi32, #tpu.memory_space<vmem>>, vector<24x1xi32>
    tpu.vector_store %arg3[%swap3A_194, %swap3A_195], %min3A_193 {strides = array<i32>} : memref<24x1xi32, #tpu.memory_space<vmem>>, vector<24x1xi32>,
    return
  }
  func.func @transform_0(%arg0: i32) -> (i32, i32) {
    %c0_i32 = arith.constant 0 : i32
    %c0_i32_0 = arith.constant 0 : i32
    %c0_i32_1 = arith.constant 0 : i32
    return %c0_i32, %c0_i32_0 : i32, i32
  }
  func.func @transform_1(%arg0: i32) -> (i32, i32) {
    %c0_i32 = arith.constant 0 : i32
    %c0_i32_0 = arith.constant 0 : i32
    %c0_i32_1 = arith.constant 0 : i32
    return %c0_i32, %c0_i32_0 : i32, i32
  }
  func.func @transform_2(%arg0: i32) -> (i32, i32) {
    %c0_i32 = arith.constant 0 : i32
    %c0_i32_0 = arith.constant 0 : i32
    %c0_i32_1 = arith.constant 0 : i32
    return %c0_i32, %c0_i32_0 : i32, i32
  }
}

module attributes {stable_mosaic.version = 14 : i64} {
  func.func @_gmm_kernel(%arg0: i32, %arg1: memref<24xi32, #tpu.memory_space<smem>>, %arg2: memref<256x1024xf32, #tpu.memory_space<vmem>>, %arg3: memref<1x1024x1024xf32, #tpu.memory_space<vmem>>, %arg4: memref<1x1024x1024xf32, #tpu.memory_space<vmem>>, %arg5: memref<256x1024xf32, #tpu.memory_space<vmem>>) attributes {dimension_semantics = [#tpu.dimension_semantics<arbitrary>], iteration_bounds = array<i64: 24>, scalar_prefetch = 1 : i64, scratch_operands = 0 : i64, tpu.core_type = #tpu.core_type<tc>, window_params = [{transform_indices = @transform_0, window_bounds = array<i64: 256, 1024>}, {transform_indices = @transform_1, window_bounds = array<i64: 1, 1024, 1024>}, {transform_indices = @transform_2, window_bounds = array<i64: 1, 1024, 1024>}, {transform_indices = @transform_3, window_bounds = array<i64: 256, 1024>}]} {
    %get3A = arith.constant 0 : index
    %get3A_0 = arith.constant 0 : index
    %get3A_1 = vector.load %arg2[%get3A, %get3A_0] : memref<256x1024xf32, #tpu.memory_space<vmem>>, vector<256x1024xf32>
    %convert_element_type3A = arith.truncf %get3A_1 : vector<256x1024xf32> to vector<256x1024xbf16>
    %get3A_2 = arith.constant 0 : index
    %get3A_3 = arith.constant 0 : index
    %get3A_4 = arith.constant 0 : index
    %get3A_5 = vector.load %arg3[%get3A_2, %get3A_3, %get3A_4] : memref<1x1024x1024xf32, #tpu.memory_space<vmem>>, vector<1x1024x1024xf32>
    %get3A_6 = vector.shape_cast %get3A_5 : vector<1x1024x1024xf32> to vector<1024x1024xf32>
    %convert_element_type3A_7 = arith.truncf %get3A_6 : vector<1024x1024xf32> to vector<1024x1024xbf16>
    %dot_general3A = arith.constant dense<0.000000e+00> : vector<256x1024xf32>
    %dot_general3A_8 = tpu.matmul %convert_element_type3A, %convert_element_type3A_7, %dot_general3A {dimension_numbers = #tpu.dot_dimension_numbers<[1], [0], [0], [1], [0, 0, 1, 1], [], []>, transpose_lhs_hint = false} : vector<256x1024xbf16>, vector<1024x1024xbf16>, vector<256x1024xf32> -> vector<256x1024xf32>
    %logistic3A = arith.negf %dot_general3A_8 : vector<256x1024xf32>
    %logistic3A_9 = math.exp %logistic3A : vector<256x1024xf32>
    %logistic3A_10 = arith.constant 1.000000e+00 : f32
    %logistic3A_11 = vector.broadcast %logistic3A_10 : f32 to vector<256x1024xf32>
    %logistic3A_12 = arith.addf %logistic3A_11, %logistic3A_9 : vector<256x1024xf32>
    %logistic3A_13 = arith.divf %logistic3A_11, %logistic3A_12 : vector<256x1024xf32>
    %mul3A = arith.mulf %dot_general3A_8, %logistic3A_13 : vector<256x1024xf32>
    %convert_element_type3A_14 = arith.truncf %mul3A : vector<256x1024xf32> to vector<256x1024xbf16>
    %get3A_15 = arith.constant 0 : index
    %get3A_16 = arith.constant 0 : index
    %get3A_17 = arith.constant 0 : index
    %get3A_18 = vector.load %arg4[%get3A_15, %get3A_16, %get3A_17] : memref<1x1024x1024xf32, #tpu.memory_space<vmem>>, vector<1x1024x1024xf32>
    %get3A_19 = vector.shape_cast %get3A_18 : vector<1x1024x1024xf32> to vector<1024x1024xf32>
    %convert_element_type3A_20 = arith.truncf %get3A_19 : vector<1024x1024xf32> to vector<1024x1024xbf16>
    %dot_general3A_21 = arith.constant dense<0.000000e+00> : vector<256x1024xf32>
    %dot_general3A_22 = tpu.matmul %convert_element_type3A_14, %convert_element_type3A_20, %dot_general3A_21 {dimension_numbers = #tpu.dot_dimension_numbers<[1], [0], [0], [1], [0, 0, 1, 1], [], []>, transpose_lhs_hint = false} : vector<256x1024xbf16>, vector<1024x1024xbf16>, vector<256x1024xf32> -> vector<256x1024xf32>
    %swap3A = arith.constant 0 : index
    %swap3A_23 = arith.constant 0 : index
    %swap3A_24 = vector.load %arg5[%swap3A, %swap3A_23] : memref<256x1024xf32, #tpu.memory_space<vmem>>, vector<256x1024xf32>
    tpu.vector_store %arg5[%swap3A, %swap3A_23], %dot_general3A_22 {strides = array<i32>} : memref<256x1024xf32, #tpu.memory_space<vmem>>, vector<256x1024xf32>,
    return
  }
  func.func @transform_0(%arg0: i32, %arg1: memref<24xi32, #tpu.memory_space<smem>>) -> (i32, i32) {
    %c0_i32 = arith.constant 0 : i32
    %c0_i32_0 = arith.constant 0 : i32
    return %arg0, %c0_i32 : i32, i32
  }
  func.func @transform_1(%arg0: i32, %arg1: memref<24xi32, #tpu.memory_space<smem>>) -> (i32, i32, i32) {
    %get3A = arith.index_cast %arg0 : i32 to index
    %get3A_0 = memref.load %arg1[%get3A] : memref<24xi32, #tpu.memory_space<smem>>
    %c0_i32 = arith.constant 0 : i32
    %c0_i32_1 = arith.constant 0 : i32
    %c0_i32_2 = arith.constant 0 : i32
    return %get3A_0, %c0_i32, %c0_i32_1 : i32, i32, i32
  }
  func.func @transform_2(%arg0: i32, %arg1: memref<24xi32, #tpu.memory_space<smem>>) -> (i32, i32, i32) {
    %get3A = arith.index_cast %arg0 : i32 to index
    %get3A_0 = memref.load %arg1[%get3A] : memref<24xi32, #tpu.memory_space<smem>>
    %c0_i32 = arith.constant 0 : i32
    %c0_i32_1 = arith.constant 0 : i32
    %c0_i32_2 = arith.constant 0 : i32
    return %get3A_0, %c0_i32, %c0_i32_1 : i32, i32, i32
  }
  func.func @transform_3(%arg0: i32, %arg1: memref<24xi32, #tpu.memory_space<smem>>) -> (i32, i32) {
    %c0_i32 = arith.constant 0 : i32
    %c0_i32_0 = arith.constant 0 : i32
    return %arg0, %c0_i32 : i32, i32
  }
}

module attributes {stable_mosaic.version = 14 : i64} {
  func.func @_shared_kernel(%arg0: i32, %arg1: memref<256x1024xf32, #tpu.memory_space<vmem>>, %arg2: memref<2x1024x1024xf32, #tpu.memory_space<vmem>>, %arg3: memref<2x1024x1024xf32, #tpu.memory_space<vmem>>, %arg4: memref<256x1024xf32, #tpu.memory_space<vmem>>) attributes {dimension_semantics = [#tpu.dimension_semantics<arbitrary>], iteration_bounds = array<i64: 8>, scalar_prefetch = 0 : i64, scratch_operands = 0 : i64, tpu.core_type = #tpu.core_type<tc>, window_params = [{transform_indices = @transform_0, window_bounds = array<i64: 256, 1024>}, {pipeline_mode = #tpu.pipeline_mode<synchronous>, transform_indices = @transform_1, window_bounds = array<i64: 2, 1024, 1024>}, {pipeline_mode = #tpu.pipeline_mode<synchronous>, transform_indices = @transform_2, window_bounds = array<i64: 2, 1024, 1024>}, {transform_indices = @transform_3, window_bounds = array<i64: 256, 1024>}]} {
    %get3A = arith.constant 0 : index
    %get3A_0 = arith.constant 0 : index
    %get3A_1 = vector.load %arg1[%get3A, %get3A_0] : memref<256x1024xf32, #tpu.memory_space<vmem>>, vector<256x1024xf32>
    %convert_element_type3A = arith.truncf %get3A_1 : vector<256x1024xf32> to vector<256x1024xbf16>
    %get3A_2 = arith.constant 0 : index
    %get3A_3 = arith.constant 0 : index
    %get3A_4 = arith.constant 0 : index
    %get3A_5 = vector.load %arg2[%get3A_2, %get3A_3, %get3A_4] : memref<2x1024x1024xf32, #tpu.memory_space<vmem>>, vector<1x1024x1024xf32>
    %get3A_6 = vector.shape_cast %get3A_5 : vector<1x1024x1024xf32> to vector<1024x1024xf32>
    %convert_element_type3A_7 = arith.truncf %get3A_6 : vector<1024x1024xf32> to vector<1024x1024xbf16>
    %dot_general3A = arith.constant dense<0.000000e+00> : vector<256x1024xf32>
    %dot_general3A_8 = tpu.matmul %convert_element_type3A, %convert_element_type3A_7, %dot_general3A {dimension_numbers = #tpu.dot_dimension_numbers<[1], [0], [0], [1], [0, 0, 1, 1], [], []>, transpose_lhs_hint = false} : vector<256x1024xbf16>, vector<1024x1024xbf16>, vector<256x1024xf32> -> vector<256x1024xf32>
    %logistic3A = arith.negf %dot_general3A_8 : vector<256x1024xf32>
    %logistic3A_9 = math.exp %logistic3A : vector<256x1024xf32>
    %logistic3A_10 = arith.constant 1.000000e+00 : f32
    %logistic3A_11 = vector.broadcast %logistic3A_10 : f32 to vector<256x1024xf32>
    %logistic3A_12 = arith.addf %logistic3A_11, %logistic3A_9 : vector<256x1024xf32>
    %logistic3A_13 = arith.divf %logistic3A_11, %logistic3A_12 : vector<256x1024xf32>
    %mul3A = arith.mulf %dot_general3A_8, %logistic3A_13 : vector<256x1024xf32>
    %convert_element_type3A_14 = arith.truncf %mul3A : vector<256x1024xf32> to vector<256x1024xbf16>
    %get3A_15 = arith.constant 0 : index
    %get3A_16 = arith.constant 0 : index
    %get3A_17 = arith.constant 0 : index
    %get3A_18 = vector.load %arg3[%get3A_15, %get3A_16, %get3A_17] : memref<2x1024x1024xf32, #tpu.memory_space<vmem>>, vector<1x1024x1024xf32>
    %get3A_19 = vector.shape_cast %get3A_18 : vector<1x1024x1024xf32> to vector<1024x1024xf32>
    %convert_element_type3A_20 = arith.truncf %get3A_19 : vector<1024x1024xf32> to vector<1024x1024xbf16>
    %dot_general3A_21 = arith.constant dense<0.000000e+00> : vector<256x1024xf32>
    %dot_general3A_22 = tpu.matmul %convert_element_type3A_14, %convert_element_type3A_20, %dot_general3A_21 {dimension_numbers = #tpu.dot_dimension_numbers<[1], [0], [0], [1], [0, 0, 1, 1], [], []>, transpose_lhs_hint = false} : vector<256x1024xbf16>, vector<1024x1024xbf16>, vector<256x1024xf32> -> vector<256x1024xf32>
    %add3A = arith.addf %get3A_1, %dot_general3A_22 : vector<256x1024xf32>
    %get3A_23 = arith.constant 1 : index
    %get3A_24 = arith.constant 0 : index
    %get3A_25 = arith.constant 0 : index
    %get3A_26 = vector.load %arg2[%get3A_23, %get3A_24, %get3A_25] : memref<2x1024x1024xf32, #tpu.memory_space<vmem>>, vector<1x1024x1024xf32>
    %get3A_27 = vector.shape_cast %get3A_26 : vector<1x1024x1024xf32> to vector<1024x1024xf32>
    %convert_element_type3A_28 = arith.truncf %get3A_27 : vector<1024x1024xf32> to vector<1024x1024xbf16>
    %dot_general3A_29 = arith.constant dense<0.000000e+00> : vector<256x1024xf32>
    %dot_general3A_30 = tpu.matmul %convert_element_type3A, %convert_element_type3A_28, %dot_general3A_29 {dimension_numbers = #tpu.dot_dimension_numbers<[1], [0], [0], [1], [0, 0, 1, 1], [], []>, transpose_lhs_hint = false} : vector<256x1024xbf16>, vector<1024x1024xbf16>, vector<256x1024xf32> -> vector<256x1024xf32>
    %logistic3A_31 = arith.negf %dot_general3A_30 : vector<256x1024xf32>
    %logistic3A_32 = math.exp %logistic3A_31 : vector<256x1024xf32>
    %logistic3A_33 = arith.constant 1.000000e+00 : f32
    %logistic3A_34 = vector.broadcast %logistic3A_33 : f32 to vector<256x1024xf32>
    %logistic3A_35 = arith.addf %logistic3A_34, %logistic3A_32 : vector<256x1024xf32>
    %logistic3A_36 = arith.divf %logistic3A_34, %logistic3A_35 : vector<256x1024xf32>
    %mul3A_37 = arith.mulf %dot_general3A_30, %logistic3A_36 : vector<256x1024xf32>
    %convert_element_type3A_38 = arith.truncf %mul3A_37 : vector<256x1024xf32> to vector<256x1024xbf16>
    %get3A_39 = arith.constant 1 : index
    %get3A_40 = arith.constant 0 : index
    %get3A_41 = arith.constant 0 : index
    %get3A_42 = vector.load %arg3[%get3A_39, %get3A_40, %get3A_41] : memref<2x1024x1024xf32, #tpu.memory_space<vmem>>, vector<1x1024x1024xf32>
    %get3A_43 = vector.shape_cast %get3A_42 : vector<1x1024x1024xf32> to vector<1024x1024xf32>
    %convert_element_type3A_44 = arith.truncf %get3A_43 : vector<1024x1024xf32> to vector<1024x1024xbf16>
    %dot_general3A_45 = arith.constant dense<0.000000e+00> : vector<256x1024xf32>
    %dot_general3A_46 = tpu.matmul %convert_element_type3A_38, %convert_element_type3A_44, %dot_general3A_45 {dimension_numbers = #tpu.dot_dimension_numbers<[1], [0], [0], [1], [0, 0, 1, 1], [], []>, transpose_lhs_hint = false} : vector<256x1024xbf16>, vector<1024x1024xbf16>, vector<256x1024xf32> -> vector<256x1024xf32>
    %add3A_47 = arith.addf %add3A, %dot_general3A_46 : vector<256x1024xf32>
    %swap3A = arith.constant 0 : index
    %swap3A_48 = arith.constant 0 : index
    %swap3A_49 = vector.load %arg4[%swap3A, %swap3A_48] : memref<256x1024xf32, #tpu.memory_space<vmem>>, vector<256x1024xf32>
    tpu.vector_store %arg4[%swap3A, %swap3A_48], %add3A_47 {strides = array<i32>} : memref<256x1024xf32, #tpu.memory_space<vmem>>, vector<256x1024xf32>,
    return
  }
  func.func @transform_0(%arg0: i32) -> (i32, i32) {
    %c0_i32 = arith.constant 0 : i32
    %c0_i32_0 = arith.constant 0 : i32
    return %arg0, %c0_i32 : i32, i32
  }
  func.func @transform_1(%arg0: i32) -> (i32, i32, i32) {
    %c0_i32 = arith.constant 0 : i32
    %c0_i32_0 = arith.constant 0 : i32
    %c0_i32_1 = arith.constant 0 : i32
    %c0_i32_2 = arith.constant 0 : i32
    return %c0_i32, %c0_i32_0, %c0_i32_1 : i32, i32, i32
  }
  func.func @transform_2(%arg0: i32) -> (i32, i32, i32) {
    %c0_i32 = arith.constant 0 : i32
    %c0_i32_0 = arith.constant 0 : i32
    %c0_i32_1 = arith.constant 0 : i32
    %c0_i32_2 = arith.constant 0 : i32
    return %c0_i32, %c0_i32_0, %c0_i32_1 : i32, i32, i32
  }
  func.func @transform_3(%arg0: i32) -> (i32, i32) {
    %c0_i32 = arith.constant 0 : i32
    %c0_i32_0 = arith.constant 0 : i32
    return %arg0, %c0_i32 : i32, i32
  }
}

module attributes {stable_mosaic.version = 14 : i64} {
  func.func @_combine_kernel(%arg0: i32, %arg1: memref<256x1024xf32, #tpu.memory_space<vmem>>, %arg2: memref<256x1024xf32, #tpu.memory_space<vmem>>, %arg3: memref<256x1024xf32, #tpu.memory_space<vmem>>, %arg4: memref<256x1xf32, #tpu.memory_space<vmem>>, %arg5: memref<256x1xf32, #tpu.memory_space<vmem>>, %arg6: memref<256x1024xf32, #tpu.memory_space<vmem>>) attributes {dimension_semantics = [#tpu.dimension_semantics<arbitrary>], iteration_bounds = array<i64: 8>, scalar_prefetch = 0 : i64, scratch_operands = 0 : i64, tpu.core_type = #tpu.core_type<tc>, window_params = [{transform_indices = @transform_0, window_bounds = array<i64: 256, 1024>}, {transform_indices = @transform_1, window_bounds = array<i64: 256, 1024>}, {transform_indices = @transform_2, window_bounds = array<i64: 256, 1024>}, {transform_indices = @transform_3, window_bounds = array<i64: 256, 1>}, {transform_indices = @transform_4, window_bounds = array<i64: 256, 1>}, {transform_indices = @transform_5, window_bounds = array<i64: 256, 1024>}]} {
    %get3A = arith.constant 0 : index
    %get3A_0 = arith.constant 0 : index
    %get3A_1 = vector.load %arg1[%get3A, %get3A_0] : memref<256x1024xf32, #tpu.memory_space<vmem>>, vector<256x1024xf32>
    %get3A_2 = arith.constant 0 : index
    %get3A_3 = arith.constant 0 : index
    %get3A_4 = vector.load %arg4[%get3A_2, %get3A_3] : memref<256x1xf32, #tpu.memory_space<vmem>>, vector<256x1xf32>
    %get3A_5 = arith.constant 0 : index
    %get3A_6 = arith.constant 0 : index
    %get3A_7 = vector.load %arg2[%get3A_5, %get3A_6] : memref<256x1024xf32, #tpu.memory_space<vmem>>, vector<256x1024xf32>
    %mul3A = vector.broadcast %get3A_4 : vector<256x1xf32> to vector<256x1024xf32>
    %mul3A_8 = arith.mulf %mul3A, %get3A_7 : vector<256x1024xf32>
    %add3A = arith.addf %get3A_1, %mul3A_8 : vector<256x1024xf32>
    %get3A_9 = arith.constant 0 : index
    %get3A_10 = arith.constant 0 : index
    %get3A_11 = vector.load %arg5[%get3A_9, %get3A_10] : memref<256x1xf32, #tpu.memory_space<vmem>>, vector<256x1xf32>
    %get3A_12 = arith.constant 0 : index
    %get3A_13 = arith.constant 0 : index
    %get3A_14 = vector.load %arg3[%get3A_12, %get3A_13] : memref<256x1024xf32, #tpu.memory_space<vmem>>, vector<256x1024xf32>
    %mul3A_15 = vector.broadcast %get3A_11 : vector<256x1xf32> to vector<256x1024xf32>
    %mul3A_16 = arith.mulf %mul3A_15, %get3A_14 : vector<256x1024xf32>
    %add3A_17 = arith.addf %add3A, %mul3A_16 : vector<256x1024xf32>
    %swap3A = arith.constant 0 : index
    %swap3A_18 = arith.constant 0 : index
    %swap3A_19 = vector.load %arg6[%swap3A, %swap3A_18] : memref<256x1024xf32, #tpu.memory_space<vmem>>, vector<256x1024xf32>
    tpu.vector_store %arg6[%swap3A, %swap3A_18], %add3A_17 {strides = array<i32>} : memref<256x1024xf32, #tpu.memory_space<vmem>>, vector<256x1024xf32>,
    return
  }
  func.func @transform_0(%arg0: i32) -> (i32, i32) {
    %c0_i32 = arith.constant 0 : i32
    %c0_i32_0 = arith.constant 0 : i32
    return %arg0, %c0_i32 : i32, i32
  }
  func.func @transform_1(%arg0: i32) -> (i32, i32) {
    %c0_i32 = arith.constant 0 : i32
    %c0_i32_0 = arith.constant 0 : i32
    return %arg0, %c0_i32 : i32, i32
  }
  func.func @transform_2(%arg0: i32) -> (i32, i32) {
    %c0_i32 = arith.constant 0 : i32
    %c0_i32_0 = arith.constant 0 : i32
    return %arg0, %c0_i32 : i32, i32
  }
  func.func @transform_3(%arg0: i32) -> (i32, i32) {
    %c0_i32 = arith.constant 0 : i32
    %c0_i32_0 = arith.constant 0 : i32
    return %arg0, %c0_i32 : i32, i32
  }
  func.func @transform_4(%arg0: i32) -> (i32, i32) {
    %c0_i32 = arith.constant 0 : i32
    %c0_i32_0 = arith.constant 0 : i32
    return %arg0, %c0_i32 : i32, i32
  }
  func.func @transform_5(%arg0: i32) -> (i32, i32) {
    %c0_i32 = arith.constant 0 : i32
    %c0_i32_0 = arith.constant 0 : i32
    return %arg0, %c0_i32 : i32, i32
  }
}

</mosaic_0001>

<sc_bundles>
// kernel: kernel.11.cloned.1.call-start
scs
__scs_entry_jumppad:
0x0: {  	(pc) =	sbr.rel $0x88, $3  }
0x1: {  	(tag) =	ssettag $0x0;
	lr =	simm.s32 $0x1  }
0x2: {  	[smem:$0x3F95] =	sst lr;
	_ =	strace $0xD0000000  }
0x3: {  	_ = 	snop  }
0x4: {  	_ = 	snop  }
0x5: {  	_ = 	snop  }
0x6: {  	_ = 	snop  }
0x7: {  	_ = 	snop  }
__scs_overlays_trampoline_lowered:
0x8: {  	[smem:$0x3FA4] =	sst s0  }
0x9: {  	[smem:$0x3FA5] =	sst s1  }
0xa: {  	[smem:$0x3FA6] =	sst s2  }
0xb: {  	[smem:$0x3FA7] =	sst s3  }
0xc: {  	[smem:$0x3FA8] =	sst s4  }
0xd: {  	[smem:$0x3FA9] =	sst s5  }
0xe: {  	[smem:$0x3FAA] =	sst s6  }
0xf: {  	[smem:$0x3FAB] =	sst s7  }
0x10: {  	[smem:$0x3FAC] =	sst s8  }
0x11: {  	[smem:$0x3FAD] =	sst s9;
	s0 =	simm.s32 @!p0 $0x0  }
0x12: {  	s1 =	sld [smem:$0x3F93];
	s0 =	simm.s32 @p0 $0x1  }
0x13: {  	[smem:$0x3FAE] =	sst s0;
	s0 =	simm.s32 @!p1 $0x0  }
0x14: {  	s2 =	sld [smem:$0x3F92];
	s0 =	simm.s32 @p1 $0x1  }
0x15: {  	[smem:$0x3FAF] =	sst s0;
	s0 =	simm.s32 @!p2 $0x0  }
0x16: {  	s3 =	sld [smem:$0x3FDB];
	s0 =	simm.s32 @p2 $0x1  }
0x17: {  	s4 =	simm.s32 $0x1BF5;
	[smem:$0x3FB1] =	sst s0  }
0x18: {  	s0 =	sld [smem:$0x3F94];
	_ =	swait.ge [sflag:s4], $0x0  }
0x19: {  	s7 =	sld [smem:$0x3F95]  }
0x1a: {  	s8 =	sadd.s32 $0xFFFFE003, lr  }
0x1b: {  	s9 =	sadd.s32 $0xFFFFFEF7, lr;
	s5 =	simm.s32 $0xFFFFFFFF;
	p2 =	slt.u32 s8, $0xFFFFF086  }
0x1c: {  	p1 =	slt.u32 s9, $0xF7A;
	s5 =	simm.s32 @!p2 $0x0  }
0x1d: {  	s5 =	simm.s32 @p1 $0x1;
	p0 =	seq.s32 s7, s2  }
0x1e: {  	s7 =	smul.u32 @!p0 $0xF7A, s2;
	p2 =	seq.s32 @!p0 s5, $0x0  }
0x1f: {  	s9 =	smul.u32 $0xF7A, s1;
	s8 =	simm.s32 @!p0 $0x1BF5;
	p2 =	por !p2, p0  }
0x20: {  	[sflag:s8] =	ssyncset.s32 @!p0 $0xFFFFF086;
	s6 =	sadd.s32 @!p0 s3, s7;
	s7 =	simm.s32 @!p0 $0x108  }
0x21: {  	s3 =	sadd.s32 s3, s9;
	s6 =	sadd.s32 @!p0 $0x88, s6;
	s7 =	simm.s32 @p2 $0x1082  }
0x22: {  	[simem:s7], [sflag:s8] =	dma.local @!p0 [hbm:s6], $0xF7A  }
0x23: {  	s9 =	sor.u32 $0xD0000000, s2;
	s6 =	simm.s32 $0x108;
	_ =	swait.ge @!p0 [sflag:s8], $0x0  }
0x24: {  	s3 =	sadd.s32 $0x88, s3;
	s6 =	simm.s32 @!p1 $0x1082;
	[sflag:s4] =	ssyncset.s32 $0xFFFFF086  }
0x25: {  	[simem:s6], [sflag:s4] =	dma.local [hbm:s3], $0xF7A  }
0x26: {  	[smem:$0x3F95] =	sst s1;
	(tag) =	ssettag s2;
	_ =	strace s9  }
0x27: {  	s1 =	sld [smem:$0x3FA5]  }
0x28: {  	s2 =	sld [smem:$0x3FA6]  }
0x29: {  	s4 =	sld [smem:$0x3FA8]  }
0x2a: {  	p0 =	seq.s32 s5, $0x0;
	s5 =	sld [smem:$0x3FA9]  }
0x2b: {  	s6 =	sld [smem:$0x3FAA]  }
0x2c: {  	s7 =	sld [smem:$0x3FAB]  }
0x2d: {  	s3 =	simm.s32 $0x108;
	s8 =	sld [smem:$0x3FAC]  }
0x2e: {  	s3 =	simm.s32 @!p0 $0x1082;
	s9 =	sld [smem:$0x3FAD]  }
0x2f: {  	lr =	sadd.s32 s0, s3;
	s0 =	sld [smem:$0x3FA4]  }
0x30: {  	s3 =	sld [smem:$0x3FA7]  }
0x31: {  	[smem:$0x3FB0] =	sst s10  }
0x32: {  	s10 =	sld [smem:$0x3FAE];
	_ =	sdelay $0x3  }
0x33: {  	p0 =	seq.s32 s10, $0x1;
	s10 =	sld [smem:$0x3FB0];
	_ =	sdelay $0x3  }
0x34: {  	[smem:$0x3FB0] =	sst s10  }
0x35: {  	s10 =	sld [smem:$0x3FAF];
	_ =	sdelay $0x3  }
0x36: {  	p1 =	seq.s32 s10, $0x1;
	s10 =	sld [smem:$0x3FB0];
	_ =	sdelay $0x3  }
0x37: {  	[smem:$0x3FB0] =	sst s10  }
0x38: {  	s10 =	sld [smem:$0x3FB1]  }
0x39: {  	_ = 	snop;
	(pc) =	sbr.ind lr, $3  }
0x3a: {  	_ = 	snop  }
0x3b: {  	_ = 	snop  }
0x3c: {  	p2 =	seq.s32 s10, $0x1;
	s10 =	sld [smem:$0x3FB0]  }
0x3d: {  	_ =	shalt  }
0x3e: {  	_ =	shalt  }
0x3f: {  	_ =	shalt  }
0x40: {  	_ =	shalt  }
0x41: {  	_ =	shalt  }
0x42: {  	_ =	shalt  }
0x43: {  	_ =	shalt  }
0x44: {  	_ =	shalt  }
0x45: {  	_ =	shalt  }
0x46: {  	_ =	shalt  }
0x47: {  	_ =	shalt  }
0x48: {  	_ =	shalt  }
0x49: {  	_ =	shalt  }
0x4a: {  	_ =	shalt  }
0x4b: {  	_ =	shalt  }
0x4c: {  	_ =	shalt  }
0x4d: {  	_ =	shalt  }
0x4e: {  	_ =	shalt  }
0x4f: {  	_ =	shalt  }
0x50: {  	_ =	shalt  }
0x51: {  	_ =	shalt  }
0x52: {  	_ =	shalt  }
0x53: {  	_ =	shalt  }
0x54: {  	_ =	shalt  }
0x55: {  	_ =	shalt  }
0x56: {  	_ =	shalt  }
0x57: {  	_ =	shalt  }
0x58: {  	_ =	shalt  }
0x59: {  	_ =	shalt  }
0x5a: {  	_ =	shalt  }
0x5b: {  	_ =	shalt  }
0x5c: {  	_ =	shalt  }
0x5d: {  	_ =	shalt  }
0x5e: {  	_ =	shalt  }
0x5f: {  	_ =	shalt  }
0x60: {  	_ =	shalt  }
0x61: {  	_ =	shalt  }
0x62: {  	_ =	shalt  }
0x63: {  	_ =	shalt  }
0x64: {  	_ =	shalt  }
0x65: {  	_ =	shalt  }
0x66: {  	_ =	shalt  }
0x67: {  	_ =	shalt  }
0x68: {  	_ =	shalt  }
0x69: {  	_ =	shalt  }
0x6a: {  	_ =	shalt  }
0x6b: {  	_ =	shalt  }
0x6c: {  	_ =	shalt  }
0x6d: {  	_ =	shalt  }
0x6e: {  	_ =	shalt  }
0x6f: {  	_ =	shalt  }
0x70: {  	_ =	shalt  }
0x71: {  	_ =	shalt  }
0x72: {  	_ =	shalt  }
0x73: {  	_ =	shalt  }
0x74: {  	_ =	shalt  }
0x75: {  	_ =	shalt  }
0x76: {  	_ =	shalt  }
0x77: {  	_ =	shalt  }
0x78: {  	_ =	shalt  }
0x79: {  	_ =	shalt  }
0x7a: {  	_ =	shalt  }
0x7b: {  	_ =	shalt  }
0x7c: {  	_ =	shalt  }
0x7d: {  	_ =	shalt  }
0x7e: {  	_ =	shalt  }
0x7f: {  	_ =	shalt  }
0x80: {  	_ =	shalt  }
0x81: {  	_ =	shalt  }
0x82: {  	_ =	shalt  }
0x83: {  	_ =	shalt  }
0x84: {  	_ =	shalt  }
0x85: {  	_ =	shalt  }
0x86: {  	_ =	shalt  }
0x87: {  	_ =	shalt  }
.Lfunc_end0:
.L_simem_size_0:
called_computation_lowered:
.L_overlay_start_0:
0x88: {  	s2 =	sld [smem:$0x3FD9]  }
0x89: {  	s3 =	sld [smem:$0x3FFE];
	_ =	sdelay $0x1  }
0x8a: {  	s1 =	srdreg.scid  }
0x8b: {  	s0 =	sand.u32 $0x1, s1  }
0x8c: {  	s17 =	sshll.u32 s0, $0xA;
	s2 =	sadd.s32 s3, s2  }
0x8d: {  	s2 =	sadd.s32 s2, s17  }
0x8e: {  	[smem:$0x3FBC] =	sst s2  }
0x8f: {  	_ = 	snop  }
0x90: {  	s2 =	sld [smem:$0x3FD0];
	(tm) =	ssettm $0x1  }
0x91: {  	s18 =	sld [smem:$0x3FFB];
	_ =	sdelay $0x3  }
0x92: {  	_ =	strace s18  }
0x93: {  	s3 =	sld [smem:$0x3FFC];
	_ =	sdelay $0x3  }
0x94: {  	_ =	strace s3  }
0x95: {  	s3 =	sld [smem:$0x3FFD];
	_ =	sdelay $0x3  }
0x96: {  	_ =	strace s3  }
0x97: {  	_ =	strace $0x8FFFFFFF  }
0x98: {  	s19 =	sld [smem:$0x3FDB];
	_ =	sdelay $0x1  }
0x99: {  	s4 =	simm.s32 $_scs_section_size  }
0x9a: {  	s5 =	simm.s32 $_size__tile_overlayer_lowered;
	s6 =	simm.s32 $_tile_overlayer_lowered  }
0x9b: {  	s22 =	simm.s32 $0x1BFF;
	s21 =	sshll.u32 s6, $0x1;
	s3 =	sadd.s32 s4, s19  }
0x9c: {  	s7 =	simm.s32 $0x0;
	s20 =	sshll.u32 s5, $0x1;
	s5 =	sadd.s32 s21, s3  }
0x9d: {  	[timem:s7], [sflag:s22] =	dma.local [hbm:s5], s20  }
0x9e: {  	_ =	swait.ge [sflag:s22], s20  }
0x9f: {  	s4 =	ssub.s32 $0x0, s20;
	[sflag:s22] =	ssyncset.done $0x0  }
0xa0: {  	[sflag:s22] =	ssyncadd.s32 s4;
	_ =	sdelay $0x1  }
0xa1: {  	s23 =	simm.s32 $0x1B8B  }
0xa2: {  	_ =	swait.ge [sflag:s23], $0x1  }
0xa3: {  	[sflag:s23] =	ssyncset.done $0x0  }
0xa4: {  	s25 =	simm.s32 $0x1B8E;
	s24 =	sld [smem:$0x3FFE];
	[sflag:s23] =	ssyncadd.s32 $0xFFFFFFFF  }
0xa5: {  	s26 =	simm.s32 $execute0_lowered;
	[smem:$0x3FD2] =	sst s25  }
0xa6: {  	s5 =	sshll.u32 s26, $0x1;
	_ =	strace $0x80000046;
	[dreg:$0x1] =	wrdreg $0xFFFFFFFF  }
0xa7: {  	s28 =	simm.s32 $_size_execute0_lowered;
	s3 =	sadd.s32 s3, s5;
	[dreg:$0x0] =	wrdreg $0x0  }
0xa8: {  	s5 =	sshll.u32 s28, $0x1;
	[dreg:$0x2] =	wrdreg s3  }
0xa9: {  	[dreg:$0x3] =	wrdreg s5  }
0xaa: {  	[dreg:$0x4] =	wrdreg $0xC0  }
0xab: {  	_ =	task [dreg:s7], $0x5FFFF  }
0xac: {  	[dreg:$0x1] =	wrdreg $0xFFFFFFFF  }
0xad: {  	[dreg:$0x0] =	wrdreg $0x60  }
0xae: {  	[dreg:$0x2] =	wrdreg s2  }
0xaf: {  	[dreg:$0x3] =	wrdreg s24  }
0xb0: {  	[dreg:$0x4] =	wrdreg $0x9  }
0xb1: {  	_ =	task.clear_ibuf [dreg:s7], $0x5FFFF;
	_ =	strace $0x90000046  }
0xb2: {  	s29 =	simm.s32 $0x9;
	_ =	strace $0x80000048  }
0xb3: {  	_ =	swait.ge [sflag:s29], $0x1  }
0xb4: {  	[sflag:s29] =	ssyncadd.s32 $0xFFFFFFFF  }
0xb5: {  	_ =	strace $0x90000048  }
0xb6: {  	_ =	sfence  }
0xb7: {  	s30 =	sld [smem:$0x0];
	_ =	sdelay $0x2  }
0xb8: {  	s31 =	sshll.u32 s1, $0xD;
	s1 =	sshrl.u32 s1, $0x2  }
0xb9: {  	s3 =	sand.u32 $0x4000, s31;
	s1 =	sadd.s32 s1, s30  }
0xba: {  	s0 =	sor.u32 s3, s0;
	s1 =	sshll.u32 s1, $0x11  }
0xbb: {  	s0 =	sor.u32 s1, s0  }
0xbc: {  	s0 =	sadd.s32 $0x8F2B, s0  }
0xbd: {  	[sflag:s0] =	ssyncadd.remote.s32 $0x1  }
0xbe: {  	_ =	sfence.sel $0xFFFF  }
0xbf: {  	[dreg:$0x0] =	wrdreg $0xFFFFFFFF;
	(pc) =	sbr.abs _section_cstart, $3  }
0xc0: {  	[dreg:$0x1] =	wrdreg $0xFFFFFFFF  }
0xc1: {  	_ =	task.clear_ibuf [dreg:s7], $0x2FFFF;
	_ =	strace $0x9FFFFFFF  }
0xc2: {  	(tm) =	ssettm $0x7FFFFFFF  }
0xc3: {  	_ =	shalt  }
tec
execute0_lowered:
.L_overlay_start_1:
0x0: {  	(tag) =	ssettag $0x1  }
0x1: {  	s0 =	srdreg.scid  }
0x2: {  	s1 =	rddreg [dreg:$0x0];
	s2 =	stileid.u32  }
0x3: {  	s6 =	rddreg [dreg:$0x1];
	s26 =	simm.s32 $0x80;
	s18 =	simm.s32 $0x100  }
0x4: {  	s22 =	simm.s32 $0x1900;
	s23 =	simm.s32 $0x2100;
	s24 =	simm.s32 $0x2900  }
0x5: {  	s25 =	simm.s32 $0x3100;
	s28 =	simm.s32 $0x4100;
	s29 =	simm.s32 $0x4900  }
0x6: {  	s30 =	simm.s32 $0x5100;
	s31 =	simm.s32 $0x5900;
	s10 =	simm.s32 $0x7100  }
0x7: {  	s11 =	simm.s32 $0x7900;
	s12 =	simm.s32 $0x8100;
	s13 =	simm.s32 $0x8900  }
0x8: {  	s14 =	simm.s32 $0x9100;
	s15 =	simm.s32 $0x9900;
	s16 =	simm.s32 $0xA100  }
0x9: {  	s17 =	simm.s32 $0xA900;
	s9 =	simm.s32 $0xB100;
	s19 =	simm.s32 $0xB900  }
0xa: {  	s0 =	sand.u32 $0x1, s0;
	s3 =	sshll.u32 s2, $0x7;
	s2 =	simm.s32 $0x0  }
0xb: {  	s4 =	sshll.u32 s0, $0x6;
	[smem:$0x7FF] =	sst s2;
	s0 =	ssub.s32 $0x2, s0  }
0xc: {  	s4 =	sor.u32 s4, s3;
	_ =	strace $0x80000047;
	s7 =	sshrl.u32 s0, $0x1  }
0xd: {  	[dreg:$0x6] =	wrdreg s26;
	s3 =	sshrl.u32 s4, $0x3;
	s4 =	sshll.u32 s4, $0x7  }
0xe: {  	s26 =	simm.s32 $0x3900;
	s5 =	sadd.s32 s3, s6;
	s1 =	sadd.s32 s1, s4  }
0xf: {  	s0 =	ssub.s32 s0, s7;
	s8 =	sadd.s32 $0x2C00, s5;
	[dreg:$0x5] =	wrdreg s1  }
0x10: {  	v2 =	vlaneseq.u32;
	s3 =	sadd.s32 $0x2E00, s6;
	s5 =	sadd.s32 $0x2A00, s5;
	[dreg:$0x3] =	wrdreg s8  }
0x11: {  	vm0 =	vmmov $0xffff;
	v1 =	vshrl.u32 v2, $0x3;
	s4 =	sadd.s32 $0x2F00, s6;
	s7 =	smax.u32 s0, $0x1;
	[dreg:$0x4] =	wrdreg s5  }
0x12: {  	v0 =	vand.u32 $0x7, v2;
	v2 =	vor.u32 $0x8, v2;
	v1 =	vmul.u32 $0x8, v1;
	s5 =	sadd.s32 $0x3000, s6;
	s6 =	sadd.s32 $0x3100, s6;
	s8 =	simm.s32 $0x3  }
.LBB2_1:
0x13: {  	s20 =	rddreg [dreg:$0x3]  }
0x14: {  	[tilespmem:s2], [sflag:$0x3] =	stream.linear.gather [hbm4b:s20+s2], $0x40, $0x38;
	[tilespmem:$0x10100] =	vst v63  }
0x15: {  	_ =	swait.ge [sflag:s8], $0x40  }
0x16: {  	s0 =	rddreg [dreg:$0x4];
	[sflag:s8] =	ssyncset.done $0x0  }
0x17: {  	s21 =	rddreg [dreg:$0x6];
	[sflag:s8] =	ssyncadd.s32 $0xFFFFFFC0  }
0x18: {  	[tilespmem:s21], [sflag:$0x3] =	stream.linear.gather [hbm4b:s0+s2], $0x40, $0x38;
	[tilespmem:$0x10100] =	vst v63  }
0x19: {  	_ =	swait.ge [sflag:s8], $0x40  }
0x1a: {  	[sflag:s8] =	ssyncset.done $0x0  }
0x1b: {  	s1 =	rddreg [dreg:$0x5];
	[sflag:s8] =	ssyncadd.s32 $0xFFFFFFC0  }
0x1c: {  	[tilespmem:s18], [sflag:$0x3] =	stream.linear.gather [hbm4b:s1+s2], $0x10000, $0x38;
	[tilespmem:$0x10100] =	vst v63  }
0x1d: {  	_ =	swait.ge [sflag:s8], $0x10000  }
0x1e: {  	[sflag:s8] =	ssyncset.done $0x0  }
0x1f: {  	[sflag:s8] =	ssyncadd.s32 $0xFFFF0000  }
0x20: {  	v3 =	vld [tilespmem:$0x0];
	_ =	sdelay $0x4  }
0x21: {  	v4 =	vshll.u32 v3, $0x3  }
0x22: {  	v3 =	vand.u32 $0x7, v3;
	v4 =	vand.u32 $0xFFFFFFC0, v4  }
0x23: {  	v3 =	vor.u32 v3, v4  }
0x24: {  	v4 =	vperm.xlane v3, v0;
	_ =	sdelay $0x1  }
0x25: {  	v4 =	vadd.s32 v1, v4;
	_ =	sdelay $0x4  }
0x26: {  	[hbm4b:s3+s2] =	stream.indirect_vreg.scatter [tilespmem:s18], [sflag:$0x1], $0x80, v4, vm0, $0xb8;
	[tilespmem:$0x10100] =	vst v63  }
0x27: {  	s20 =	simm.s32 $0x900;
	v3 =	vperm.xlane v3, v2  }
0x28: {  	[hbm4b:s4+s2] =	stream.indirect_vreg.scatter [tilespmem:s20], [sflag:$0x1], $0x80, v4, vm0, $0xb8;
	[tilespmem:$0x10100] =	vst v63  }
0x29: {  	s21 =	simm.s32 $0x1100;
	v3 =	vadd.s32 v1, v3  }
0x2a: {  	[hbm4b:s5+s2] =	stream.indirect_vreg.scatter [tilespmem:s21], [sflag:$0x1], $0x80, v4, vm0, $0xb8;
	[tilespmem:$0x10100] =	vst v63  }
0x2b: {  	_ = 	snop  }
0x2c: {  	[hbm4b:s6+s2] =	stream.indirect_vreg.scatter [tilespmem:s22], [sflag:$0x1], $0x80, v4, vm0, $0xb8;
	[tilespmem:$0x10100] =	vst v63  }
0x2d: {  	_ = 	snop  }
0x2e: {  	[hbm4b:s3+s2] =	stream.indirect_vreg.scatter [tilespmem:s23], [sflag:$0x1], $0x80, v3, vm0, $0xb8;
	[tilespmem:$0x10100] =	vst v63  }
0x2f: {  	_ = 	snop  }
0x30: {  	[hbm4b:s4+s2] =	stream.indirect_vreg.scatter [tilespmem:s24], [sflag:$0x1], $0x80, v3, vm0, $0xb8;
	[tilespmem:$0x10100] =	vst v63  }
0x31: {  	_ = 	snop  }
0x32: {  	[hbm4b:s5+s2] =	stream.indirect_vreg.scatter [tilespmem:s25], [sflag:$0x1], $0x80, v3, vm0, $0xb8;
	[tilespmem:$0x10100] =	vst v63  }
0x33: {  	_ = 	snop  }
0x34: {  	[hbm4b:s6+s2] =	stream.indirect_vreg.scatter [tilespmem:s26], [sflag:$0x1], $0x80, v3, vm0, $0xb8;
	[tilespmem:$0x10100] =	vst v63  }
0x35: {  	v3 =	vld [tilespmem:$0x10];
	_ =	sdelay $0x4  }
0x36: {  	v57 =	vshll.u32 v3, $0x3  }
0x37: {  	v3 =	vand.u32 $0x7, v3;
	v4 =	vand.u32 $0xFFFFFFC0, v57  }
0x38: {  	v3 =	vor.u32 v3, v4  }
0x39: {  	v4 =	vperm.xlane v3, v0;
	_ =	sdelay $0x1  }
0x3a: {  	v4 =	vadd.s32 v1, v4;
	_ =	sdelay $0x4  }
0x3b: {  	[hbm4b:s3+s2] =	stream.indirect_vreg.scatter [tilespmem:s28], [sflag:$0x1], $0x80, v4, vm0, $0xb8;
	[tilespmem:$0x10100] =	vst v63  }
0x3c: {  	v3 =	vperm.xlane v3, v2  }
0x3d: {  	[hbm4b:s4+s2] =	stream.indirect_vreg.scatter [tilespmem:s29], [sflag:$0x1], $0x80, v4, vm0, $0xb8;
	[tilespmem:$0x10100] =	vst v63  }
0x3e: {  	v3 =	vadd.s32 v1, v3  }
0x3f: {  	[hbm4b:s5+s2] =	stream.indirect_vreg.scatter [tilespmem:s30], [sflag:$0x1], $0x80, v4, vm0, $0xb8;
	[tilespmem:$0x10100] =	vst v63  }
0x40: {  	_ = 	snop  }
0x41: {  	[hbm4b:s6+s2] =	stream.indirect_vreg.scatter [tilespmem:s31], [sflag:$0x1], $0x80, v4, vm0, $0xb8;
	[tilespmem:$0x10100] =	vst v63  }
0x42: {  	s1 =	simm.s32 $0x6100  }
0x43: {  	[hbm4b:s3+s2] =	stream.indirect_vreg.scatter [tilespmem:s1], [sflag:$0x1], $0x80, v3, vm0, $0xb8;
	[tilespmem:$0x10100] =	vst v63  }
0x44: {  	s0 =	simm.s32 $0x6900  }
0x45: {  	[hbm4b:s4+s2] =	stream.indirect_vreg.scatter [tilespmem:s0], [sflag:$0x1], $0x80, v3, vm0, $0xb8;
	[tilespmem:$0x10100] =	vst v63  }
0x46: {  	_ = 	snop  }
0x47: {  	[hbm4b:s5+s2] =	stream.indirect_vreg.scatter [tilespmem:s10], [sflag:$0x1], $0x80, v3, vm0, $0xb8;
	[tilespmem:$0x10100] =	vst v63  }
0x48: {  	_ = 	snop  }
0x49: {  	[hbm4b:s6+s2] =	stream.indirect_vreg.scatter [tilespmem:s11], [sflag:$0x1], $0x80, v3, vm0, $0xb8;
	[tilespmem:$0x10100] =	vst v63  }
0x4a: {  	v3 =	vld [tilespmem:$0x20];
	_ =	sdelay $0x4  }
0x4b: {  	v58 =	vshll.u32 v3, $0x3  }
0x4c: {  	v3 =	vand.u32 $0x7, v3;
	v4 =	vand.u32 $0xFFFFFFC0, v58  }
0x4d: {  	v3 =	vor.u32 v3, v4  }
0x4e: {  	v4 =	vperm.xlane v3, v0;
	_ =	sdelay $0x1  }
0x4f: {  	v4 =	vadd.s32 v1, v4;
	_ =	sdelay $0x4  }
0x50: {  	[hbm4b:s3+s2] =	stream.indirect_vreg.scatter [tilespmem:s12], [sflag:$0x1], $0x80, v4, vm0, $0xb8;
	[tilespmem:$0x10100] =	vst v63  }
0x51: {  	v3 =	vperm.xlane v3, v2  }
0x52: {  	[hbm4b:s4+s2] =	stream.indirect_vreg.scatter [tilespmem:s13], [sflag:$0x1], $0x80, v4, vm0, $0xb8;
	[tilespmem:$0x10100] =	vst v63  }
0x53: {  	v3 =	vadd.s32 v1, v3  }
0x54: {  	[hbm4b:s5+s2] =	stream.indirect_vreg.scatter [tilespmem:s14], [sflag:$0x1], $0x80, v4, vm0, $0xb8;
	[tilespmem:$0x10100] =	vst v63  }
0x55: {  	_ = 	snop  }
0x56: {  	[hbm4b:s6+s2] =	stream.indirect_vreg.scatter [tilespmem:s15], [sflag:$0x1], $0x80, v4, vm0, $0xb8;
	[tilespmem:$0x10100] =	vst v63  }
0x57: {  	_ = 	snop  }
0x58: {  	[hbm4b:s3+s2] =	stream.indirect_vreg.scatter [tilespmem:s16], [sflag:$0x1], $0x80, v3, vm0, $0xb8;
	[tilespmem:$0x10100] =	vst v63  }
0x59: {  	_ = 	snop  }
0x5a: {  	[hbm4b:s4+s2] =	stream.indirect_vreg.scatter [tilespmem:s17], [sflag:$0x1], $0x80, v3, vm0, $0xb8;
	[tilespmem:$0x10100] =	vst v63  }
0x5b: {  	_ = 	snop  }
0x5c: {  	[hbm4b:s5+s2] =	stream.indirect_vreg.scatter [tilespmem:s9], [sflag:$0x1], $0x80, v3, vm0, $0xb8;
	[tilespmem:$0x10100] =	vst v63  }
0x5d: {  	_ = 	snop  }
0x5e: {  	[hbm4b:s6+s2] =	stream.indirect_vreg.scatter [tilespmem:s19], [sflag:$0x1], $0x80, v3, vm0, $0xb8;
	[tilespmem:$0x10100] =	vst v63  }
0x5f: {  	v3 =	vld [tilespmem:$0x30];
	_ =	sdelay $0x4  }
0x60: {  	v59 =	vshll.u32 v3, $0x3  }
0x61: {  	v3 =	vand.u32 $0x7, v3;
	v4 =	vand.u32 $0xFFFFFFC0, v59  }
0x62: {  	v3 =	vor.u32 v3, v4  }
0x63: {  	v4 =	vperm.xlane v3, v0;
	_ =	sdelay $0x1  }
0x64: {  	v4 =	vadd.s32 v1, v4;
	_ =	sdelay $0x3  }
0x65: {  	s0 =	simm.s32 $0xC100  }
0x66: {  	[hbm4b:s3+s2] =	stream.indirect_vreg.scatter [tilespmem:s0], [sflag:$0x1], $0x80, v4, vm0, $0xb8;
	[tilespmem:$0x10100] =	vst v63  }
0x67: {  	v3 =	vperm.xlane v3, v2;
	s0 =	simm.s32 $0xC900  }
0x68: {  	[hbm4b:s4+s2] =	stream.indirect_vreg.scatter [tilespmem:s0], [sflag:$0x1], $0x80, v4, vm0, $0xb8;
	[tilespmem:$0x10100] =	vst v63  }
0x69: {  	v3 =	vadd.s32 v1, v3;
	s0 =	simm.s32 $0xD100  }
0x6a: {  	[hbm4b:s5+s2] =	stream.indirect_vreg.scatter [tilespmem:s0], [sflag:$0x1], $0x80, v4, vm0, $0xb8;
	[tilespmem:$0x10100] =	vst v63  }
0x6b: {  	s0 =	simm.s32 $0xD900  }
0x6c: {  	[hbm4b:s6+s2] =	stream.indirect_vreg.scatter [tilespmem:s0], [sflag:$0x1], $0x80, v4, vm0, $0xb8;
	[tilespmem:$0x10100] =	vst v63  }
0x6d: {  	s0 =	simm.s32 $0xE100  }
0x6e: {  	[hbm4b:s3+s2] =	stream.indirect_vreg.scatter [tilespmem:s0], [sflag:$0x1], $0x80, v3, vm0, $0xb8;
	[tilespmem:$0x10100] =	vst v63  }
0x6f: {  	s0 =	simm.s32 $0xE900  }
0x70: {  	[hbm4b:s4+s2] =	stream.indirect_vreg.scatter [tilespmem:s0], [sflag:$0x1], $0x80, v3, vm0, $0xb8;
	[tilespmem:$0x10100] =	vst v63  }
0x71: {  	s0 =	simm.s32 $0xF100  }
0x72: {  	[hbm4b:s5+s2] =	stream.indirect_vreg.scatter [tilespmem:s0], [sflag:$0x1], $0x80, v3, vm0, $0xb8;
	[tilespmem:$0x10100] =	vst v63  }
0x73: {  	s0 =	simm.s32 $0xF900  }
0x74: {  	[hbm4b:s6+s2] =	stream.indirect_vreg.scatter [tilespmem:s0], [sflag:$0x1], $0x80, v3, vm0, $0xb8;
	[tilespmem:$0x10100] =	vst v63  }
0x75: {  	v3 =	vld [tilespmem:$0x80];
	_ =	sdelay $0x4  }
0x76: {  	v60 =	vshll.u32 v3, $0x3  }
0x77: {  	v3 =	vand.u32 $0x7, v3;
	v4 =	vand.u32 $0xFFFFFFC0, v60  }
0x78: {  	v3 =	vor.u32 v3, v4  }
0x79: {  	v4 =	vperm.xlane v3, v0;
	_ =	sdelay $0x1  }
0x7a: {  	v4 =	vadd.s32 v1, v4;
	_ =	sdelay $0x4  }
0x7b: {  	[hbm4b:s3+s2] =	stream.indirect_vreg.scatter [tilespmem:s18], [sflag:$0x2], $0x80, v4, vm0, $0xb8;
	[tilespmem:$0x10100] =	vst v63  }
0x7c: {  	v3 =	vperm.xlane v3, v2  }
0x7d: {  	[hbm4b:s4+s2] =	stream.indirect_vreg.scatter [tilespmem:s20], [sflag:$0x2], $0x80, v4, vm0, $0xb8;
	[tilespmem:$0x10100] =	vst v63  }
0x7e: {  	v3 =	vadd.s32 v1, v3  }
0x7f: {  	[hbm4b:s5+s2] =	stream.indirect_vreg.scatter [tilespmem:s21], [sflag:$0x2], $0x80, v4, vm0, $0xb8;
	[tilespmem:$0x10100] =	vst v63  }
0x80: {  	_ = 	snop  }
0x81: {  	[hbm4b:s6+s2] =	stream.indirect_vreg.scatter [tilespmem:s22], [sflag:$0x2], $0x80, v4, vm0, $0xb8;
	[tilespmem:$0x10100] =	vst v63  }
0x82: {  	_ = 	snop  }
0x83: {  	[hbm4b:s3+s2] =	stream.indirect_vreg.scatter [tilespmem:s23], [sflag:$0x2], $0x80, v3, vm0, $0xb8;
	[tilespmem:$0x10100] =	vst v63  }
0x84: {  	_ = 	snop  }
0x85: {  	[hbm4b:s4+s2] =	stream.indirect_vreg.scatter [tilespmem:s24], [sflag:$0x2], $0x80, v3, vm0, $0xb8;
	[tilespmem:$0x10100] =	vst v63  }
0x86: {  	_ = 	snop  }
0x87: {  	[hbm4b:s5+s2] =	stream.indirect_vreg.scatter [tilespmem:s25], [sflag:$0x2], $0x80, v3, vm0, $0xb8;
	[tilespmem:$0x10100] =	vst v63  }
0x88: {  	_ = 	snop  }
0x89: {  	[hbm4b:s6+s2] =	stream.indirect_vreg.scatter [tilespmem:s26], [sflag:$0x2], $0x80, v3, vm0, $0xb8;
	[tilespmem:$0x10100] =	vst v63  }
0x8a: {  	v3 =	vld [tilespmem:$0x90];
	_ =	sdelay $0x4  }
0x8b: {  	v61 =	vshll.u32 v3, $0x3  }
0x8c: {  	v3 =	vand.u32 $0x7, v3;
	v4 =	vand.u32 $0xFFFFFFC0, v61  }
0x8d: {  	v3 =	vor.u32 v3, v4  }
0x8e: {  	v4 =	vperm.xlane v3, v0;
	_ =	sdelay $0x1  }
0x8f: {  	v4 =	vadd.s32 v1, v4;
	_ =	sdelay $0x4  }
0x90: {  	[hbm4b:s3+s2] =	stream.indirect_vreg.scatter [tilespmem:s28], [sflag:$0x2], $0x80, v4, vm0, $0xb8;
	[tilespmem:$0x10100] =	vst v63  }
0x91: {  	v3 =	vperm.xlane v3, v2  }
0x92: {  	[hbm4b:s4+s2] =	stream.indirect_vreg.scatter [tilespmem:s29], [sflag:$0x2], $0x80, v4, vm0, $0xb8;
	[tilespmem:$0x10100] =	vst v63  }
0x93: {  	v3 =	vadd.s32 v1, v3  }
0x94: {  	[hbm4b:s5+s2] =	stream.indirect_vreg.scatter [tilespmem:s30], [sflag:$0x2], $0x80, v4, vm0, $0xb8;
	[tilespmem:$0x10100] =	vst v63  }
0x95: {  	_ = 	snop  }
0x96: {  	[hbm4b:s6+s2] =	stream.indirect_vreg.scatter [tilespmem:s31], [sflag:$0x2], $0x80, v4, vm0, $0xb8;
	[tilespmem:$0x10100] =	vst v63  }
0x97: {  	_ = 	snop  }
0x98: {  	[hbm4b:s3+s2] =	stream.indirect_vreg.scatter [tilespmem:s1], [sflag:$0x2], $0x80, v3, vm0, $0xb8;
	[tilespmem:$0x10100] =	vst v63  }
0x99: {  	s20 =	simm.s32 $0x6900  }
0x9a: {  	[hbm4b:s4+s2] =	stream.indirect_vreg.scatter [tilespmem:s20], [sflag:$0x2], $0x80, v3, vm0, $0xb8;
	[tilespmem:$0x10100] =	vst v63  }
0x9b: {  	_ = 	snop  }
0x9c: {  	[hbm4b:s5+s2] =	stream.indirect_vreg.scatter [tilespmem:s10], [sflag:$0x2], $0x80, v3, vm0, $0xb8;
	[tilespmem:$0x10100] =	vst v63  }
0x9d: {  	_ = 	snop  }
0x9e: {  	[hbm4b:s6+s2] =	stream.indirect_vreg.scatter [tilespmem:s11], [sflag:$0x2], $0x80, v3, vm0, $0xb8;
	[tilespmem:$0x10100] =	vst v63  }
0x9f: {  	v3 =	vld [tilespmem:$0xA0];
	_ =	sdelay $0x4  }
0xa0: {  	v62 =	vshll.u32 v3, $0x3  }
0xa1: {  	v3 =	vand.u32 $0x7, v3;
	v4 =	vand.u32 $0xFFFFFFC0, v62  }
0xa2: {  	v3 =	vor.u32 v3, v4  }
0xa3: {  	v4 =	vperm.xlane v3, v0;
	_ =	sdelay $0x1  }
0xa4: {  	v4 =	vadd.s32 v1, v4;
	_ =	sdelay $0x4  }
0xa5: {  	[hbm4b:s3+s2] =	stream.indirect_vreg.scatter [tilespmem:s12], [sflag:$0x2], $0x80, v4, vm0, $0xb8;
	[tilespmem:$0x10100] =	vst v63  }
0xa6: {  	v3 =	vperm.xlane v3, v2  }
0xa7: {  	[hbm4b:s4+s2] =	stream.indirect_vreg.scatter [tilespmem:s13], [sflag:$0x2], $0x80, v4, vm0, $0xb8;
	[tilespmem:$0x10100] =	vst v63  }
0xa8: {  	v3 =	vadd.s32 v1, v3  }
0xa9: {  	[hbm4b:s5+s2] =	stream.indirect_vreg.scatter [tilespmem:s14], [sflag:$0x2], $0x80, v4, vm0, $0xb8;
	[tilespmem:$0x10100] =	vst v63  }
0xaa: {  	_ = 	snop  }
0xab: {  	[hbm4b:s6+s2] =	stream.indirect_vreg.scatter [tilespmem:s15], [sflag:$0x2], $0x80, v4, vm0, $0xb8;
	[tilespmem:$0x10100] =	vst v63  }
0xac: {  	_ = 	snop  }
0xad: {  	[hbm4b:s3+s2] =	stream.indirect_vreg.scatter [tilespmem:s16], [sflag:$0x2], $0x80, v3, vm0, $0xb8;
	[tilespmem:$0x10100] =	vst v63  }
0xae: {  	_ = 	snop  }
0xaf: {  	[hbm4b:s4+s2] =	stream.indirect_vreg.scatter [tilespmem:s17], [sflag:$0x2], $0x80, v3, vm0, $0xb8;
	[tilespmem:$0x10100] =	vst v63  }
0xb0: {  	_ = 	snop  }
0xb1: {  	[hbm4b:s5+s2] =	stream.indirect_vreg.scatter [tilespmem:s9], [sflag:$0x2], $0x80, v3, vm0, $0xb8;
	[tilespmem:$0x10100] =	vst v63  }
0xb2: {  	_ = 	snop  }
0xb3: {  	[hbm4b:s6+s2] =	stream.indirect_vreg.scatter [tilespmem:s19], [sflag:$0x2], $0x80, v3, vm0, $0xb8;
	[tilespmem:$0x10100] =	vst v63  }
0xb4: {  	v3 =	vld [tilespmem:$0xB0];
	_ =	sdelay $0x4  }
0xb5: {  	v63 =	vshll.u32 v3, $0x3  }
0xb6: {  	v3 =	vand.u32 $0x7, v3;
	v4 =	vand.u32 $0xFFFFFFC0, v63  }
0xb7: {  	v3 =	vor.u32 v3, v4  }
0xb8: {  	v4 =	vperm.xlane v3, v0;
	_ =	sdelay $0x1  }
0xb9: {  	v4 =	vadd.s32 v1, v4;
	_ =	sdelay $0x3  }
0xba: {  	s21 =	simm.s32 $0xC100  }
0xbb: {  	[hbm4b:s3+s2] =	stream.indirect_vreg.scatter [tilespmem:s21], [sflag:$0x2], $0x80, v4, vm0, $0xb8;
	[tilespmem:$0x10100] =	vst v63  }
0xbc: {  	s20 =	simm.s32 $0xC900;
	v3 =	vperm.xlane v3, v2  }
0xbd: {  	[hbm4b:s4+s2] =	stream.indirect_vreg.scatter [tilespmem:s20], [sflag:$0x2], $0x80, v4, vm0, $0xb8;
	[tilespmem:$0x10100] =	vst v63  }
0xbe: {  	v3 =	vadd.s32 v1, v3;
	s21 =	simm.s32 $0xD100  }
0xbf: {  	[hbm4b:s5+s2] =	stream.indirect_vreg.scatter [tilespmem:s21], [sflag:$0x2], $0x80, v4, vm0, $0xb8;
	[tilespmem:$0x10100] =	vst v63  }
0xc0: {  	s20 =	simm.s32 $0xD900  }
0xc1: {  	[hbm4b:s6+s2] =	stream.indirect_vreg.scatter [tilespmem:s20], [sflag:$0x2], $0x80, v4, vm0, $0xb8;
	[tilespmem:$0x10100] =	vst v63  }
0xc2: {  	s21 =	simm.s32 $0xE100  }
0xc3: {  	[hbm4b:s3+s2] =	stream.indirect_vreg.scatter [tilespmem:s21], [sflag:$0x2], $0x80, v3, vm0, $0xb8;
	[tilespmem:$0x10100] =	vst v63  }
0xc4: {  	s20 =	simm.s32 $0xE900  }
0xc5: {  	[hbm4b:s4+s2] =	stream.indirect_vreg.scatter [tilespmem:s20], [sflag:$0x2], $0x80, v3, vm0, $0xb8;
	[tilespmem:$0x10100] =	vst v63  }
0xc6: {  	s21 =	simm.s32 $0xF100  }
0xc7: {  	[hbm4b:s5+s2] =	stream.indirect_vreg.scatter [tilespmem:s21], [sflag:$0x2], $0x80, v3, vm0, $0xb8;
	[tilespmem:$0x10100] =	vst v63  }
0xc8: {  	s20 =	simm.s32 $0x1  }
0xc9: {  	[hbm4b:s6+s2] =	stream.indirect_vreg.scatter [tilespmem:s0], [sflag:$0x2], $0x80, v3, vm0, $0xb8;
	[tilespmem:$0x10100] =	vst v63  }
0xca: {  	p0 =	sne.s32 s7, $0x1;
	_ =	swait.ge [sflag:s20], $0x10000  }
.Ltmp0:
0xcb: {  	[sflag:s20] =	ssyncset.done $0x0;
	(pc) =	sbr.rel @p0 .LBB2_1-.Ltmp0, $4  }
0xcc: {  	s21 =	simm.s32 $0x2;
	[sflag:s20] =	ssyncadd.s32 $0xFFFF0000  }
0xcd: {  	_ =	swait.ge [sflag:s21], $0x10000  }
0xce: {  	[sflag:s21] =	ssyncset.done $0x0  }
0xcf: {  	s7 =	sadd.s32 $0xFFFFFFFF, s7;
	[sflag:s21] =	ssyncadd.s32 $0xFFFF0000  }
0xd0: {  	_ =	sfence.sel $0x180000  }
0xd1: {  	[bflag:$0x0] =	sbarrier.arrive $0xFFFF  }
0xd2: {  	_ =	strace $0x90000047  }
0xd3: {  	s0 =	stileid.u32;
	[bflag:$0x2] =	sbarrier.arrive $0xFFFF  }
0xd4: {  	p0 =	sne.s32 s0, $0x0;
	s0 =	rddreg [dreg:$0x2]  }
0xd5: {  	s0 =	sadd.s32 @!p0 $0x100000, s0  }
0xd6: {  	[sflag:s0] =	ssyncadd.tile.s32 @!p0 $0x1;
	_ =	shalt  }
.Lfunc_end2:
_tile_overlayer_lowered:
.L_overlay_start_2:
0xd7: {  	(tag) =	ssettag $0x2  }
0xd8: {  	s0 =	rddreg [dreg:$0x0];
	s2 =	stileid.u32  }
0xd9: {  	s1 =	rddreg [dreg:$0x1];
	p0 =	sne.s32 s2, $0x0  }
0xda: {  	s3 =	rddreg [dreg:$0x2];
	[bflag:$0x3] =	sbarrier.arrive $0xFFFF;
	s2 =	simm.s32 @!p0 $0x1C03  }
0xdb: {  	[timem:s3], [sflag:s2] =	dma.local @!p0 [hbm:s0], s1  }
0xdc: {  	s0 =	simm.s32 @!p0 $0x3  }
0xdd: {  	_ =	swait.ge @!p0 [sflag:s0], s1  }
0xde: {  	s1 =	ssub.s32 @!p0 $0x0, s1;
	[sflag:s0] =	ssyncset.done @!p0 $0x0  }
0xdf: {  	[sflag:s0] =	ssyncadd.s32 @!p0 s1  }
0xe0: {  	[bflag:$0x3] =	sbarrier.arrive $0xFFFF  }
0xe1: {  	_ =	shalt  }

// kernel: kernel.14.cloned.1.call-start
scs
__scs_entry_jumppad:
0x0: {  	(pc) =	sbr.rel $0x88, $3  }
0x1: {  	(tag) =	ssettag $0x0;
	lr =	simm.s32 $0x1  }
0x2: {  	[smem:$0x3F95] =	sst lr;
	_ =	strace $0xD0000000  }
0x3: {  	_ = 	snop  }
0x4: {  	_ = 	snop  }
0x5: {  	_ = 	snop  }
0x6: {  	_ = 	snop  }
0x7: {  	_ = 	snop  }
__scs_overlays_trampoline_lowered:
0x8: {  	[smem:$0x3FA4] =	sst s0  }
0x9: {  	[smem:$0x3FA5] =	sst s1  }
0xa: {  	[smem:$0x3FA6] =	sst s2  }
0xb: {  	[smem:$0x3FA7] =	sst s3  }
0xc: {  	[smem:$0x3FA8] =	sst s4  }
0xd: {  	[smem:$0x3FA9] =	sst s5  }
0xe: {  	[smem:$0x3FAA] =	sst s6  }
0xf: {  	[smem:$0x3FAB] =	sst s7  }
0x10: {  	[smem:$0x3FAC] =	sst s8  }
0x11: {  	[smem:$0x3FAD] =	sst s9;
	s0 =	simm.s32 @!p0 $0x0  }
0x12: {  	s1 =	sld [smem:$0x3F93];
	s0 =	simm.s32 @p0 $0x1  }
0x13: {  	[smem:$0x3FAE] =	sst s0;
	s0 =	simm.s32 @!p1 $0x0  }
0x14: {  	s2 =	sld [smem:$0x3F92];
	s0 =	simm.s32 @p1 $0x1  }
0x15: {  	[smem:$0x3FAF] =	sst s0;
	s0 =	simm.s32 @!p2 $0x0  }
0x16: {  	s3 =	sld [smem:$0x3FDB];
	s0 =	simm.s32 @p2 $0x1  }
0x17: {  	s4 =	simm.s32 $0x1BF5;
	[smem:$0x3FB1] =	sst s0  }
0x18: {  	s0 =	sld [smem:$0x3F94];
	_ =	swait.ge [sflag:s4], $0x0  }
0x19: {  	s7 =	sld [smem:$0x3F95]  }
0x1a: {  	s8 =	sadd.s32 $0xFFFFE003, lr  }
0x1b: {  	s9 =	sadd.s32 $0xFFFFFEF7, lr;
	s5 =	simm.s32 $0xFFFFFFFF;
	p2 =	slt.u32 s8, $0xFFFFF086  }
0x1c: {  	p1 =	slt.u32 s9, $0xF7A;
	s5 =	simm.s32 @!p2 $0x0  }
0x1d: {  	s5 =	simm.s32 @p1 $0x1;
	p0 =	seq.s32 s7, s2  }
0x1e: {  	s7 =	smul.u32 @!p0 $0xF7A, s2;
	p2 =	seq.s32 @!p0 s5, $0x0  }
0x1f: {  	s9 =	smul.u32 $0xF7A, s1;
	s8 =	simm.s32 @!p0 $0x1BF5;
	p2 =	por !p2, p0  }
0x20: {  	[sflag:s8] =	ssyncset.s32 @!p0 $0xFFFFF086;
	s6 =	sadd.s32 @!p0 s3, s7;
	s7 =	simm.s32 @!p0 $0x108  }
0x21: {  	s3 =	sadd.s32 s3, s9;
	s6 =	sadd.s32 @!p0 $0x88, s6;
	s7 =	simm.s32 @p2 $0x1082  }
0x22: {  	[simem:s7], [sflag:s8] =	dma.local @!p0 [hbm:s6], $0xF7A  }
0x23: {  	s9 =	sor.u32 $0xD0000000, s2;
	s6 =	simm.s32 $0x108;
	_ =	swait.ge @!p0 [sflag:s8], $0x0  }
0x24: {  	s3 =	sadd.s32 $0x88, s3;
	s6 =	simm.s32 @!p1 $0x1082;
	[sflag:s4] =	ssyncset.s32 $0xFFFFF086  }
0x25: {  	[simem:s6], [sflag:s4] =	dma.local [hbm:s3], $0xF7A  }
0x26: {  	[smem:$0x3F95] =	sst s1;
	(tag) =	ssettag s2;
	_ =	strace s9  }
0x27: {  	s1 =	sld [smem:$0x3FA5]  }
0x28: {  	s2 =	sld [smem:$0x3FA6]  }
0x29: {  	s4 =	sld [smem:$0x3FA8]  }
0x2a: {  	p0 =	seq.s32 s5, $0x0;
	s5 =	sld [smem:$0x3FA9]  }
0x2b: {  	s6 =	sld [smem:$0x3FAA]  }
0x2c: {  	s7 =	sld [smem:$0x3FAB]  }
0x2d: {  	s3 =	simm.s32 $0x108;
	s8 =	sld [smem:$0x3FAC]  }
0x2e: {  	s3 =	simm.s32 @!p0 $0x1082;
	s9 =	sld [smem:$0x3FAD]  }
0x2f: {  	lr =	sadd.s32 s0, s3;
	s0 =	sld [smem:$0x3FA4]  }
0x30: {  	s3 =	sld [smem:$0x3FA7]  }
0x31: {  	[smem:$0x3FB0] =	sst s10  }
0x32: {  	s10 =	sld [smem:$0x3FAE];
	_ =	sdelay $0x3  }
0x33: {  	p0 =	seq.s32 s10, $0x1;
	s10 =	sld [smem:$0x3FB0];
	_ =	sdelay $0x3  }
0x34: {  	[smem:$0x3FB0] =	sst s10  }
0x35: {  	s10 =	sld [smem:$0x3FAF];
	_ =	sdelay $0x3  }
0x36: {  	p1 =	seq.s32 s10, $0x1;
	s10 =	sld [smem:$0x3FB0];
	_ =	sdelay $0x3  }
0x37: {  	[smem:$0x3FB0] =	sst s10  }
0x38: {  	s10 =	sld [smem:$0x3FB1]  }
0x39: {  	_ = 	snop;
	(pc) =	sbr.ind lr, $3  }
0x3a: {  	_ = 	snop  }
0x3b: {  	_ = 	snop  }
0x3c: {  	p2 =	seq.s32 s10, $0x1;
	s10 =	sld [smem:$0x3FB0]  }
0x3d: {  	_ =	shalt  }
0x3e: {  	_ =	shalt  }
0x3f: {  	_ =	shalt  }
0x40: {  	_ =	shalt  }
0x41: {  	_ =	shalt  }
0x42: {  	_ =	shalt  }
0x43: {  	_ =	shalt  }
0x44: {  	_ =	shalt  }
0x45: {  	_ =	shalt  }
0x46: {  	_ =	shalt  }
0x47: {  	_ =	shalt  }
0x48: {  	_ =	shalt  }
0x49: {  	_ =	shalt  }
0x4a: {  	_ =	shalt  }
0x4b: {  	_ =	shalt  }
0x4c: {  	_ =	shalt  }
0x4d: {  	_ =	shalt  }
0x4e: {  	_ =	shalt  }
0x4f: {  	_ =	shalt  }
0x50: {  	_ =	shalt  }
0x51: {  	_ =	shalt  }
0x52: {  	_ =	shalt  }
0x53: {  	_ =	shalt  }
0x54: {  	_ =	shalt  }
0x55: {  	_ =	shalt  }
0x56: {  	_ =	shalt  }
0x57: {  	_ =	shalt  }
0x58: {  	_ =	shalt  }
0x59: {  	_ =	shalt  }
0x5a: {  	_ =	shalt  }
0x5b: {  	_ =	shalt  }
0x5c: {  	_ =	shalt  }
0x5d: {  	_ =	shalt  }
0x5e: {  	_ =	shalt  }
0x5f: {  	_ =	shalt  }
0x60: {  	_ =	shalt  }
0x61: {  	_ =	shalt  }
0x62: {  	_ =	shalt  }
0x63: {  	_ =	shalt  }
0x64: {  	_ =	shalt  }
0x65: {  	_ =	shalt  }
0x66: {  	_ =	shalt  }
0x67: {  	_ =	shalt  }
0x68: {  	_ =	shalt  }
0x69: {  	_ =	shalt  }
0x6a: {  	_ =	shalt  }
0x6b: {  	_ =	shalt  }
0x6c: {  	_ =	shalt  }
0x6d: {  	_ =	shalt  }
0x6e: {  	_ =	shalt  }
0x6f: {  	_ =	shalt  }
0x70: {  	_ =	shalt  }
0x71: {  	_ =	shalt  }
0x72: {  	_ =	shalt  }
0x73: {  	_ =	shalt  }
0x74: {  	_ =	shalt  }
0x75: {  	_ =	shalt  }
0x76: {  	_ =	shalt  }
0x77: {  	_ =	shalt  }
0x78: {  	_ =	shalt  }
0x79: {  	_ =	shalt  }
0x7a: {  	_ =	shalt  }
0x7b: {  	_ =	shalt  }
0x7c: {  	_ =	shalt  }
0x7d: {  	_ =	shalt  }
0x7e: {  	_ =	shalt  }
0x7f: {  	_ =	shalt  }
0x80: {  	_ =	shalt  }
0x81: {  	_ =	shalt  }
0x82: {  	_ =	shalt  }
0x83: {  	_ =	shalt  }
0x84: {  	_ =	shalt  }
0x85: {  	_ =	shalt  }
0x86: {  	_ =	shalt  }
0x87: {  	_ =	shalt  }
.Lfunc_end0:
.L_simem_size_0:
called_computation.1_lowered:
.L_overlay_start_0:
0x88: {  	s2 =	sld [smem:$0x3FD9]  }
0x89: {  	s3 =	sld [smem:$0x3FFE];
	_ =	sdelay $0x1  }
0x8a: {  	s1 =	srdreg.scid  }
0x8b: {  	s0 =	sand.u32 $0x1, s1  }
0x8c: {  	s16 =	sshll.u32 s0, $0xA;
	s2 =	sadd.s32 s3, s2  }
0x8d: {  	s2 =	sadd.s32 s2, s16  }
0x8e: {  	[smem:$0x3FBC] =	sst s2  }
0x8f: {  	_ = 	snop  }
0x90: {  	(tm) =	ssettm $0x1  }
0x91: {  	s17 =	sld [smem:$0x3FFB];
	_ =	sdelay $0x3  }
0x92: {  	_ =	strace s17  }
0x93: {  	s2 =	sld [smem:$0x3FFC];
	_ =	sdelay $0x3  }
0x94: {  	_ =	strace s2  }
0x95: {  	s2 =	sld [smem:$0x3FFD];
	_ =	sdelay $0x3  }
0x96: {  	_ =	strace s2  }
0x97: {  	_ =	strace $0x8FFFFFFF  }
0x98: {  	s18 =	sld [smem:$0x3FDB];
	_ =	sdelay $0x1  }
0x99: {  	s19 =	simm.s32 $_scs_section_size  }
0x9a: {  	s4 =	simm.s32 $_size__tile_overlayer_lowered;
	s5 =	simm.s32 $_tile_overlayer_lowered  }
0x9b: {  	s22 =	simm.s32 $0x1BFF;
	s21 =	sshll.u32 s5, $0x1;
	s2 =	sadd.s32 s19, s18  }
0x9c: {  	s6 =	simm.s32 $0x0;
	s20 =	sshll.u32 s4, $0x1;
	s4 =	sadd.s32 s21, s2  }
0x9d: {  	[timem:s6], [sflag:s22] =	dma.local [hbm:s4], s20  }
0x9e: {  	_ =	swait.ge [sflag:s22], s20  }
0x9f: {  	s3 =	ssub.s32 $0x0, s20;
	[sflag:s22] =	ssyncset.done $0x0  }
0xa0: {  	[sflag:s22] =	ssyncadd.s32 s3;
	_ =	sdelay $0x1  }
0xa1: {  	s23 =	simm.s32 $0x1B8B  }
0xa2: {  	_ =	swait.ge [sflag:s23], $0x1  }
0xa3: {  	[sflag:s23] =	ssyncset.done $0x0  }
0xa4: {  	s25 =	simm.s32 $0x1B8E;
	s24 =	sld [smem:$0x3FFE];
	[sflag:s23] =	ssyncadd.s32 $0xFFFFFFFF  }
0xa5: {  	s26 =	simm.s32 $execute0_lowered;
	[smem:$0x3FD2] =	sst s25  }
0xa6: {  	s4 =	sshll.u32 s26, $0x1;
	_ =	strace $0x80000049;
	[dreg:$0x1] =	wrdreg $0xFFFFFFFF  }
0xa7: {  	s28 =	simm.s32 $_size_execute0_lowered;
	s2 =	sadd.s32 s2, s4;
	[dreg:$0x0] =	wrdreg $0x0  }
0xa8: {  	s4 =	sshll.u32 s28, $0x1;
	[dreg:$0x2] =	wrdreg s2  }
0xa9: {  	[dreg:$0x3] =	wrdreg s4  }
0xaa: {  	[dreg:$0x4] =	wrdreg $0xC0  }
0xab: {  	_ =	task [dreg:s6], $0x5FFFF  }
0xac: {  	[dreg:$0x1] =	wrdreg $0xFFFFFFFF  }
0xad: {  	[dreg:$0x0] =	wrdreg $0x60  }
0xae: {  	[dreg:$0x2] =	wrdreg s24  }
0xaf: {  	[dreg:$0x3] =	wrdreg $0x9  }
0xb0: {  	_ =	task.clear_ibuf [dreg:s6], $0x4FFFF;
	_ =	strace $0x90000049  }
0xb1: {  	s29 =	simm.s32 $0x9;
	_ =	strace $0x8000004B  }
0xb2: {  	_ =	swait.ge [sflag:s29], $0x1  }
0xb3: {  	[sflag:s29] =	ssyncadd.s32 $0xFFFFFFFF  }
0xb4: {  	_ =	strace $0x9000004B  }
0xb5: {  	_ =	sfence  }
0xb6: {  	s30 =	sld [smem:$0x0];
	_ =	sdelay $0x2  }
0xb7: {  	s31 =	sshll.u32 s1, $0xD;
	s1 =	sshrl.u32 s1, $0x2  }
0xb8: {  	s3 =	sand.u32 $0x4000, s31;
	s1 =	sadd.s32 s1, s30  }
0xb9: {  	s0 =	sor.u32 s3, s0;
	s1 =	sshll.u32 s1, $0x11  }
0xba: {  	s0 =	sor.u32 s1, s0  }
0xbb: {  	s0 =	sadd.s32 $0x8F2B, s0  }
0xbc: {  	[sflag:s0] =	ssyncadd.remote.s32 $0x1  }
0xbd: {  	_ =	sfence.sel $0xFFFF  }
0xbe: {  	[dreg:$0x0] =	wrdreg $0xFFFFFFFF;
	(pc) =	sbr.abs _section_cstart, $3  }
0xbf: {  	[dreg:$0x1] =	wrdreg $0xFFFFFFFF  }
0xc0: {  	_ =	task.clear_ibuf [dreg:s6], $0x2FFFF;
	_ =	strace $0x9FFFFFFF  }
0xc1: {  	(tm) =	ssettm $0x7FFFFFFF  }
tec
execute0_lowered:
.L_overlay_start_1:
0x0: {  	(tag) =	ssettag $0x1  }
0x1: {  	s0 =	rddreg [dreg:$0x0];
	s1 =	simm.s32 $0x0;
	s4 =	srdreg.scid  }
0x2: {  	s10 =	stileid.u32;
	s13 =	simm.s32 $0x3;
	s15 =	simm.s32 $0x100  }
0x3: {  	s29 =	simm.s32 $0x1;
	s30 =	simm.s32 $0x2;
	s20 =	simm.s32 $0x9900  }
0x4: {  	s21 =	simm.s32 $0xA100;
	s22 =	simm.s32 $0xA900;
	s23 =	simm.s32 $0xB100  }
0x5: {  	s24 =	simm.s32 $0xB900;
	s25 =	simm.s32 $0xC100;
	s28 =	simm.s32 $0xD100  }
0x6: {  	s14 =	simm.s32 $0xD900;
	s16 =	simm.s32 $0xE100;
	s17 =	simm.s32 $0xE900  }
0x7: {  	s18 =	simm.s32 $0xF100;
	s19 =	simm.s32 $0xF900;
	[smem:$0x7FF] =	sst s1  }
0x8: {  	s2 =	sadd.s32 $0xC2E00, s0;
	s3 =	sadd.s32 $0x2C00, s0;
	s4 =	sand.u32 $0x1, s4  }
0x9: {  	s5 =	sadd.s32 $0x2A00, s0;
	s6 =	sadd.s32 $0x2E00, s0;
	s7 =	sadd.s32 $0x42E00, s0  }
0xa: {  	s26 =	sshll.u32 s10, $0x7;
	s10 =	sadd.s32 $0xC3000, s0;
	s8 =	ssub.s32 $0x2, s4  }
0xb: {  	s11 =	sadd.s32 $0xC3100, s0;
	s4 =	sshll.u32 s4, $0x6;
	s9 =	sshrl.u32 s8, $0x1  }
0xc: {  	v2 =	vlaneseq.u32;
	_ =	strace $0x8000004A;
	s12 =	ssub.s32 s8, s9;
	s8 =	sor.u32 s4, s26  }
0xd: {  	vm0 =	vmmov $0xffff;
	v1 =	vshrl.u32 v2, $0x3;
	s9 =	sadd.s32 $0xC2F00, s0;
	s0 =	simm.s32 $0x8100;
	s31 =	smax.u32 s12, $0x1  }
0xe: {  	v0 =	vand.u32 $0x7, v2;
	v2 =	vor.u32 $0x8, v2;
	v1 =	vmul.u32 $0x8, v1;
	s26 =	simm.s32 $0xC900;
	s12 =	simm.s32 $0x0;
	[dreg:$0x2] =	wrdreg s31  }
.LBB2_1:
0xf: {  	[dreg:$0x3] =	wrdreg s12;
	p0 =	por $0x1, $0x1;
	s31 =	simm.s32 $0x0  }
.LBB2_2:
0x10: {  	s31 =	sor.u32 s8, s31  }
0x11: {  	s4 =	sshrl.u32 s31, $0x3  }
0x12: {  	s12 =	sadd.s32 s3, s4  }
0x13: {  	[tilespmem:s1], [sflag:$0x3] =	stream.linear.gather [hbm4b:s12+s1], $0x20, $0x38;
	[tilespmem:$0x10100] =	vst v63  }
0x14: {  	_ =	swait.ge [sflag:s13], $0x20  }
0x15: {  	[sflag:s13] =	ssyncset.done $0x0  }
0x16: {  	s4 =	sadd.s32 s5, s4;
	s12 =	simm.s32 $0x80;
	[sflag:s13] =	ssyncadd.s32 $0xFFFFFFE0  }
0x17: {  	[tilespmem:s12], [sflag:$0x3] =	stream.linear.gather [hbm4b:s4+s1], $0x20, $0x38;
	[tilespmem:$0x10100] =	vst v63  }
0x18: {  	_ =	swait.ge [sflag:s13], $0x20  }
0x19: {  	[sflag:s13] =	ssyncset.done $0x0  }
0x1a: {  	[sflag:s13] =	ssyncadd.s32 $0xFFFFFFE0  }
0x1b: {  	v3 =	vld [tilespmem:$0x0];
	_ =	sdelay $0x4  }
0x1c: {  	v4 =	vshll.u32 v3, $0x3  }
0x1d: {  	v3 =	vand.u32 $0x7, v3;
	v4 =	vand.u32 $0xFFFFFFC0, v4  }
0x1e: {  	v3 =	vor.u32 v3, v4  }
0x1f: {  	v4 =	vperm.xlane v3, v0;
	_ =	sdelay $0x1  }
0x20: {  	v4 =	vadd.s32 v1, v4;
	_ =	sdelay $0x4  }
0x21: {  	[tilespmem:s15], [sflag:$0x1] =	stream.indirect_vreg.gather [hbm4b:s2+s1], $0x80, v4, vm0, $0xb8;
	[tilespmem:$0x10100] =	vst v63  }
0x22: {  	s12 =	simm.s32 $0x900;
	v3 =	vperm.xlane v3, v2  }
0x23: {  	[tilespmem:s12], [sflag:$0x1] =	stream.indirect_vreg.gather [hbm4b:s9+s1], $0x80, v4, vm0, $0xb8;
	[tilespmem:$0x10100] =	vst v63  }
0x24: {  	v3 =	vadd.s32 v1, v3;
	s12 =	simm.s32 $0x1100  }
0x25: {  	[tilespmem:s12], [sflag:$0x1] =	stream.indirect_vreg.gather [hbm4b:s10+s1], $0x80, v4, vm0, $0xb8;
	[tilespmem:$0x10100] =	vst v63  }
0x26: {  	s12 =	simm.s32 $0x1900  }
0x27: {  	[tilespmem:s12], [sflag:$0x1] =	stream.indirect_vreg.gather [hbm4b:s11+s1], $0x80, v4, vm0, $0xb8;
	[tilespmem:$0x10100] =	vst v63  }
0x28: {  	s12 =	simm.s32 $0x2100  }
0x29: {  	[tilespmem:s12], [sflag:$0x1] =	stream.indirect_vreg.gather [hbm4b:s2+s1], $0x80, v3, vm0, $0xb8;
	[tilespmem:$0x10100] =	vst v63  }
0x2a: {  	s12 =	simm.s32 $0x2900  }
0x2b: {  	[tilespmem:s12], [sflag:$0x1] =	stream.indirect_vreg.gather [hbm4b:s9+s1], $0x80, v3, vm0, $0xb8;
	[tilespmem:$0x10100] =	vst v63  }
0x2c: {  	s12 =	simm.s32 $0x3100  }
0x2d: {  	[tilespmem:s12], [sflag:$0x1] =	stream.indirect_vreg.gather [hbm4b:s10+s1], $0x80, v3, vm0, $0xb8;
	[tilespmem:$0x10100] =	vst v63  }
0x2e: {  	s12 =	simm.s32 $0x3900  }
0x2f: {  	[tilespmem:s12], [sflag:$0x1] =	stream.indirect_vreg.gather [hbm4b:s11+s1], $0x80, v3, vm0, $0xb8;
	[tilespmem:$0x10100] =	vst v63  }
0x30: {  	v3 =	vld [tilespmem:$0x10];
	_ =	sdelay $0x4  }
0x31: {  	v61 =	vshll.u32 v3, $0x3  }
0x32: {  	v3 =	vand.u32 $0x7, v3;
	v4 =	vand.u32 $0xFFFFFFC0, v61  }
0x33: {  	v3 =	vor.u32 v3, v4  }
0x34: {  	v4 =	vperm.xlane v3, v0;
	_ =	sdelay $0x1  }
0x35: {  	v4 =	vadd.s32 v1, v4;
	_ =	sdelay $0x3  }
0x36: {  	s12 =	simm.s32 $0x4100  }
0x37: {  	[tilespmem:s12], [sflag:$0x1] =	stream.indirect_vreg.gather [hbm4b:s2+s1], $0x80, v4, vm0, $0xb8;
	[tilespmem:$0x10100] =	vst v63  }
0x38: {  	v3 =	vperm.xlane v3, v2;
	s12 =	simm.s32 $0x4900  }
0x39: {  	[tilespmem:s12], [sflag:$0x1] =	stream.indirect_vreg.gather [hbm4b:s9+s1], $0x80, v4, vm0, $0xb8;
	[tilespmem:$0x10100] =	vst v63  }
0x3a: {  	v3 =	vadd.s32 v1, v3;
	s12 =	simm.s32 $0x5100  }
0x3b: {  	[tilespmem:s12], [sflag:$0x1] =	stream.indirect_vreg.gather [hbm4b:s10+s1], $0x80, v4, vm0, $0xb8;
	[tilespmem:$0x10100] =	vst v63  }
0x3c: {  	s12 =	simm.s32 $0x5900  }
0x3d: {  	[tilespmem:s12], [sflag:$0x1] =	stream.indirect_vreg.gather [hbm4b:s11+s1], $0x80, v4, vm0, $0xb8;
	[tilespmem:$0x10100] =	vst v63  }
0x3e: {  	s12 =	simm.s32 $0x6100  }
0x3f: {  	[tilespmem:s12], [sflag:$0x1] =	stream.indirect_vreg.gather [hbm4b:s2+s1], $0x80, v3, vm0, $0xb8;
	[tilespmem:$0x10100] =	vst v63  }
0x40: {  	s12 =	simm.s32 $0x6900  }
0x41: {  	[tilespmem:s12], [sflag:$0x1] =	stream.indirect_vreg.gather [hbm4b:s9+s1], $0x80, v3, vm0, $0xb8;
	[tilespmem:$0x10100] =	vst v63  }
0x42: {  	s12 =	simm.s32 $0x7100  }
0x43: {  	[tilespmem:s12], [sflag:$0x1] =	stream.indirect_vreg.gather [hbm4b:s10+s1], $0x80, v3, vm0, $0xb8;
	[tilespmem:$0x10100] =	vst v63  }
0x44: {  	s12 =	simm.s32 $0x7900  }
0x45: {  	[tilespmem:s12], [sflag:$0x1] =	stream.indirect_vreg.gather [hbm4b:s11+s1], $0x80, v3, vm0, $0xb8;
	[tilespmem:$0x10100] =	vst v63  }
0x46: {  	v3 =	vld [tilespmem:$0x80];
	_ =	sdelay $0x4  }
0x47: {  	v62 =	vshll.u32 v3, $0x3  }
0x48: {  	v3 =	vand.u32 $0x7, v3;
	v4 =	vand.u32 $0xFFFFFFC0, v62  }
0x49: {  	v3 =	vor.u32 v3, v4  }
0x4a: {  	v4 =	vperm.xlane v3, v0;
	_ =	sdelay $0x1  }
0x4b: {  	v4 =	vadd.s32 v1, v4;
	_ =	sdelay $0x4  }
0x4c: {  	[tilespmem:s0], [sflag:$0x2] =	stream.indirect_vreg.gather [hbm4b:s2+s1], $0x80, v4, vm0, $0xb8;
	[tilespmem:$0x10100] =	vst v63  }
0x4d: {  	s12 =	simm.s32 $0x8900;
	v3 =	vperm.xlane v3, v2  }
0x4e: {  	[tilespmem:s12], [sflag:$0x2] =	stream.indirect_vreg.gather [hbm4b:s9+s1], $0x80, v4, vm0, $0xb8;
	[tilespmem:$0x10100] =	vst v63  }
0x4f: {  	v3 =	vadd.s32 v1, v3;
	s12 =	simm.s32 $0x9100  }
0x50: {  	[tilespmem:s12], [sflag:$0x2] =	stream.indirect_vreg.gather [hbm4b:s10+s1], $0x80, v4, vm0, $0xb8;
	[tilespmem:$0x10100] =	vst v63  }
0x51: {  	_ = 	snop  }
0x52: {  	[tilespmem:s20], [sflag:$0x2] =	stream.indirect_vreg.gather [hbm4b:s11+s1], $0x80, v4, vm0, $0xb8;
	[tilespmem:$0x10100] =	vst v63  }
0x53: {  	_ = 	snop  }
0x54: {  	[tilespmem:s21], [sflag:$0x2] =	stream.indirect_vreg.gather [hbm4b:s2+s1], $0x80, v3, vm0, $0xb8;
	[tilespmem:$0x10100] =	vst v63  }
0x55: {  	_ = 	snop  }
0x56: {  	[tilespmem:s22], [sflag:$0x2] =	stream.indirect_vreg.gather [hbm4b:s9+s1], $0x80, v3, vm0, $0xb8;
	[tilespmem:$0x10100] =	vst v63  }
0x57: {  	_ = 	snop  }
0x58: {  	[tilespmem:s23], [sflag:$0x2] =	stream.indirect_vreg.gather [hbm4b:s10+s1], $0x80, v3, vm0, $0xb8;
	[tilespmem:$0x10100] =	vst v63  }
0x59: {  	_ = 	snop  }
0x5a: {  	[tilespmem:s24], [sflag:$0x2] =	stream.indirect_vreg.gather [hbm4b:s11+s1], $0x80, v3, vm0, $0xb8;
	[tilespmem:$0x10100] =	vst v63  }
0x5b: {  	v3 =	vld [tilespmem:$0x90];
	_ =	sdelay $0x4  }
0x5c: {  	v63 =	vshll.u32 v3, $0x3  }
0x5d: {  	v3 =	vand.u32 $0x7, v3;
	v4 =	vand.u32 $0xFFFFFFC0, v63  }
0x5e: {  	v3 =	vor.u32 v3, v4  }
0x5f: {  	v4 =	vperm.xlane v3, v0;
	_ =	sdelay $0x1  }
0x60: {  	v4 =	vadd.s32 v1, v4;
	_ =	sdelay $0x4  }
0x61: {  	[tilespmem:s25], [sflag:$0x2] =	stream.indirect_vreg.gather [hbm4b:s2+s1], $0x80, v4, vm0, $0xb8;
	[tilespmem:$0x10100] =	vst v63  }
0x62: {  	v3 =	vperm.xlane v3, v2  }
0x63: {  	[tilespmem:s26], [sflag:$0x2] =	stream.indirect_vreg.gather [hbm4b:s9+s1], $0x80, v4, vm0, $0xb8;
	[tilespmem:$0x10100] =	vst v63  }
0x64: {  	v3 =	vadd.s32 v1, v3  }
0x65: {  	[tilespmem:s28], [sflag:$0x2] =	stream.indirect_vreg.gather [hbm4b:s10+s1], $0x80, v4, vm0, $0xb8;
	[tilespmem:$0x10100] =	vst v63  }
0x66: {  	_ = 	snop  }
0x67: {  	[tilespmem:s14], [sflag:$0x2] =	stream.indirect_vreg.gather [hbm4b:s11+s1], $0x80, v4, vm0, $0xb8;
	[tilespmem:$0x10100] =	vst v63  }
0x68: {  	_ = 	snop  }
0x69: {  	[tilespmem:s16], [sflag:$0x2] =	stream.indirect_vreg.gather [hbm4b:s2+s1], $0x80, v3, vm0, $0xb8;
	[tilespmem:$0x10100] =	vst v63  }
0x6a: {  	_ = 	snop  }
0x6b: {  	[tilespmem:s17], [sflag:$0x2] =	stream.indirect_vreg.gather [hbm4b:s9+s1], $0x80, v3, vm0, $0xb8;
	[tilespmem:$0x10100] =	vst v63  }
0x6c: {  	_ = 	snop  }
0x6d: {  	[tilespmem:s18], [sflag:$0x2] =	stream.indirect_vreg.gather [hbm4b:s10+s1], $0x80, v3, vm0, $0xb8;
	[tilespmem:$0x10100] =	vst v63  }
0x6e: {  	_ = 	snop  }
0x6f: {  	[tilespmem:s19], [sflag:$0x2] =	stream.indirect_vreg.gather [hbm4b:s11+s1], $0x80, v3, vm0, $0xb8;
	[tilespmem:$0x10100] =	vst v63  }
0x70: {  	_ =	swait.ge [sflag:s29], $0x8000  }
0x71: {  	[sflag:s29] =	ssyncset.done $0x0  }
0x72: {  	[sflag:s29] =	ssyncadd.s32 $0xFFFF8000  }
0x73: {  	_ =	swait.ge [sflag:s30], $0x8000  }
0x74: {  	s4 =	sshll.u32 s31, $0x7;
	[sflag:s30] =	ssyncset.done $0x0  }
0x75: {  	s12 =	sadd.s32 s6, s4;
	[sflag:s30] =	ssyncadd.s32 $0xFFFF8000  }
0x76: {  	[hbm4b:s12+s1] =	stream.linear.scatter [tilespmem:s15], [sflag:$0x3], $0x8000, $0x38;
	[tilespmem:$0x10100] =	vst v63  }
0x77: {  	_ =	swait.ge [sflag:s13], $0x8000  }
0x78: {  	p1 =	por p0, p0;
	[sflag:s13] =	ssyncset.done $0x0  }
.Ltmp0:
0x79: {  	s4 =	sadd.s32 s7, s4;
	[sflag:s13] =	ssyncadd.s32 $0xFFFF8000;
	(pc) =	sbr.rel @p1 .LBB2_2-.Ltmp0, $4  }
0x7a: {  	[hbm4b:s4+s1] =	stream.linear.scatter [tilespmem:s0], [sflag:$0x3], $0x8000, $0x38;
	[tilespmem:$0x10100] =	vst v63  }
0x7b: {  	_ =	swait.ge [sflag:s13], $0x8000  }
0x7c: {  	[sflag:s13] =	ssyncset.done $0x0  }
0x7d: {  	p0 =	por $0x0, $0x0;
	s31 =	simm.s32 $0x20;
	[sflag:s13] =	ssyncadd.s32 $0xFFFF8000  }
0x7e: {  	s12 =	rddreg [dreg:$0x3]  }
0x7f: {  	s4 =	rddreg [dreg:$0x2];
	s12 =	sadd.s32 $0x1, s12  }
0x80: {  	p0 =	sne.s32 s12, s4  }
.Ltmp1:
0x81: {  	_ = 	snop;
	(pc) =	sbr.rel @p0 .LBB2_1-.Ltmp1, $1  }
0x82: {  	_ =	sdelay $0x3  }
0x83: {  	_ =	sfence.sel $0x180000  }
0x84: {  	[bflag:$0x0] =	sbarrier.arrive $0xFFFF  }
0x85: {  	_ =	strace $0x9000004A  }
0x86: {  	s0 =	stileid.u32;
	[bflag:$0x2] =	sbarrier.arrive $0xFFFF  }
0x87: {  	p0 =	sne.s32 s0, $0x0;
	s0 =	rddreg [dreg:$0x1]  }
0x88: {  	s0 =	sadd.s32 @!p0 $0x100000, s0  }
0x89: {  	[sflag:s0] =	ssyncadd.tile.s32 @!p0 $0x1;
	_ =	shalt  }
.Lfunc_end2:
_tile_overlayer_lowered:
.L_overlay_start_2:
0x8a: {  	(tag) =	ssettag $0x2  }
0x8b: {  	s0 =	rddreg [dreg:$0x0];
	s2 =	stileid.u32  }
0x8c: {  	s1 =	rddreg [dreg:$0x1];
	p0 =	sne.s32 s2, $0x0  }
0x8d: {  	s3 =	rddreg [dreg:$0x2];
	[bflag:$0x3] =	sbarrier.arrive $0xFFFF;
	s2 =	simm.s32 @!p0 $0x1C03  }
0x8e: {  	[timem:s3], [sflag:s2] =	dma.local @!p0 [hbm:s0], s1  }
0x8f: {  	s0 =	simm.s32 @!p0 $0x3  }
0x90: {  	_ =	swait.ge @!p0 [sflag:s0], s1  }
0x91: {  	s1 =	ssub.s32 @!p0 $0x0, s1;
	[sflag:s0] =	ssyncset.done @!p0 $0x0  }
0x92: {  	[sflag:s0] =	ssyncadd.s32 @!p0 s1  }
0x93: {  	[bflag:$0x3] =	sbarrier.arrive $0xFFFF  }
0x94: {  	_ =	shalt  }

</sc_bundles>
